<compile_context>
chip_gen: v7x
topology: tpu7x:2x2x1
jax: 0.10.2.dev20260603
libtpu: 0.0.44.dev20260713+nightly
codegen_flags: <defaults>
</compile_context>

<pallas_src>
import jax
import jax.numpy as jnp
from jax import lax
from jax.experimental import pallas as pl
from jax.experimental.pallas import tpu as pltpu
from jax.experimental.pallas import tpu_sc as plsc

N_NODES = 10000
NUM_GRAPHS = 4
N_EDGES = 320000
F = 16

NC, NS = 2, 16
NW = NC * NS
BLK = 128
K = -(-N_EDGES // (NW * BLK * 8)) * 8
ROWS = K * NW
E_PAD = ROWS * BLK
NPAD = 10240
ZPT = NPAD // NS

_MESH = plsc.VectorSubcoreMesh(
    core_axis_name="c", subcore_axis_name="s", num_cores=NC, num_subcores=NS
)


CHB = 128
NBLK = K * BLK // CHB
NBUF = 4
NRING = 2 * NBUF
KS = NBLK // NRING


def _edge_body(table, src3d, dst3d, zeros, out, src_v, dst_v, bufs, acc,
               tab_sh, gsem, ssem):
    c = lax.axis_index("c")
    s = lax.axis_index("s")
    wid = c * NS + s
    z0 = s * ZPT
    pltpu.sync_copy(zeros.at[pl.ds(z0, ZPT)], acc.at[pl.ds(z0, ZPT)])
    pltpu.sync_copy(table.at[pl.ds(z0, ZPT)], tab_sh.at[pl.ds(z0, ZPT)])
    pltpu.sync_copy(src3d.at[wid], src_v)
    pltpu.sync_copy(dst3d.at[wid], dst_v)
    plsc.subcore_barrier()

    def gather(j, b):
        pltpu.async_copy(tab_sh.at[src_v.at[j]], bufs.at[b], gsem.at[b])

    def gather_wait(j, b):
        pltpu.make_async_copy(tab_sh.at[src_v.at[j]], bufs.at[b],
                              gsem.at[b]).wait()

    def scatter(j, b):
        pltpu.async_copy(bufs.at[b], acc.at[dst_v.at[j]], ssem.at[b],
                         add=True)

    def scatter_wait(j, b):
        pltpu.make_async_copy(bufs.at[b], acc.at[dst_v.at[j]],
                              ssem.at[b]).wait()

    for b in range(NBUF):
        gather(b, b)

    def step(sb, carry):
        for b in range(NRING):
            j = sb * NRING + b
            gather_wait(j, b)
            scatter(j, b)
            b4 = (b + NBUF) % NRING

            @pl.when(j >= NBUF)
            def _drain(j=j, b4=b4):
                scatter_wait(j - NBUF, b4)

            @pl.when(j + NBUF < NBLK)
            def _prefetch(j=j, b4=b4):
                gather(j + NBUF, b4)
        return carry

    lax.fori_loop(0, KS, step, 0)
    for b in range(NBUF):
        j = (KS - 1) * NRING + NBUF + b
        scatter_wait(j, (j % NRING))
    plsc.subcore_barrier()
    pltpu.sync_copy(acc.at[pl.ds(z0, ZPT)], out.at[pl.ds(c * NPAD + z0, ZPT)])


NSEM4 = 4
KS4 = NBLK // NSEM4


def _deg_body(ones, dst3d, zeros, out, dst_v, rows_v, acc, sems):
    c = lax.axis_index("c")
    s = lax.axis_index("s")
    wid = c * NS + s
    z0 = s * ZPT
    pltpu.sync_copy(zeros.at[pl.ds(z0, ZPT)], acc.at[pl.ds(z0, ZPT)])
    pltpu.sync_copy(dst3d.at[wid], dst_v)
    pltpu.sync_copy(ones, rows_v)
    plsc.subcore_barrier()

    def didx(j):
        return acc.at[dst_v.at[j]]

    def step(sb, carry):
        for b in range(NSEM4):
            j = sb * NSEM4 + b

            @pl.when(sb > 0)
            def _drain(j=j, b=b):
                pltpu.make_async_copy(rows_v, didx(j - NSEM4),
                                      sems.at[b]).wait()

            pltpu.async_copy(rows_v, didx(j), sems.at[b], add=True)
        return carry

    lax.fori_loop(0, KS4, step, 0)
    for b in range(NSEM4):
        pltpu.make_async_copy(rows_v, didx((KS4 - 1) * NSEM4 + b),
                              sems.at[b]).wait()
    plsc.subcore_barrier()
    pltpu.sync_copy(acc.at[pl.ds(z0, ZPT)], out.at[pl.ds(c * NPAD + z0, ZPT)])


_edge_pass = pl.kernel(
    _edge_body,
    out_type=jax.ShapeDtypeStruct((NC * NPAD, F), jnp.float32),
    mesh=_MESH,
    compiler_params=pltpu.CompilerParams(use_tc_tiling_on_sc=False),
    scratch_types=[
        pltpu.VMEM((NBLK, CHB), jnp.int32),
        pltpu.VMEM((NBLK, CHB), jnp.int32),
        pltpu.VMEM((NRING, CHB, F), jnp.float32),
        pltpu.VMEM_SHARED((NPAD, F), jnp.float32),
        pltpu.VMEM_SHARED((NPAD, F), jnp.float32),
        pltpu.SemaphoreType.DMA((NRING,)),
        pltpu.SemaphoreType.DMA((NRING,)),
    ],
)

_deg_pass = pl.kernel(
    _deg_body,
    out_type=jax.ShapeDtypeStruct((NC * NPAD,), jnp.float32),
    mesh=_MESH,
    compiler_params=pltpu.CompilerParams(use_tc_tiling_on_sc=False),
    scratch_types=[
        pltpu.VMEM((NBLK, CHB), jnp.int32),
        pltpu.VMEM((CHB,), jnp.float32),
        pltpu.VMEM_SHARED((NPAD,), jnp.float32),
        pltpu.SemaphoreType.DMA((NSEM4,)),
    ],
)


def _prep1_body(x_ref, w1_ref, degp_ref, g1_ref, r_ref):
    cnt = degp_ref[0:N_NODES, 0:1] + degp_ref[NPAD:NPAD + N_NODES, 0:1]
    r = lax.rsqrt(cnt + 1.0)
    h = jnp.dot(x_ref[...], w1_ref[...], preferred_element_type=jnp.float32)
    g1_ref[0:N_NODES] = h * r
    r_ref[...] = r


def _prep2_body(accp_ref, g1_ref, r_ref, w2p_ref, b1_ref, g2_ref):
    r = r_ref[...]
    acc = (accp_ref[0:N_NODES] + accp_ref[NPAD:NPAD + N_NODES]
           + g1_ref[0:N_NODES])
    h = jnp.maximum(acc * r + b1_ref[...], 0.0)
    g2_ref[0:N_NODES] = (
        jnp.dot(h, w2p_ref[...], preferred_element_type=jnp.float32) * r)


def _final_body(accp_ref, g2_ref, r_ref, b2p_ref, batch_ref, wfc_ref, bfc_ref,
                out_ref):
    r = r_ref[...]
    acc = (accp_ref[0:N_NODES] + accp_ref[NPAD:NPAD + N_NODES]
           + g2_ref[0:N_NODES])
    h2 = jnp.maximum(acc * r + b2p_ref[...], 0.0)[:, 0:NUM_GRAPHS]
    gids = lax.broadcasted_iota(jnp.int32, (N_NODES, NUM_GRAPHS), 1)
    oh = (batch_ref[...] == gids).astype(jnp.float32)
    pooled = lax.dot_general(oh, h2, (((0,), (0,)), ((), ())),
                             preferred_element_type=jnp.float32)
    out = pooled @ wfc_ref[...] + bfc_ref[...]
    out_ref[...] = jax.nn.sigmoid(out)


_prep1 = pl.pallas_call(
    _prep1_body,
    out_shape=[
        jax.ShapeDtypeStruct((NPAD, F), jnp.float32),
        jax.ShapeDtypeStruct((N_NODES, 1), jnp.float32),
    ],
)

_prep2 = pl.pallas_call(
    _prep2_body,
    out_shape=jax.ShapeDtypeStruct((NPAD, F), jnp.float32),
)

_final = pl.pallas_call(
    _final_body,
    out_shape=jax.ShapeDtypeStruct((NUM_GRAPHS, 1), jnp.float32),
)


def kernel(x, edge_index, batch, W1, b1, W2, b2, Wfc, bfc):
    ei = edge_index.astype(jnp.int32)
    pad = E_PAD - N_EDGES
    src3d = jnp.concatenate(
        [ei[0], jnp.zeros((pad,), jnp.int32)]).reshape(NW, NBLK, CHB)
    dst3d = jnp.concatenate(
        [ei[1], jnp.full((pad,), N_NODES, jnp.int32)]).reshape(NW, NBLK, CHB)
    zeros = jnp.zeros((NPAD, F), jnp.float32)
    zeros1 = jnp.zeros((NPAD,), jnp.float32)
    ones1 = jnp.ones((CHB,), jnp.float32)
    w2p = jnp.pad(W2, ((0, 0), (0, F - NUM_GRAPHS)))
    b1r = b1.reshape(1, F)
    b2p = jnp.pad(b2, (0, F - NUM_GRAPHS)).reshape(1, F)
    batch2d = batch.astype(jnp.int32).reshape(N_NODES, 1)

    degp = _deg_pass(ones1, dst3d, zeros1).reshape(NC * NPAD, 1)
    g1, r = _prep1(x, W1, degp)
    acc1p = _edge_pass(g1, src3d, dst3d, zeros)
    g2 = _prep2(acc1p, g1, r, w2p, b1r)
    acc2p = _edge_pass(g2, src3d, dst3d, zeros)
    return _final(acc2p, g2, r, b2p, batch2d, Wfc, bfc.reshape(1, 1))

# --- scband reference (transcript-rebuilt; emitter-appended) ---
"""Pipeline reference for scband-net-36593121362456 (READ-ONLY COPY).

The authoritative reference and input builder live on the scoring server;
editing this copy changes nothing except your own understanding.
"""

import jax, jax.numpy as jnp
import numpy as np

N_NODES = 10000
NUM_GRAPHS = 4


def gcn_conv(x, edge_index, W, b, num_nodes):
    src = edge_index[0]
    dst = edge_index[1]
    loop = jnp.arange(num_nodes, dtype=edge_index.dtype)
    src = jnp.concatenate([src, loop])
    dst = jnp.concatenate([dst, loop])
    deg = jnp.zeros((num_nodes,), dtype=x.dtype).at[dst].add(1.0)
    deg_inv_sqrt = deg ** -0.5
    deg_inv_sqrt = jnp.where(jnp.isinf(deg_inv_sqrt), 0.0, deg_inv_sqrt)
    norm = deg_inv_sqrt[src] * deg_inv_sqrt[dst]
    h = x @ W
    msg = h[src] * norm[:, None]
    out = jnp.zeros((num_nodes, W.shape[1]), dtype=x.dtype).at[dst].add(msg)
    return out + b


def setup_inputs(seed: int = 0) -> dict:
    key = jax.random.key(seed)
    k1, k2, k3, k4, k5, k6, k7, k8, k9 = jax.random.split(key, 9)
    x = jax.random.normal(k1, (N_NODES, 128), dtype=jnp.float32)
    edge_index = jax.random.randint(k2, (2, 320000), 0, N_NODES, dtype=jnp.int64)
    batch = jnp.sort(jax.random.randint(k3, (N_NODES,), 0, NUM_GRAPHS, dtype=jnp.int64))
    # GCNConv glorot init for weights, zeros for bias (PyG default)
    W1 = jax.random.normal(k4, (128, 16), dtype=jnp.float32) * (2.0 / (128 + 16)) ** 0.5
    b1 = jnp.zeros((16,), dtype=jnp.float32)
    W2 = jax.random.normal(k5, (16, NUM_GRAPHS), dtype=jnp.float32) * (2.0 / (16 + NUM_GRAPHS)) ** 0.5
    b2 = jnp.zeros((NUM_GRAPHS,), dtype=jnp.float32)
    Wfc = jax.random.normal(k6, (NUM_GRAPHS, 1), dtype=jnp.float32) * (1.0 / NUM_GRAPHS) ** 0.5
    bfc = jnp.zeros((1,), dtype=jnp.float32)
    return {"x": x, "edge_index": edge_index, "batch": batch, "W1": W1, "b1": b1, "W2": W2, "b2": b2, "Wfc": Wfc, "bfc": bfc}


def reference(x, edge_index, batch, W1, b1, W2, b2, Wfc, bfc):
    h = gcn_conv(x, edge_index, W1, b1, N_NODES)
    h = jax.nn.relu(h)
    # dropout is identity in eval mode
    h = gcn_conv(h, edge_index, W2, b2, N_NODES)
    h = jax.nn.relu(h)
    pooled = jax.ops.segment_sum(h, batch, num_segments=NUM_GRAPHS)
    out = pooled @ Wfc + bfc
    return jax.nn.sigmoid(out)

if __name__ == "__main__":
    import jax
    _d = setup_inputs()
    print(jax.jit(kernel)(*tuple(_d.values())))

</pallas_src>

<mosaic_0001>
#map = affine_map<(d0, d1) -> (0)>
#map1 = affine_map<(d0, d1) -> (0, 0, 0)>
module attributes {stable_mosaic.version = 14 : i64} {
  func.func @_deg_body(%arg0: i32, %arg1: i32, %arg2: memref<128xf32, #tpu.memory_space<hbm>>, %arg3: memref<32x80x128xi32, #tpu.memory_space<hbm>>, %arg4: memref<10240xf32, #tpu.memory_space<hbm>>, %arg5: memref<20480xf32, #tpu.memory_space<hbm>>, %arg6: memref<80x128xi32, #tpu.memory_space<vmem>>, %arg7: memref<128xf32, #tpu.memory_space<vmem>>, %arg8: memref<10240xf32, #tpu.memory_space<vmem_shared>>, %arg9: memref<4x!tpu.dma_semaphore, #tpu.memory_space<semaphore_mem>>) attributes {dimension_semantics = [#tpu.dimension_semantics<core_parallel>, #tpu.dimension_semantics<subcore_parallel>], iteration_bounds = array<i64: 2, 16>, scalar_prefetch = 0 : i64, scratch_operands = 4 : i64, tpu.core_type = #tpu.core_type<sc_vector_subcore>, window_params = [{transform_indices = #map}, {transform_indices = #map1}, {transform_indices = #map}, {transform_indices = #map}]} {
    %mul3A = arith.constant 16 : i32
    %mul3A_0 = arith.muli %arg0, %mul3A : i32
    %add3A = arith.addi %mul3A_0, %arg1 : i32
    %mul3A_1 = arith.constant 640 : i32
    %mul3A_2 = arith.muli %arg1, %mul3A_1 : i32
    "tpu.region"() ({
      %run_scoped3A = tpu.sem_alloc : memref<!tpu.dma_semaphore, #tpu.memory_space<semaphore_mem>>
      %dma_start3A = tpu.memref_slice %arg8[%mul3A_2] : memref<10240xf32, #tpu.memory_space<vmem_shared>> -> memref<640xf32, #tpu.memory_space<vmem_shared>>
      %dma_start3A_47 = tpu.memref_slice %arg4[%mul3A_2] : memref<10240xf32, #tpu.memory_space<hbm>> -> memref<640xf32, #tpu.memory_space<hbm>>
      tpu.enqueue_dma source(%dma_start3A_47 : memref<640xf32, #tpu.memory_space<hbm>>) target(%dma_start3A : memref<640xf32, #tpu.memory_space<vmem_shared>>) target_semaphore(%run_scoped3A : memref<!tpu.dma_semaphore, #tpu.memory_space<semaphore_mem>>)
      %dma_wait3A_48 = tpu.memref_slice %arg8[%mul3A_2] : memref<10240xf32, #tpu.memory_space<vmem_shared>> -> memref<640xf32, #tpu.memory_space<vmem_shared>>
      %dma_wait3A_49 = tpu.memref_slice %arg4[%mul3A_2] : memref<10240xf32, #tpu.memory_space<hbm>> -> memref<640xf32, #tpu.memory_space<hbm>>
      tpu.wait_dma2 semaphore(%run_scoped3A : memref<!tpu.dma_semaphore, #tpu.memory_space<semaphore_mem>>) src(%dma_wait3A_49 : memref<640xf32, #tpu.memory_space<hbm>>) dst(%dma_wait3A_48 : memref<640xf32, #tpu.memory_space<vmem_shared>>)
      tpu.yield
    }) : () -> ()
    "tpu.region"() ({
      %run_scoped3A = tpu.sem_alloc : memref<!tpu.dma_semaphore, #tpu.memory_space<semaphore_mem>>
      %dma_start3A = arith.constant 0 : i32
      %dma_start3A_47 = arith.constant 0 : i32
      %dma_start3A_48 = tpu.memref_slice %arg3[%add3A, %dma_start3A, %dma_start3A_47] : memref<32x80x128xi32, #tpu.memory_space<hbm>> -> memref<1x80x128xi32, #tpu.memory_space<hbm>>
      %dma_start3A_49 = tpu.memref_squeeze %dma_start3A_48 : memref<1x80x128xi32, #tpu.memory_space<hbm>> -> memref<80x128xi32, #tpu.memory_space<hbm>>
      %dma_start3A_50 = arith.constant 0 : i32
      %dma_start3A_51 = arith.constant 0 : i32
      %dma_start3A_52 = tpu.memref_slice %arg3[%add3A, %dma_start3A_50, %dma_start3A_51] : memref<32x80x128xi32, #tpu.memory_space<hbm>> -> memref<1x80x128xi32, #tpu.memory_space<hbm>>
      %dma_start3A_53 = tpu.memref_squeeze %dma_start3A_52 : memref<1x80x128xi32, #tpu.memory_space<hbm>> -> memref<80x128xi32, #tpu.memory_space<hbm>>
      tpu.enqueue_dma source(%dma_start3A_53 : memref<80x128xi32, #tpu.memory_space<hbm>>) target(%arg6 : memref<80x128xi32, #tpu.memory_space<vmem>>) target_semaphore(%run_scoped3A : memref<!tpu.dma_semaphore, #tpu.memory_space<semaphore_mem>>)
      %dma_wait3A_54 = arith.constant 0 : i32
      %dma_wait3A_55 = arith.constant 0 : i32
      %dma_wait3A_56 = tpu.memref_slice %arg3[%add3A, %dma_wait3A_54, %dma_wait3A_55] : memref<32x80x128xi32, #tpu.memory_space<hbm>> -> memref<1x80x128xi32, #tpu.memory_space<hbm>>
      %dma_wait3A_57 = tpu.memref_squeeze %dma_wait3A_56 : memref<1x80x128xi32, #tpu.memory_space<hbm>> -> memref<80x128xi32, #tpu.memory_space<hbm>>
      %dma_wait3A_58 = arith.constant 0 : i32
      %dma_wait3A_59 = arith.constant 0 : i32
      %dma_wait3A_60 = tpu.memref_slice %arg3[%add3A, %dma_wait3A_58, %dma_wait3A_59] : memref<32x80x128xi32, #tpu.memory_space<hbm>> -> memref<1x80x128xi32, #tpu.memory_space<hbm>>
      %dma_wait3A_61 = tpu.memref_squeeze %dma_wait3A_60 : memref<1x80x128xi32, #tpu.memory_space<hbm>> -> memref<80x128xi32, #tpu.memory_space<hbm>>
      tpu.wait_dma2 semaphore(%run_scoped3A : memref<!tpu.dma_semaphore, #tpu.memory_space<semaphore_mem>>) src(%dma_wait3A_61 : memref<80x128xi32, #tpu.memory_space<hbm>>) dst(%arg6 : memref<80x128xi32, #tpu.memory_space<vmem>>)
      tpu.yield
    }) : () -> ()
    "tpu.region"() ({
      %run_scoped3A = tpu.sem_alloc : memref<!tpu.dma_semaphore, #tpu.memory_space<semaphore_mem>>
      tpu.enqueue_dma source(%arg2 : memref<128xf32, #tpu.memory_space<hbm>>) target(%arg7 : memref<128xf32, #tpu.memory_space<vmem>>) target_semaphore(%run_scoped3A : memref<!tpu.dma_semaphore, #tpu.memory_space<semaphore_mem>>)
      tpu.wait_dma2 semaphore(%run_scoped3A : memref<!tpu.dma_semaphore, #tpu.memory_space<semaphore_mem>>) src(%arg2 : memref<128xf32, #tpu.memory_space<hbm>>) dst(%arg7 : memref<128xf32, #tpu.memory_space<vmem>>)
      tpu.yield
    }) : () -> ()
    %barrier3A = arith.constant 0 : index
    tpu.barrier barrier_id(%barrier3A)
    %scan3A = arith.constant 0 : i32
    %scan3A_3 = arith.constant 0 : i32
    %scan3A_4 = arith.constant 20 : i32
    %scan3A_5 = arith.addi %scan3A_3, %scan3A_4 : i32
    %scan3A_6 = arith.constant 1 : i32
    scf.for %scan3A_47 = %scan3A_3 to %scan3A_5 step %scan3A_6  : i32 {
      %mul3A_48 = arith.constant 4 : i32
      %mul3A_49 = arith.muli %scan3A_47, %mul3A_48 : i32
      %add3A_50 = arith.constant 0 : i32
      %add3A_51 = arith.addi %mul3A_49, %add3A_50 : i32
      %gt3A = arith.constant 0 : i32
      %gt3A_52 = arith.cmpi sgt, %scan3A_47, %gt3A : i32
      %convert_element_type3A = arith.extui %gt3A_52 : i1 to i32
      %cond3A = arith.constant 0 : i32
      %cond3A_53 = arith.cmpi ne, %convert_element_type3A, %cond3A : i32
      scf.if %cond3A_53 {
        %sub3A = arith.constant 4 : i32
        %sub3A_112 = arith.subi %add3A_51, %sub3A : i32
        %dma_wait3A_113 = arith.constant 0 : i32
        %dma_wait3A_114 = arith.constant 0 : i32
        %dma_wait3A_115 = tpu.memref_slice %arg6[%sub3A_112, %dma_wait3A_114] : memref<80x128xi32, #tpu.memory_space<vmem>> -> memref<1x128xi32, #tpu.memory_space<vmem>>
        %dma_wait3A_116 = tpu.memref_squeeze %dma_wait3A_115 : memref<1x128xi32, #tpu.memory_space<vmem>> -> memref<128xi32, #tpu.memory_space<vmem>>
        %dma_wait3A_117 = arith.constant 0 : i32
        %dma_wait3A_118 = tpu.memref_slice %arg8[%dma_wait3A_117] : memref<10240xf32, #tpu.memory_space<vmem_shared>> -> memref<10240xf32, #tpu.memory_space<vmem_shared>>
        %dma_wait3A_119 = tpu.memref_slice %arg9[%dma_wait3A_113] : memref<4x!tpu.dma_semaphore, #tpu.memory_space<semaphore_mem>> -> memref<1x!tpu.dma_semaphore, #tpu.memory_space<semaphore_mem>>
        %dma_wait3A_120 = tpu.memref_squeeze %dma_wait3A_119 : memref<1x!tpu.dma_semaphore, #tpu.memory_space<semaphore_mem>> -> memref<!tpu.dma_semaphore, #tpu.memory_space<semaphore_mem>>
        tpu.wait_indirect_dma semaphore(%dma_wait3A_120 : memref<!tpu.dma_semaphore, #tpu.memory_space<semaphore_mem>>) src(%arg7 : memref<128xf32, #tpu.memory_space<vmem>>) dst(%dma_wait3A_118 : memref<10240xf32, #tpu.memory_space<vmem_shared>>)
      } else {
      }
      %dma_start3A = arith.constant 0 : i32
      %dma_start3A_54 = arith.constant 0 : i32
      %dma_start3A_55 = tpu.memref_slice %arg6[%add3A_51, %dma_start3A_54] : memref<80x128xi32, #tpu.memory_space<vmem>> -> memref<1x128xi32, #tpu.memory_space<vmem>>
      %dma_start3A_56 = tpu.memref_squeeze %dma_start3A_55 : memref<1x128xi32, #tpu.memory_space<vmem>> -> memref<128xi32, #tpu.memory_space<vmem>>
      %dma_start3A_57 = arith.constant 0 : i32
      %dma_start3A_58 = tpu.memref_slice %arg8[%dma_start3A_57] : memref<10240xf32, #tpu.memory_space<vmem_shared>> -> memref<10240xf32, #tpu.memory_space<vmem_shared>>
      %dma_start3A_59 = tpu.memref_slice %arg9[%dma_start3A] : memref<4x!tpu.dma_semaphore, #tpu.memory_space<semaphore_mem>> -> memref<1x!tpu.dma_semaphore, #tpu.memory_space<semaphore_mem>>
      %dma_start3A_60 = tpu.memref_squeeze %dma_start3A_59 : memref<1x!tpu.dma_semaphore, #tpu.memory_space<semaphore_mem>> -> memref<!tpu.dma_semaphore, #tpu.memory_space<semaphore_mem>>
      tpu.enqueue_indirect_dma source(%arg7 : memref<128xf32, #tpu.memory_space<vmem>>) target(%dma_start3A_58 : memref<10240xf32, #tpu.memory_space<vmem_shared>>) offsets(%dma_start3A_56 : memref<128xi32, #tpu.memory_space<vmem>>) semaphore(%dma_start3A_60 : memref<!tpu.dma_semaphore, #tpu.memory_space<semaphore_mem>>) {add = true}
      %mul3A_61 = arith.constant 4 : i32
      %mul3A_62 = arith.muli %scan3A_47, %mul3A_61 : i32
      %add3A_63 = arith.constant 1 : i32
      %add3A_64 = arith.addi %mul3A_62, %add3A_63 : i32
      %gt3A_65 = arith.constant 0 : i32
      %gt3A_66 = arith.cmpi sgt, %scan3A_47, %gt3A_65 : i32
      %convert_element_type3A_67 = arith.extui %gt3A_66 : i1 to i32
      %cond3A_68 = arith.constant 0 : i32
      %cond3A_69 = arith.cmpi ne, %convert_element_type3A_67, %cond3A_68 : i32
      scf.if %cond3A_69 {
        %sub3A = arith.constant 4 : i32
        %sub3A_112 = arith.subi %add3A_64, %sub3A : i32
        %dma_wait3A_113 = arith.constant 1 : i32
        %dma_wait3A_114 = arith.constant 0 : i32
        %dma_wait3A_115 = tpu.memref_slice %arg6[%sub3A_112, %dma_wait3A_114] : memref<80x128xi32, #tpu.memory_space<vmem>> -> memref<1x128xi32, #tpu.memory_space<vmem>>
        %dma_wait3A_116 = tpu.memref_squeeze %dma_wait3A_115 : memref<1x128xi32, #tpu.memory_space<vmem>> -> memref<128xi32, #tpu.memory_space<vmem>>
        %dma_wait3A_117 = arith.constant 0 : i32
        %dma_wait3A_118 = tpu.memref_slice %arg8[%dma_wait3A_117] : memref<10240xf32, #tpu.memory_space<vmem_shared>> -> memref<10240xf32, #tpu.memory_space<vmem_shared>>
        %dma_wait3A_119 = tpu.memref_slice %arg9[%dma_wait3A_113] : memref<4x!tpu.dma_semaphore, #tpu.memory_space<semaphore_mem>> -> memref<1x!tpu.dma_semaphore, #tpu.memory_space<semaphore_mem>>
        %dma_wait3A_120 = tpu.memref_squeeze %dma_wait3A_119 : memref<1x!tpu.dma_semaphore, #tpu.memory_space<semaphore_mem>> -> memref<!tpu.dma_semaphore, #tpu.memory_space<semaphore_mem>>
        tpu.wait_indirect_dma semaphore(%dma_wait3A_120 : memref<!tpu.dma_semaphore, #tpu.memory_space<semaphore_mem>>) src(%arg7 : memref<128xf32, #tpu.memory_space<vmem>>) dst(%dma_wait3A_118 : memref<10240xf32, #tpu.memory_space<vmem_shared>>)
      } else {
      }
      %dma_start3A_70 = arith.constant 1 : i32
      %dma_start3A_71 = arith.constant 0 : i32
      %dma_start3A_72 = tpu.memref_slice %arg6[%add3A_64, %dma_start3A_71] : memref<80x128xi32, #tpu.memory_space<vmem>> -> memref<1x128xi32, #tpu.memory_space<vmem>>
      %dma_start3A_73 = tpu.memref_squeeze %dma_start3A_72 : memref<1x128xi32, #tpu.memory_space<vmem>> -> memref<128xi32, #tpu.memory_space<vmem>>
      %dma_start3A_74 = arith.constant 0 : i32
      %dma_start3A_75 = tpu.memref_slice %arg8[%dma_start3A_74] : memref<10240xf32, #tpu.memory_space<vmem_shared>> -> memref<10240xf32, #tpu.memory_space<vmem_shared>>
      %dma_start3A_76 = tpu.memref_slice %arg9[%dma_start3A_70] : memref<4x!tpu.dma_semaphore, #tpu.memory_space<semaphore_mem>> -> memref<1x!tpu.dma_semaphore, #tpu.memory_space<semaphore_mem>>
      %dma_start3A_77 = tpu.memref_squeeze %dma_start3A_76 : memref<1x!tpu.dma_semaphore, #tpu.memory_space<semaphore_mem>> -> memref<!tpu.dma_semaphore, #tpu.memory_space<semaphore_mem>>
      tpu.enqueue_indirect_dma source(%arg7 : memref<128xf32, #tpu.memory_space<vmem>>) target(%dma_start3A_75 : memref<10240xf32, #tpu.memory_space<vmem_shared>>) offsets(%dma_start3A_73 : memref<128xi32, #tpu.memory_space<vmem>>) semaphore(%dma_start3A_77 : memref<!tpu.dma_semaphore, #tpu.memory_space<semaphore_mem>>) {add = true}
      %mul3A_78 = arith.constant 4 : i32
      %mul3A_79 = arith.muli %scan3A_47, %mul3A_78 : i32
      %add3A_80 = arith.constant 2 : i32
      %add3A_81 = arith.addi %mul3A_79, %add3A_80 : i32
      %gt3A_82 = arith.constant 0 : i32
      %gt3A_83 = arith.cmpi sgt, %scan3A_47, %gt3A_82 : i32
      %convert_element_type3A_84 = arith.extui %gt3A_83 : i1 to i32
      %cond3A_85 = arith.constant 0 : i32
      %cond3A_86 = arith.cmpi ne, %convert_element_type3A_84, %cond3A_85 : i32
      scf.if %cond3A_86 {
        %sub3A = arith.constant 4 : i32
        %sub3A_112 = arith.subi %add3A_81, %sub3A : i32
        %dma_wait3A_113 = arith.constant 2 : i32
        %dma_wait3A_114 = arith.constant 0 : i32
        %dma_wait3A_115 = tpu.memref_slice %arg6[%sub3A_112, %dma_wait3A_114] : memref<80x128xi32, #tpu.memory_space<vmem>> -> memref<1x128xi32, #tpu.memory_space<vmem>>
        %dma_wait3A_116 = tpu.memref_squeeze %dma_wait3A_115 : memref<1x128xi32, #tpu.memory_space<vmem>> -> memref<128xi32, #tpu.memory_space<vmem>>
        %dma_wait3A_117 = arith.constant 0 : i32
        %dma_wait3A_118 = tpu.memref_slice %arg8[%dma_wait3A_117] : memref<10240xf32, #tpu.memory_space<vmem_shared>> -> memref<10240xf32, #tpu.memory_space<vmem_shared>>
        %dma_wait3A_119 = tpu.memref_slice %arg9[%dma_wait3A_113] : memref<4x!tpu.dma_semaphore, #tpu.memory_space<semaphore_mem>> -> memref<1x!tpu.dma_semaphore, #tpu.memory_space<semaphore_mem>>
        %dma_wait3A_120 = tpu.memref_squeeze %dma_wait3A_119 : memref<1x!tpu.dma_semaphore, #tpu.memory_space<semaphore_mem>> -> memref<!tpu.dma_semaphore, #tpu.memory_space<semaphore_mem>>
        tpu.wait_indirect_dma semaphore(%dma_wait3A_120 : memref<!tpu.dma_semaphore, #tpu.memory_space<semaphore_mem>>) src(%arg7 : memref<128xf32, #tpu.memory_space<vmem>>) dst(%dma_wait3A_118 : memref<10240xf32, #tpu.memory_space<vmem_shared>>)
      } else {
      }
      %dma_start3A_87 = arith.constant 2 : i32
      %dma_start3A_88 = arith.constant 0 : i32
      %dma_start3A_89 = tpu.memref_slice %arg6[%add3A_81, %dma_start3A_88] : memref<80x128xi32, #tpu.memory_space<vmem>> -> memref<1x128xi32, #tpu.memory_space<vmem>>
      %dma_start3A_90 = tpu.memref_squeeze %dma_start3A_89 : memref<1x128xi32, #tpu.memory_space<vmem>> -> memref<128xi32, #tpu.memory_space<vmem>>
      %dma_start3A_91 = arith.constant 0 : i32
      %dma_start3A_92 = tpu.memref_slice %arg8[%dma_start3A_91] : memref<10240xf32, #tpu.memory_space<vmem_shared>> -> memref<10240xf32, #tpu.memory_space<vmem_shared>>
      %dma_start3A_93 = tpu.memref_slice %arg9[%dma_start3A_87] : memref<4x!tpu.dma_semaphore, #tpu.memory_space<semaphore_mem>> -> memref<1x!tpu.dma_semaphore, #tpu.memory_space<semaphore_mem>>
      %dma_start3A_94 = tpu.memref_squeeze %dma_start3A_93 : memref<1x!tpu.dma_semaphore, #tpu.memory_space<semaphore_mem>> -> memref<!tpu.dma_semaphore, #tpu.memory_space<semaphore_mem>>
      tpu.enqueue_indirect_dma source(%arg7 : memref<128xf32, #tpu.memory_space<vmem>>) target(%dma_start3A_92 : memref<10240xf32, #tpu.memory_space<vmem_shared>>) offsets(%dma_start3A_90 : memref<128xi32, #tpu.memory_space<vmem>>) semaphore(%dma_start3A_94 : memref<!tpu.dma_semaphore, #tpu.memory_space<semaphore_mem>>) {add = true}
      %mul3A_95 = arith.constant 4 : i32
      %mul3A_96 = arith.muli %scan3A_47, %mul3A_95 : i32
      %add3A_97 = arith.constant 3 : i32
      %add3A_98 = arith.addi %mul3A_96, %add3A_97 : i32
      %gt3A_99 = arith.constant 0 : i32
      %gt3A_100 = arith.cmpi sgt, %scan3A_47, %gt3A_99 : i32
      %convert_element_type3A_101 = arith.extui %gt3A_100 : i1 to i32
      %cond3A_102 = arith.constant 0 : i32
      %cond3A_103 = arith.cmpi ne, %convert_element_type3A_101, %cond3A_102 : i32
      scf.if %cond3A_103 {
        %sub3A = arith.constant 4 : i32
        %sub3A_112 = arith.subi %add3A_98, %sub3A : i32
        %dma_wait3A_113 = arith.constant 3 : i32
        %dma_wait3A_114 = arith.constant 0 : i32
        %dma_wait3A_115 = tpu.memref_slice %arg6[%sub3A_112, %dma_wait3A_114] : memref<80x128xi32, #tpu.memory_space<vmem>> -> memref<1x128xi32, #tpu.memory_space<vmem>>
        %dma_wait3A_116 = tpu.memref_squeeze %dma_wait3A_115 : memref<1x128xi32, #tpu.memory_space<vmem>> -> memref<128xi32, #tpu.memory_space<vmem>>
        %dma_wait3A_117 = arith.constant 0 : i32
        %dma_wait3A_118 = tpu.memref_slice %arg8[%dma_wait3A_117] : memref<10240xf32, #tpu.memory_space<vmem_shared>> -> memref<10240xf32, #tpu.memory_space<vmem_shared>>
        %dma_wait3A_119 = tpu.memref_slice %arg9[%dma_wait3A_113] : memref<4x!tpu.dma_semaphore, #tpu.memory_space<semaphore_mem>> -> memref<1x!tpu.dma_semaphore, #tpu.memory_space<semaphore_mem>>
        %dma_wait3A_120 = tpu.memref_squeeze %dma_wait3A_119 : memref<1x!tpu.dma_semaphore, #tpu.memory_space<semaphore_mem>> -> memref<!tpu.dma_semaphore, #tpu.memory_space<semaphore_mem>>
        tpu.wait_indirect_dma semaphore(%dma_wait3A_120 : memref<!tpu.dma_semaphore, #tpu.memory_space<semaphore_mem>>) src(%arg7 : memref<128xf32, #tpu.memory_space<vmem>>) dst(%dma_wait3A_118 : memref<10240xf32, #tpu.memory_space<vmem_shared>>)
      } else {
      }
      %dma_start3A_104 = arith.constant 3 : i32
      %dma_start3A_105 = arith.constant 0 : i32
      %dma_start3A_106 = tpu.memref_slice %arg6[%add3A_98, %dma_start3A_105] : memref<80x128xi32, #tpu.memory_space<vmem>> -> memref<1x128xi32, #tpu.memory_space<vmem>>
      %dma_start3A_107 = tpu.memref_squeeze %dma_start3A_106 : memref<1x128xi32, #tpu.memory_space<vmem>> -> memref<128xi32, #tpu.memory_space<vmem>>
      %dma_start3A_108 = arith.constant 0 : i32
      %dma_start3A_109 = tpu.memref_slice %arg8[%dma_start3A_108] : memref<10240xf32, #tpu.memory_space<vmem_shared>> -> memref<10240xf32, #tpu.memory_space<vmem_shared>>
      %dma_start3A_110 = tpu.memref_slice %arg9[%dma_start3A_104] : memref<4x!tpu.dma_semaphore, #tpu.memory_space<semaphore_mem>> -> memref<1x!tpu.dma_semaphore, #tpu.memory_space<semaphore_mem>>
      %dma_start3A_111 = tpu.memref_squeeze %dma_start3A_110 : memref<1x!tpu.dma_semaphore, #tpu.memory_space<semaphore_mem>> -> memref<!tpu.dma_semaphore, #tpu.memory_space<semaphore_mem>>
      tpu.enqueue_indirect_dma source(%arg7 : memref<128xf32, #tpu.memory_space<vmem>>) target(%dma_start3A_109 : memref<10240xf32, #tpu.memory_space<vmem_shared>>) offsets(%dma_start3A_107 : memref<128xi32, #tpu.memory_space<vmem>>) semaphore(%dma_start3A_111 : memref<!tpu.dma_semaphore, #tpu.memory_space<semaphore_mem>>) {add = true}
    }
    %scan3A_7 = arith.constant 20 : i32
    %dma_wait3A = arith.constant 76 : i32
    %dma_wait3A_8 = arith.constant 0 : i32
    %dma_wait3A_9 = arith.constant 0 : i32
    %dma_wait3A_10 = tpu.memref_slice %arg6[%dma_wait3A, %dma_wait3A_9] : memref<80x128xi32, #tpu.memory_space<vmem>> -> memref<1x128xi32, #tpu.memory_space<vmem>>
    %dma_wait3A_11 = tpu.memref_squeeze %dma_wait3A_10 : memref<1x128xi32, #tpu.memory_space<vmem>> -> memref<128xi32, #tpu.memory_space<vmem>>
    %dma_wait3A_12 = arith.constant 0 : i32
    %dma_wait3A_13 = tpu.memref_slice %arg8[%dma_wait3A_12] : memref<10240xf32, #tpu.memory_space<vmem_shared>> -> memref<10240xf32, #tpu.memory_space<vmem_shared>>
    %dma_wait3A_14 = tpu.memref_slice %arg9[%dma_wait3A_8] : memref<4x!tpu.dma_semaphore, #tpu.memory_space<semaphore_mem>> -> memref<1x!tpu.dma_semaphore, #tpu.memory_space<semaphore_mem>>
    %dma_wait3A_15 = tpu.memref_squeeze %dma_wait3A_14 : memref<1x!tpu.dma_semaphore, #tpu.memory_space<semaphore_mem>> -> memref<!tpu.dma_semaphore, #tpu.memory_space<semaphore_mem>>
    tpu.wait_indirect_dma semaphore(%dma_wait3A_15 : memref<!tpu.dma_semaphore, #tpu.memory_space<semaphore_mem>>) src(%arg7 : memref<128xf32, #tpu.memory_space<vmem>>) dst(%dma_wait3A_13 : memref<10240xf32, #tpu.memory_space<vmem_shared>>)
    %dma_wait3A_16 = arith.constant 77 : i32
    %dma_wait3A_17 = arith.constant 1 : i32
    %dma_wait3A_18 = arith.constant 0 : i32
    %dma_wait3A_19 = tpu.memref_slice %arg6[%dma_wait3A_16, %dma_wait3A_18] : memref<80x128xi32, #tpu.memory_space<vmem>> -> memref<1x128xi32, #tpu.memory_space<vmem>>
    %dma_wait3A_20 = tpu.memref_squeeze %dma_wait3A_19 : memref<1x128xi32, #tpu.memory_space<vmem>> -> memref<128xi32, #tpu.memory_space<vmem>>
    %dma_wait3A_21 = arith.constant 0 : i32
    %dma_wait3A_22 = tpu.memref_slice %arg8[%dma_wait3A_21] : memref<10240xf32, #tpu.memory_space<vmem_shared>> -> memref<10240xf32, #tpu.memory_space<vmem_shared>>
    %dma_wait3A_23 = tpu.memref_slice %arg9[%dma_wait3A_17] : memref<4x!tpu.dma_semaphore, #tpu.memory_space<semaphore_mem>> -> memref<1x!tpu.dma_semaphore, #tpu.memory_space<semaphore_mem>>
    %dma_wait3A_24 = tpu.memref_squeeze %dma_wait3A_23 : memref<1x!tpu.dma_semaphore, #tpu.memory_space<semaphore_mem>> -> memref<!tpu.dma_semaphore, #tpu.memory_space<semaphore_mem>>
    tpu.wait_indirect_dma semaphore(%dma_wait3A_24 : memref<!tpu.dma_semaphore, #tpu.memory_space<semaphore_mem>>) src(%arg7 : memref<128xf32, #tpu.memory_space<vmem>>) dst(%dma_wait3A_22 : memref<10240xf32, #tpu.memory_space<vmem_shared>>)
    %dma_wait3A_25 = arith.constant 78 : i32
    %dma_wait3A_26 = arith.constant 2 : i32
    %dma_wait3A_27 = arith.constant 0 : i32
    %dma_wait3A_28 = tpu.memref_slice %arg6[%dma_wait3A_25, %dma_wait3A_27] : memref<80x128xi32, #tpu.memory_space<vmem>> -> memref<1x128xi32, #tpu.memory_space<vmem>>
    %dma_wait3A_29 = tpu.memref_squeeze %dma_wait3A_28 : memref<1x128xi32, #tpu.memory_space<vmem>> -> memref<128xi32, #tpu.memory_space<vmem>>
    %dma_wait3A_30 = arith.constant 0 : i32
    %dma_wait3A_31 = tpu.memref_slice %arg8[%dma_wait3A_30] : memref<10240xf32, #tpu.memory_space<vmem_shared>> -> memref<10240xf32, #tpu.memory_space<vmem_shared>>
    %dma_wait3A_32 = tpu.memref_slice %arg9[%dma_wait3A_26] : memref<4x!tpu.dma_semaphore, #tpu.memory_space<semaphore_mem>> -> memref<1x!tpu.dma_semaphore, #tpu.memory_space<semaphore_mem>>
    %dma_wait3A_33 = tpu.memref_squeeze %dma_wait3A_32 : memref<1x!tpu.dma_semaphore, #tpu.memory_space<semaphore_mem>> -> memref<!tpu.dma_semaphore, #tpu.memory_space<semaphore_mem>>
    tpu.wait_indirect_dma semaphore(%dma_wait3A_33 : memref<!tpu.dma_semaphore, #tpu.memory_space<semaphore_mem>>) src(%arg7 : memref<128xf32, #tpu.memory_space<vmem>>) dst(%dma_wait3A_31 : memref<10240xf32, #tpu.memory_space<vmem_shared>>)
    %dma_wait3A_34 = arith.constant 79 : i32
    %dma_wait3A_35 = arith.constant 3 : i32
    %dma_wait3A_36 = arith.constant 0 : i32
    %dma_wait3A_37 = tpu.memref_slice %arg6[%dma_wait3A_34, %dma_wait3A_36] : memref<80x128xi32, #tpu.memory_space<vmem>> -> memref<1x128xi32, #tpu.memory_space<vmem>>
    %dma_wait3A_38 = tpu.memref_squeeze %dma_wait3A_37 : memref<1x128xi32, #tpu.memory_space<vmem>> -> memref<128xi32, #tpu.memory_space<vmem>>
    %dma_wait3A_39 = arith.constant 0 : i32
    %dma_wait3A_40 = tpu.memref_slice %arg8[%dma_wait3A_39] : memref<10240xf32, #tpu.memory_space<vmem_shared>> -> memref<10240xf32, #tpu.memory_space<vmem_shared>>
    %dma_wait3A_41 = tpu.memref_slice %arg9[%dma_wait3A_35] : memref<4x!tpu.dma_semaphore, #tpu.memory_space<semaphore_mem>> -> memref<1x!tpu.dma_semaphore, #tpu.memory_space<semaphore_mem>>
    %dma_wait3A_42 = tpu.memref_squeeze %dma_wait3A_41 : memref<1x!tpu.dma_semaphore, #tpu.memory_space<semaphore_mem>> -> memref<!tpu.dma_semaphore, #tpu.memory_space<semaphore_mem>>
    tpu.wait_indirect_dma semaphore(%dma_wait3A_42 : memref<!tpu.dma_semaphore, #tpu.memory_space<semaphore_mem>>) src(%arg7 : memref<128xf32, #tpu.memory_space<vmem>>) dst(%dma_wait3A_40 : memref<10240xf32, #tpu.memory_space<vmem_shared>>)
    %barrier3A_43 = arith.constant 0 : index
    tpu.barrier barrier_id(%barrier3A_43)
    %mul3A_44 = arith.constant 10240 : i32
    %mul3A_45 = arith.muli %arg0, %mul3A_44 : i32
    %add3A_46 = arith.addi %mul3A_45, %mul3A_2 : i32
    "tpu.region"() ({
      %run_scoped3A = tpu.sem_alloc : memref<!tpu.dma_semaphore, #tpu.memory_space<semaphore_mem>>
      %dma_start3A = tpu.memref_slice %arg5[%add3A_46] : memref<20480xf32, #tpu.memory_space<hbm>> -> memref<640xf32, #tpu.memory_space<hbm>>
      %dma_start3A_47 = tpu.memref_slice %arg8[%mul3A_2] : memref<10240xf32, #tpu.memory_space<vmem_shared>> -> memref<640xf32, #tpu.memory_space<vmem_shared>>
      tpu.enqueue_dma source(%dma_start3A_47 : memref<640xf32, #tpu.memory_space<vmem_shared>>) target(%dma_start3A : memref<640xf32, #tpu.memory_space<hbm>>) target_semaphore(%run_scoped3A : memref<!tpu.dma_semaphore, #tpu.memory_space<semaphore_mem>>)
      %dma_wait3A_48 = tpu.memref_slice %arg5[%add3A_46] : memref<20480xf32, #tpu.memory_space<hbm>> -> memref<640xf32, #tpu.memory_space<hbm>>
      %dma_wait3A_49 = tpu.memref_slice %arg8[%mul3A_2] : memref<10240xf32, #tpu.memory_space<vmem_shared>> -> memref<640xf32, #tpu.memory_space<vmem_shared>>
      tpu.wait_dma2 semaphore(%run_scoped3A : memref<!tpu.dma_semaphore, #tpu.memory_space<semaphore_mem>>) src(%dma_wait3A_49 : memref<640xf32, #tpu.memory_space<vmem_shared>>) dst(%dma_wait3A_48 : memref<640xf32, #tpu.memory_space<hbm>>)
      tpu.yield
    }) : () -> ()
    return
  }
}

#map = affine_map<(d0, d1) -> (0, 0)>
#map1 = affine_map<(d0, d1) -> (0, 0, 0)>
module attributes {stable_mosaic.version = 14 : i64} {
  func.func @_edge_body(%arg0: i32, %arg1: i32, %arg2: memref<10240x16xf32, #tpu.memory_space<hbm>>, %arg3: memref<32x80x128xi32, #tpu.memory_space<hbm>>, %arg4: memref<32x80x128xi32, #tpu.memory_space<hbm>>, %arg5: memref<10240x16xf32, #tpu.memory_space<hbm>>, %arg6: memref<20480x16xf32, #tpu.memory_space<hbm>>, %arg7: memref<80x128xi32, #tpu.memory_space<vmem>>, %arg8: memref<80x128xi32, #tpu.memory_space<vmem>>, %arg9: memref<8x128x16xf32, #tpu.memory_space<vmem>>, %arg10: memref<10240x16xf32, #tpu.memory_space<vmem_shared>>, %arg11: memref<10240x16xf32, #tpu.memory_space<vmem_shared>>, %arg12: memref<8x!tpu.dma_semaphore, #tpu.memory_space<semaphore_mem>>, %arg13: memref<8x!tpu.dma_semaphore, #tpu.memory_space<semaphore_mem>>) attributes {dimension_semantics = [#tpu.dimension_semantics<core_parallel>, #tpu.dimension_semantics<subcore_parallel>], iteration_bounds = array<i64: 2, 16>, scalar_prefetch = 0 : i64, scratch_operands = 7 : i64, tpu.core_type = #tpu.core_type<sc_vector_subcore>, window_params = [{transform_indices = #map}, {transform_indices = #map1}, {transform_indices = #map1}, {transform_indices = #map}, {transform_indices = #map}]} {
    %mul3A = arith.constant 16 : i32
    %mul3A_0 = arith.muli %arg0, %mul3A : i32
    %add3A = arith.addi %mul3A_0, %arg1 : i32
    %mul3A_1 = arith.constant 640 : i32
    %mul3A_2 = arith.muli %arg1, %mul3A_1 : i32
    "tpu.region"() ({
      %run_scoped3A = tpu.sem_alloc : memref<!tpu.dma_semaphore, #tpu.memory_space<semaphore_mem>>
      %dma_start3A_130 = arith.constant 0 : i32
      %dma_start3A_131 = tpu.memref_slice %arg10[%mul3A_2, %dma_start3A_130] : memref<10240x16xf32, #tpu.memory_space<vmem_shared>> -> memref<640x16xf32, #tpu.memory_space<vmem_shared>>
      %dma_start3A_132 = arith.constant 0 : i32
      %dma_start3A_133 = tpu.memref_slice %arg5[%mul3A_2, %dma_start3A_132] : memref<10240x16xf32, #tpu.memory_space<hbm>> -> memref<640x16xf32, #tpu.memory_space<hbm>>
      tpu.enqueue_dma source(%dma_start3A_133 : memref<640x16xf32, #tpu.memory_space<hbm>>) target(%dma_start3A_131 : memref<640x16xf32, #tpu.memory_space<vmem_shared>>) target_semaphore(%run_scoped3A : memref<!tpu.dma_semaphore, #tpu.memory_space<semaphore_mem>>)
      %dma_wait3A_134 = arith.constant 0 : i32
      %dma_wait3A_135 = tpu.memref_slice %arg10[%mul3A_2, %dma_wait3A_134] : memref<10240x16xf32, #tpu.memory_space<vmem_shared>> -> memref<640x16xf32, #tpu.memory_space<vmem_shared>>
      %dma_wait3A_136 = arith.constant 0 : i32
      %dma_wait3A_137 = tpu.memref_slice %arg5[%mul3A_2, %dma_wait3A_136] : memref<10240x16xf32, #tpu.memory_space<hbm>> -> memref<640x16xf32, #tpu.memory_space<hbm>>
      tpu.wait_dma2 semaphore(%run_scoped3A : memref<!tpu.dma_semaphore, #tpu.memory_space<semaphore_mem>>) src(%dma_wait3A_137 : memref<640x16xf32, #tpu.memory_space<hbm>>) dst(%dma_wait3A_135 : memref<640x16xf32, #tpu.memory_space<vmem_shared>>)
      tpu.yield
    }) : () -> ()
    "tpu.region"() ({
      %run_scoped3A = tpu.sem_alloc : memref<!tpu.dma_semaphore, #tpu.memory_space<semaphore_mem>>
      %dma_start3A_130 = arith.constant 0 : i32
      %dma_start3A_131 = tpu.memref_slice %arg11[%mul3A_2, %dma_start3A_130] : memref<10240x16xf32, #tpu.memory_space<vmem_shared>> -> memref<640x16xf32, #tpu.memory_space<vmem_shared>>
      %dma_start3A_132 = arith.constant 0 : i32
      %dma_start3A_133 = tpu.memref_slice %arg2[%mul3A_2, %dma_start3A_132] : memref<10240x16xf32, #tpu.memory_space<hbm>> -> memref<640x16xf32, #tpu.memory_space<hbm>>
      tpu.enqueue_dma source(%dma_start3A_133 : memref<640x16xf32, #tpu.memory_space<hbm>>) target(%dma_start3A_131 : memref<640x16xf32, #tpu.memory_space<vmem_shared>>) target_semaphore(%run_scoped3A : memref<!tpu.dma_semaphore, #tpu.memory_space<semaphore_mem>>)
      %dma_wait3A_134 = arith.constant 0 : i32
      %dma_wait3A_135 = tpu.memref_slice %arg11[%mul3A_2, %dma_wait3A_134] : memref<10240x16xf32, #tpu.memory_space<vmem_shared>> -> memref<640x16xf32, #tpu.memory_space<vmem_shared>>
      %dma_wait3A_136 = arith.constant 0 : i32
      %dma_wait3A_137 = tpu.memref_slice %arg2[%mul3A_2, %dma_wait3A_136] : memref<10240x16xf32, #tpu.memory_space<hbm>> -> memref<640x16xf32, #tpu.memory_space<hbm>>
      tpu.wait_dma2 semaphore(%run_scoped3A : memref<!tpu.dma_semaphore, #tpu.memory_space<semaphore_mem>>) src(%dma_wait3A_137 : memref<640x16xf32, #tpu.memory_space<hbm>>) dst(%dma_wait3A_135 : memref<640x16xf32, #tpu.memory_space<vmem_shared>>)
      tpu.yield
    }) : () -> ()
    "tpu.region"() ({
      %run_scoped3A = tpu.sem_alloc : memref<!tpu.dma_semaphore, #tpu.memory_space<semaphore_mem>>
      %dma_start3A_130 = arith.constant 0 : i32
      %dma_start3A_131 = arith.constant 0 : i32
      %dma_start3A_132 = tpu.memref_slice %arg3[%add3A, %dma_start3A_130, %dma_start3A_131] : memref<32x80x128xi32, #tpu.memory_space<hbm>> -> memref<1x80x128xi32, #tpu.memory_space<hbm>>
      %dma_start3A_133 = tpu.memref_squeeze %dma_start3A_132 : memref<1x80x128xi32, #tpu.memory_space<hbm>> -> memref<80x128xi32, #tpu.memory_space<hbm>>
      %dma_start3A_134 = arith.constant 0 : i32
      %dma_start3A_135 = arith.constant 0 : i32
      %dma_start3A_136 = tpu.memref_slice %arg3[%add3A, %dma_start3A_134, %dma_start3A_135] : memref<32x80x128xi32, #tpu.memory_space<hbm>> -> memref<1x80x128xi32, #tpu.memory_space<hbm>>
      %dma_start3A_137 = tpu.memref_squeeze %dma_start3A_136 : memref<1x80x128xi32, #tpu.memory_space<hbm>> -> memref<80x128xi32, #tpu.memory_space<hbm>>
      tpu.enqueue_dma source(%dma_start3A_137 : memref<80x128xi32, #tpu.memory_space<hbm>>) target(%arg7 : memref<80x128xi32, #tpu.memory_space<vmem>>) target_semaphore(%run_scoped3A : memref<!tpu.dma_semaphore, #tpu.memory_space<semaphore_mem>>)
      %dma_wait3A_138 = arith.constant 0 : i32
      %dma_wait3A_139 = arith.constant 0 : i32
      %dma_wait3A_140 = tpu.memref_slice %arg3[%add3A, %dma_wait3A_138, %dma_wait3A_139] : memref<32x80x128xi32, #tpu.memory_space<hbm>> -> memref<1x80x128xi32, #tpu.memory_space<hbm>>
      %dma_wait3A_141 = tpu.memref_squeeze %dma_wait3A_140 : memref<1x80x128xi32, #tpu.memory_space<hbm>> -> memref<80x128xi32, #tpu.memory_space<hbm>>
      %dma_wait3A_142 = arith.constant 0 : i32
      %dma_wait3A_143 = arith.constant 0 : i32
      %dma_wait3A_144 = tpu.memref_slice %arg3[%add3A, %dma_wait3A_142, %dma_wait3A_143] : memref<32x80x128xi32, #tpu.memory_space<hbm>> -> memref<1x80x128xi32, #tpu.memory_space<hbm>>
      %dma_wait3A_145 = tpu.memref_squeeze %dma_wait3A_144 : memref<1x80x128xi32, #tpu.memory_space<hbm>> -> memref<80x128xi32, #tpu.memory_space<hbm>>
      tpu.wait_dma2 semaphore(%run_scoped3A : memref<!tpu.dma_semaphore, #tpu.memory_space<semaphore_mem>>) src(%dma_wait3A_145 : memref<80x128xi32, #tpu.memory_space<hbm>>) dst(%arg7 : memref<80x128xi32, #tpu.memory_space<vmem>>)
      tpu.yield
    }) : () -> ()
    "tpu.region"() ({
      %run_scoped3A = tpu.sem_alloc : memref<!tpu.dma_semaphore, #tpu.memory_space<semaphore_mem>>
      %dma_start3A_130 = arith.constant 0 : i32
      %dma_start3A_131 = arith.constant 0 : i32
      %dma_start3A_132 = tpu.memref_slice %arg4[%add3A, %dma_start3A_130, %dma_start3A_131] : memref<32x80x128xi32, #tpu.memory_space<hbm>> -> memref<1x80x128xi32, #tpu.memory_space<hbm>>
      %dma_start3A_133 = tpu.memref_squeeze %dma_start3A_132 : memref<1x80x128xi32, #tpu.memory_space<hbm>> -> memref<80x128xi32, #tpu.memory_space<hbm>>
      %dma_start3A_134 = arith.constant 0 : i32
      %dma_start3A_135 = arith.constant 0 : i32
      %dma_start3A_136 = tpu.memref_slice %arg4[%add3A, %dma_start3A_134, %dma_start3A_135] : memref<32x80x128xi32, #tpu.memory_space<hbm>> -> memref<1x80x128xi32, #tpu.memory_space<hbm>>
      %dma_start3A_137 = tpu.memref_squeeze %dma_start3A_136 : memref<1x80x128xi32, #tpu.memory_space<hbm>> -> memref<80x128xi32, #tpu.memory_space<hbm>>
      tpu.enqueue_dma source(%dma_start3A_137 : memref<80x128xi32, #tpu.memory_space<hbm>>) target(%arg8 : memref<80x128xi32, #tpu.memory_space<vmem>>) target_semaphore(%run_scoped3A : memref<!tpu.dma_semaphore, #tpu.memory_space<semaphore_mem>>)
      %dma_wait3A_138 = arith.constant 0 : i32
      %dma_wait3A_139 = arith.constant 0 : i32
      %dma_wait3A_140 = tpu.memref_slice %arg4[%add3A, %dma_wait3A_138, %dma_wait3A_139] : memref<32x80x128xi32, #tpu.memory_space<hbm>> -> memref<1x80x128xi32, #tpu.memory_space<hbm>>
      %dma_wait3A_141 = tpu.memref_squeeze %dma_wait3A_140 : memref<1x80x128xi32, #tpu.memory_space<hbm>> -> memref<80x128xi32, #tpu.memory_space<hbm>>
      %dma_wait3A_142 = arith.constant 0 : i32
      %dma_wait3A_143 = arith.constant 0 : i32
      %dma_wait3A_144 = tpu.memref_slice %arg4[%add3A, %dma_wait3A_142, %dma_wait3A_143] : memref<32x80x128xi32, #tpu.memory_space<hbm>> -> memref<1x80x128xi32, #tpu.memory_space<hbm>>
      %dma_wait3A_145 = tpu.memref_squeeze %dma_wait3A_144 : memref<1x80x128xi32, #tpu.memory_space<hbm>> -> memref<80x128xi32, #tpu.memory_space<hbm>>
      tpu.wait_dma2 semaphore(%run_scoped3A : memref<!tpu.dma_semaphore, #tpu.memory_space<semaphore_mem>>) src(%dma_wait3A_145 : memref<80x128xi32, #tpu.memory_space<hbm>>) dst(%arg8 : memref<80x128xi32, #tpu.memory_space<vmem>>)
      tpu.yield
    }) : () -> ()
    %barrier3A = arith.constant 0 : index
    tpu.barrier barrier_id(%barrier3A)
    %dma_start3A = arith.constant 0 : i32
    %dma_start3A_3 = arith.constant 0 : i32
    %dma_start3A_4 = arith.constant 0 : i32
    %dma_start3A_5 = arith.constant 0 : i32
    %dma_start3A_6 = arith.constant 0 : i32
    %dma_start3A_7 = tpu.memref_slice %arg9[%dma_start3A_3, %dma_start3A_5, %dma_start3A_6] : memref<8x128x16xf32, #tpu.memory_space<vmem>> -> memref<1x128x16xf32, #tpu.memory_space<vmem>>
    %dma_start3A_8 = tpu.memref_squeeze %dma_start3A_7 : memref<1x128x16xf32, #tpu.memory_space<vmem>> -> memref<128x16xf32, #tpu.memory_space<vmem>>
    %dma_start3A_9 = arith.constant 0 : i32
    %dma_start3A_10 = tpu.memref_slice %arg7[%dma_start3A, %dma_start3A_9] : memref<80x128xi32, #tpu.memory_space<vmem>> -> memref<1x128xi32, #tpu.memory_space<vmem>>
    %dma_start3A_11 = tpu.memref_squeeze %dma_start3A_10 : memref<1x128xi32, #tpu.memory_space<vmem>> -> memref<128xi32, #tpu.memory_space<vmem>>
    %dma_start3A_12 = arith.constant 0 : i32
    %dma_start3A_13 = arith.constant 0 : i32
    %dma_start3A_14 = tpu.memref_slice %arg11[%dma_start3A_12, %dma_start3A_13] : memref<10240x16xf32, #tpu.memory_space<vmem_shared>> -> memref<10240x16xf32, #tpu.memory_space<vmem_shared>>
    %dma_start3A_15 = tpu.memref_slice %arg12[%dma_start3A_4] : memref<8x!tpu.dma_semaphore, #tpu.memory_space<semaphore_mem>> -> memref<1x!tpu.dma_semaphore, #tpu.memory_space<semaphore_mem>>
    %dma_start3A_16 = tpu.memref_squeeze %dma_start3A_15 : memref<1x!tpu.dma_semaphore, #tpu.memory_space<semaphore_mem>> -> memref<!tpu.dma_semaphore, #tpu.memory_space<semaphore_mem>>
    tpu.enqueue_indirect_dma source(%dma_start3A_14 : memref<10240x16xf32, #tpu.memory_space<vmem_shared>>) target(%dma_start3A_8 : memref<128x16xf32, #tpu.memory_space<vmem>>) offsets(%dma_start3A_11 : memref<128xi32, #tpu.memory_space<vmem>>) semaphore(%dma_start3A_16 : memref<!tpu.dma_semaphore, #tpu.memory_space<semaphore_mem>>)
    %dma_start3A_17 = arith.constant 1 : i32
    %dma_start3A_18 = arith.constant 1 : i32
    %dma_start3A_19 = arith.constant 1 : i32
    %dma_start3A_20 = arith.constant 0 : i32
    %dma_start3A_21 = arith.constant 0 : i32
    %dma_start3A_22 = tpu.memref_slice %arg9[%dma_start3A_18, %dma_start3A_20, %dma_start3A_21] : memref<8x128x16xf32, #tpu.memory_space<vmem>> -> memref<1x128x16xf32, #tpu.memory_space<vmem>>
    %dma_start3A_23 = tpu.memref_squeeze %dma_start3A_22 : memref<1x128x16xf32, #tpu.memory_space<vmem>> -> memref<128x16xf32, #tpu.memory_space<vmem>>
    %dma_start3A_24 = arith.constant 0 : i32
    %dma_start3A_25 = tpu.memref_slice %arg7[%dma_start3A_17, %dma_start3A_24] : memref<80x128xi32, #tpu.memory_space<vmem>> -> memref<1x128xi32, #tpu.memory_space<vmem>>
    %dma_start3A_26 = tpu.memref_squeeze %dma_start3A_25 : memref<1x128xi32, #tpu.memory_space<vmem>> -> memref<128xi32, #tpu.memory_space<vmem>>
    %dma_start3A_27 = arith.constant 0 : i32
    %dma_start3A_28 = arith.constant 0 : i32
    %dma_start3A_29 = tpu.memref_slice %arg11[%dma_start3A_27, %dma_start3A_28] : memref<10240x16xf32, #tpu.memory_space<vmem_shared>> -> memref<10240x16xf32, #tpu.memory_space<vmem_shared>>
    %dma_start3A_30 = tpu.memref_slice %arg12[%dma_start3A_19] : memref<8x!tpu.dma_semaphore, #tpu.memory_space<semaphore_mem>> -> memref<1x!tpu.dma_semaphore, #tpu.memory_space<semaphore_mem>>
    %dma_start3A_31 = tpu.memref_squeeze %dma_start3A_30 : memref<1x!tpu.dma_semaphore, #tpu.memory_space<semaphore_mem>> -> memref<!tpu.dma_semaphore, #tpu.memory_space<semaphore_mem>>
    tpu.enqueue_indirect_dma source(%dma_start3A_29 : memref<10240x16xf32, #tpu.memory_space<vmem_shared>>) target(%dma_start3A_23 : memref<128x16xf32, #tpu.memory_space<vmem>>) offsets(%dma_start3A_26 : memref<128xi32, #tpu.memory_space<vmem>>) semaphore(%dma_start3A_31 : memref<!tpu.dma_semaphore, #tpu.memory_space<semaphore_mem>>)
    %dma_start3A_32 = arith.constant 2 : i32
    %dma_start3A_33 = arith.constant 2 : i32
    %dma_start3A_34 = arith.constant 2 : i32
    %dma_start3A_35 = arith.constant 0 : i32
    %dma_start3A_36 = arith.constant 0 : i32
    %dma_start3A_37 = tpu.memref_slice %arg9[%dma_start3A_33, %dma_start3A_35, %dma_start3A_36] : memref<8x128x16xf32, #tpu.memory_space<vmem>> -> memref<1x128x16xf32, #tpu.memory_space<vmem>>
    %dma_start3A_38 = tpu.memref_squeeze %dma_start3A_37 : memref<1x128x16xf32, #tpu.memory_space<vmem>> -> memref<128x16xf32, #tpu.memory_space<vmem>>
    %dma_start3A_39 = arith.constant 0 : i32
    %dma_start3A_40 = tpu.memref_slice %arg7[%dma_start3A_32, %dma_start3A_39] : memref<80x128xi32, #tpu.memory_space<vmem>> -> memref<1x128xi32, #tpu.memory_space<vmem>>
    %dma_start3A_41 = tpu.memref_squeeze %dma_start3A_40 : memref<1x128xi32, #tpu.memory_space<vmem>> -> memref<128xi32, #tpu.memory_space<vmem>>
    %dma_start3A_42 = arith.constant 0 : i32
    %dma_start3A_43 = arith.constant 0 : i32
    %dma_start3A_44 = tpu.memref_slice %arg11[%dma_start3A_42, %dma_start3A_43] : memref<10240x16xf32, #tpu.memory_space<vmem_shared>> -> memref<10240x16xf32, #tpu.memory_space<vmem_shared>>
    %dma_start3A_45 = tpu.memref_slice %arg12[%dma_start3A_34] : memref<8x!tpu.dma_semaphore, #tpu.memory_space<semaphore_mem>> -> memref<1x!tpu.dma_semaphore, #tpu.memory_space<semaphore_mem>>
    %dma_start3A_46 = tpu.memref_squeeze %dma_start3A_45 : memref<1x!tpu.dma_semaphore, #tpu.memory_space<semaphore_mem>> -> memref<!tpu.dma_semaphore, #tpu.memory_space<semaphore_mem>>
    tpu.enqueue_indirect_dma source(%dma_start3A_44 : memref<10240x16xf32, #tpu.memory_space<vmem_shared>>) target(%dma_start3A_38 : memref<128x16xf32, #tpu.memory_space<vmem>>) offsets(%dma_start3A_41 : memref<128xi32, #tpu.memory_space<vmem>>) semaphore(%dma_start3A_46 : memref<!tpu.dma_semaphore, #tpu.memory_space<semaphore_mem>>)
    %dma_start3A_47 = arith.constant 3 : i32
    %dma_start3A_48 = arith.constant 3 : i32
    %dma_start3A_49 = arith.constant 3 : i32
    %dma_start3A_50 = arith.constant 0 : i32
    %dma_start3A_51 = arith.constant 0 : i32
    %dma_start3A_52 = tpu.memref_slice %arg9[%dma_start3A_48, %dma_start3A_50, %dma_start3A_51] : memref<8x128x16xf32, #tpu.memory_space<vmem>> -> memref<1x128x16xf32, #tpu.memory_space<vmem>>
    %dma_start3A_53 = tpu.memref_squeeze %dma_start3A_52 : memref<1x128x16xf32, #tpu.memory_space<vmem>> -> memref<128x16xf32, #tpu.memory_space<vmem>>
    %dma_start3A_54 = arith.constant 0 : i32
    %dma_start3A_55 = tpu.memref_slice %arg7[%dma_start3A_47, %dma_start3A_54] : memref<80x128xi32, #tpu.memory_space<vmem>> -> memref<1x128xi32, #tpu.memory_space<vmem>>
    %dma_start3A_56 = tpu.memref_squeeze %dma_start3A_55 : memref<1x128xi32, #tpu.memory_space<vmem>> -> memref<128xi32, #tpu.memory_space<vmem>>
    %dma_start3A_57 = arith.constant 0 : i32
    %dma_start3A_58 = arith.constant 0 : i32
    %dma_start3A_59 = tpu.memref_slice %arg11[%dma_start3A_57, %dma_start3A_58] : memref<10240x16xf32, #tpu.memory_space<vmem_shared>> -> memref<10240x16xf32, #tpu.memory_space<vmem_shared>>
    %dma_start3A_60 = tpu.memref_slice %arg12[%dma_start3A_49] : memref<8x!tpu.dma_semaphore, #tpu.memory_space<semaphore_mem>> -> memref<1x!tpu.dma_semaphore, #tpu.memory_space<semaphore_mem>>
    %dma_start3A_61 = tpu.memref_squeeze %dma_start3A_60 : memref<1x!tpu.dma_semaphore, #tpu.memory_space<semaphore_mem>> -> memref<!tpu.dma_semaphore, #tpu.memory_space<semaphore_mem>>
    tpu.enqueue_indirect_dma source(%dma_start3A_59 : memref<10240x16xf32, #tpu.memory_space<vmem_shared>>) target(%dma_start3A_53 : memref<128x16xf32, #tpu.memory_space<vmem>>) offsets(%dma_start3A_56 : memref<128xi32, #tpu.memory_space<vmem>>) semaphore(%dma_start3A_61 : memref<!tpu.dma_semaphore, #tpu.memory_space<semaphore_mem>>)
    %scan3A = arith.constant 0 : i32
    %scan3A_62 = arith.constant 0 : i32
    %scan3A_63 = arith.constant 10 : i32
    %scan3A_64 = arith.addi %scan3A_62, %scan3A_63 : i32
    %scan3A_65 = arith.constant 1 : i32
    scf.for %scan3A_130 = %scan3A_62 to %scan3A_64 step %scan3A_65  : i32 {
      %mul3A_131 = arith.constant 8 : i32
      %mul3A_132 = arith.muli %scan3A_130, %mul3A_131 : i32
      %add3A_133 = arith.constant 0 : i32
      %add3A_134 = arith.addi %mul3A_132, %add3A_133 : i32
      %dma_wait3A_135 = arith.constant 0 : i32
      %dma_wait3A_136 = arith.constant 0 : i32
      %dma_wait3A_137 = arith.constant 0 : i32
      %dma_wait3A_138 = arith.constant 0 : i32
      %dma_wait3A_139 = tpu.memref_slice %arg9[%dma_wait3A_135, %dma_wait3A_137, %dma_wait3A_138] : memref<8x128x16xf32, #tpu.memory_space<vmem>> -> memref<1x128x16xf32, #tpu.memory_space<vmem>>
      %dma_wait3A_140 = tpu.memref_squeeze %dma_wait3A_139 : memref<1x128x16xf32, #tpu.memory_space<vmem>> -> memref<128x16xf32, #tpu.memory_space<vmem>>
      %dma_wait3A_141 = arith.constant 0 : i32
      %dma_wait3A_142 = tpu.memref_slice %arg7[%add3A_134, %dma_wait3A_141] : memref<80x128xi32, #tpu.memory_space<vmem>> -> memref<1x128xi32, #tpu.memory_space<vmem>>
      %dma_wait3A_143 = tpu.memref_squeeze %dma_wait3A_142 : memref<1x128xi32, #tpu.memory_space<vmem>> -> memref<128xi32, #tpu.memory_space<vmem>>
      %dma_wait3A_144 = arith.constant 0 : i32
      %dma_wait3A_145 = arith.constant 0 : i32
      %dma_wait3A_146 = tpu.memref_slice %arg11[%dma_wait3A_144, %dma_wait3A_145] : memref<10240x16xf32, #tpu.memory_space<vmem_shared>> -> memref<10240x16xf32, #tpu.memory_space<vmem_shared>>
      %dma_wait3A_147 = tpu.memref_slice %arg12[%dma_wait3A_136] : memref<8x!tpu.dma_semaphore, #tpu.memory_space<semaphore_mem>> -> memref<1x!tpu.dma_semaphore, #tpu.memory_space<semaphore_mem>>
      %dma_wait3A_148 = tpu.memref_squeeze %dma_wait3A_147 : memref<1x!tpu.dma_semaphore, #tpu.memory_space<semaphore_mem>> -> memref<!tpu.dma_semaphore, #tpu.memory_space<semaphore_mem>>
      tpu.wait_indirect_dma semaphore(%dma_wait3A_148 : memref<!tpu.dma_semaphore, #tpu.memory_space<semaphore_mem>>) src(%dma_wait3A_146 : memref<10240x16xf32, #tpu.memory_space<vmem_shared>>) dst(%dma_wait3A_140 : memref<128x16xf32, #tpu.memory_space<vmem>>)
      %dma_start3A_149 = arith.constant 0 : i32
      %dma_start3A_150 = arith.constant 0 : i32
      %dma_start3A_151 = arith.constant 0 : i32
      %dma_start3A_152 = arith.constant 0 : i32
      %dma_start3A_153 = tpu.memref_slice %arg9[%dma_start3A_149, %dma_start3A_151, %dma_start3A_152] : memref<8x128x16xf32, #tpu.memory_space<vmem>> -> memref<1x128x16xf32, #tpu.memory_space<vmem>>
      %dma_start3A_154 = tpu.memref_squeeze %dma_start3A_153 : memref<1x128x16xf32, #tpu.memory_space<vmem>> -> memref<128x16xf32, #tpu.memory_space<vmem>>
      %dma_start3A_155 = arith.constant 0 : i32
      %dma_start3A_156 = tpu.memref_slice %arg8[%add3A_134, %dma_start3A_155] : memref<80x128xi32, #tpu.memory_space<vmem>> -> memref<1x128xi32, #tpu.memory_space<vmem>>
      %dma_start3A_157 = tpu.memref_squeeze %dma_start3A_156 : memref<1x128xi32, #tpu.memory_space<vmem>> -> memref<128xi32, #tpu.memory_space<vmem>>
      %dma_start3A_158 = arith.constant 0 : i32
      %dma_start3A_159 = arith.constant 0 : i32
      %dma_start3A_160 = tpu.memref_slice %arg10[%dma_start3A_158, %dma_start3A_159] : memref<10240x16xf32, #tpu.memory_space<vmem_shared>> -> memref<10240x16xf32, #tpu.memory_space<vmem_shared>>
      %dma_start3A_161 = tpu.memref_slice %arg13[%dma_start3A_150] : memref<8x!tpu.dma_semaphore, #tpu.memory_space<semaphore_mem>> -> memref<1x!tpu.dma_semaphore, #tpu.memory_space<semaphore_mem>>
      %dma_start3A_162 = tpu.memref_squeeze %dma_start3A_161 : memref<1x!tpu.dma_semaphore, #tpu.memory_space<semaphore_mem>> -> memref<!tpu.dma_semaphore, #tpu.memory_space<semaphore_mem>>
      tpu.enqueue_indirect_dma source(%dma_start3A_154 : memref<128x16xf32, #tpu.memory_space<vmem>>) target(%dma_start3A_160 : memref<10240x16xf32, #tpu.memory_space<vmem_shared>>) offsets(%dma_start3A_157 : memref<128xi32, #tpu.memory_space<vmem>>) semaphore(%dma_start3A_162 : memref<!tpu.dma_semaphore, #tpu.memory_space<semaphore_mem>>) {add = true}
      %ge3A = arith.constant 4 : i32
      %ge3A_163 = arith.cmpi sge, %add3A_134, %ge3A : i32
      %convert_element_type3A = arith.extui %ge3A_163 : i1 to i32
      %cond3A = arith.constant 0 : i32
      %cond3A_164 = arith.cmpi ne, %convert_element_type3A, %cond3A : i32
      scf.if %cond3A_164 {
        %sub3A = arith.constant 4 : i32
        %sub3A_479 = arith.subi %add3A_134, %sub3A : i32
        %dma_wait3A_480 = arith.constant 4 : i32
        %dma_wait3A_481 = arith.constant 4 : i32
        %dma_wait3A_482 = arith.constant 0 : i32
        %dma_wait3A_483 = arith.constant 0 : i32
        %dma_wait3A_484 = tpu.memref_slice %arg9[%dma_wait3A_480, %dma_wait3A_482, %dma_wait3A_483] : memref<8x128x16xf32, #tpu.memory_space<vmem>> -> memref<1x128x16xf32, #tpu.memory_space<vmem>>
        %dma_wait3A_485 = tpu.memref_squeeze %dma_wait3A_484 : memref<1x128x16xf32, #tpu.memory_space<vmem>> -> memref<128x16xf32, #tpu.memory_space<vmem>>
        %dma_wait3A_486 = arith.constant 0 : i32
        %dma_wait3A_487 = tpu.memref_slice %arg8[%sub3A_479, %dma_wait3A_486] : memref<80x128xi32, #tpu.memory_space<vmem>> -> memref<1x128xi32, #tpu.memory_space<vmem>>
        %dma_wait3A_488 = tpu.memref_squeeze %dma_wait3A_487 : memref<1x128xi32, #tpu.memory_space<vmem>> -> memref<128xi32, #tpu.memory_space<vmem>>
        %dma_wait3A_489 = arith.constant 0 : i32
        %dma_wait3A_490 = arith.constant 0 : i32
        %dma_wait3A_491 = tpu.memref_slice %arg10[%dma_wait3A_489, %dma_wait3A_490] : memref<10240x16xf32, #tpu.memory_space<vmem_shared>> -> memref<10240x16xf32, #tpu.memory_space<vmem_shared>>
        %dma_wait3A_492 = tpu.memref_slice %arg13[%dma_wait3A_481] : memref<8x!tpu.dma_semaphore, #tpu.memory_space<semaphore_mem>> -> memref<1x!tpu.dma_semaphore, #tpu.memory_space<semaphore_mem>>
        %dma_wait3A_493 = tpu.memref_squeeze %dma_wait3A_492 : memref<1x!tpu.dma_semaphore, #tpu.memory_space<semaphore_mem>> -> memref<!tpu.dma_semaphore, #tpu.memory_space<semaphore_mem>>
        tpu.wait_indirect_dma semaphore(%dma_wait3A_493 : memref<!tpu.dma_semaphore, #tpu.memory_space<semaphore_mem>>) src(%dma_wait3A_485 : memref<128x16xf32, #tpu.memory_space<vmem>>) dst(%dma_wait3A_491 : memref<10240x16xf32, #tpu.memory_space<vmem_shared>>)
      } else {
      }
      %add3A_165 = arith.constant 4 : i32
      %add3A_166 = arith.addi %add3A_134, %add3A_165 : i32
      %lt3A = arith.constant 80 : i32
      %lt3A_167 = arith.cmpi slt, %add3A_166, %lt3A : i32
      %convert_element_type3A_168 = arith.extui %lt3A_167 : i1 to i32
      %cond3A_169 = arith.constant 0 : i32
      %cond3A_170 = arith.cmpi ne, %convert_element_type3A_168, %cond3A_169 : i32
      scf.if %cond3A_170 {
        %add3A_479 = arith.constant 4 : i32
        %add3A_480 = arith.addi %add3A_134, %add3A_479 : i32
        %dma_start3A_481 = arith.constant 4 : i32
        %dma_start3A_482 = arith.constant 4 : i32
        %dma_start3A_483 = arith.constant 0 : i32
        %dma_start3A_484 = arith.constant 0 : i32
        %dma_start3A_485 = tpu.memref_slice %arg9[%dma_start3A_481, %dma_start3A_483, %dma_start3A_484] : memref<8x128x16xf32, #tpu.memory_space<vmem>> -> memref<1x128x16xf32, #tpu.memory_space<vmem>>
        %dma_start3A_486 = tpu.memref_squeeze %dma_start3A_485 : memref<1x128x16xf32, #tpu.memory_space<vmem>> -> memref<128x16xf32, #tpu.memory_space<vmem>>
        %dma_start3A_487 = arith.constant 0 : i32
        %dma_start3A_488 = tpu.memref_slice %arg7[%add3A_480, %dma_start3A_487] : memref<80x128xi32, #tpu.memory_space<vmem>> -> memref<1x128xi32, #tpu.memory_space<vmem>>
        %dma_start3A_489 = tpu.memref_squeeze %dma_start3A_488 : memref<1x128xi32, #tpu.memory_space<vmem>> -> memref<128xi32, #tpu.memory_space<vmem>>
        %dma_start3A_490 = arith.constant 0 : i32
        %dma_start3A_491 = arith.constant 0 : i32
        %dma_start3A_492 = tpu.memref_slice %arg11[%dma_start3A_490, %dma_start3A_491] : memref<10240x16xf32, #tpu.memory_space<vmem_shared>> -> memref<10240x16xf32, #tpu.memory_space<vmem_shared>>
        %dma_start3A_493 = tpu.memref_slice %arg12[%dma_start3A_482] : memref<8x!tpu.dma_semaphore, #tpu.memory_space<semaphore_mem>> -> memref<1x!tpu.dma_semaphore, #tpu.memory_space<semaphore_mem>>
        %dma_start3A_494 = tpu.memref_squeeze %dma_start3A_493 : memref<1x!tpu.dma_semaphore, #tpu.memory_space<semaphore_mem>> -> memref<!tpu.dma_semaphore, #tpu.memory_space<semaphore_mem>>
        tpu.enqueue_indirect_dma source(%dma_start3A_492 : memref<10240x16xf32, #tpu.memory_space<vmem_shared>>) target(%dma_start3A_486 : memref<128x16xf32, #tpu.memory_space<vmem>>) offsets(%dma_start3A_489 : memref<128xi32, #tpu.memory_space<vmem>>) semaphore(%dma_start3A_494 : memref<!tpu.dma_semaphore, #tpu.memory_space<semaphore_mem>>)
      } else {
      }
      %mul3A_171 = arith.constant 8 : i32
      %mul3A_172 = arith.muli %scan3A_130, %mul3A_171 : i32
      %add3A_173 = arith.constant 1 : i32
      %add3A_174 = arith.addi %mul3A_172, %add3A_173 : i32
      %dma_wait3A_175 = arith.constant 1 : i32
      %dma_wait3A_176 = arith.constant 1 : i32
      %dma_wait3A_177 = arith.constant 0 : i32
      %dma_wait3A_178 = arith.constant 0 : i32
      %dma_wait3A_179 = tpu.memref_slice %arg9[%dma_wait3A_175, %dma_wait3A_177, %dma_wait3A_178] : memref<8x128x16xf32, #tpu.memory_space<vmem>> -> memref<1x128x16xf32, #tpu.memory_space<vmem>>
      %dma_wait3A_180 = tpu.memref_squeeze %dma_wait3A_179 : memref<1x128x16xf32, #tpu.memory_space<vmem>> -> memref<128x16xf32, #tpu.memory_space<vmem>>
      %dma_wait3A_181 = arith.constant 0 : i32
      %dma_wait3A_182 = tpu.memref_slice %arg7[%add3A_174, %dma_wait3A_181] : memref<80x128xi32, #tpu.memory_space<vmem>> -> memref<1x128xi32, #tpu.memory_space<vmem>>
      %dma_wait3A_183 = tpu.memref_squeeze %dma_wait3A_182 : memref<1x128xi32, #tpu.memory_space<vmem>> -> memref<128xi32, #tpu.memory_space<vmem>>
      %dma_wait3A_184 = arith.constant 0 : i32
      %dma_wait3A_185 = arith.constant 0 : i32
      %dma_wait3A_186 = tpu.memref_slice %arg11[%dma_wait3A_184, %dma_wait3A_185] : memref<10240x16xf32, #tpu.memory_space<vmem_shared>> -> memref<10240x16xf32, #tpu.memory_space<vmem_shared>>
      %dma_wait3A_187 = tpu.memref_slice %arg12[%dma_wait3A_176] : memref<8x!tpu.dma_semaphore, #tpu.memory_space<semaphore_mem>> -> memref<1x!tpu.dma_semaphore, #tpu.memory_space<semaphore_mem>>
      %dma_wait3A_188 = tpu.memref_squeeze %dma_wait3A_187 : memref<1x!tpu.dma_semaphore, #tpu.memory_space<semaphore_mem>> -> memref<!tpu.dma_semaphore, #tpu.memory_space<semaphore_mem>>
      tpu.wait_indirect_dma semaphore(%dma_wait3A_188 : memref<!tpu.dma_semaphore, #tpu.memory_space<semaphore_mem>>) src(%dma_wait3A_186 : memref<10240x16xf32, #tpu.memory_space<vmem_shared>>) dst(%dma_wait3A_180 : memref<128x16xf32, #tpu.memory_space<vmem>>)
      %dma_start3A_189 = arith.constant 1 : i32
      %dma_start3A_190 = arith.constant 1 : i32
      %dma_start3A_191 = arith.constant 0 : i32
      %dma_start3A_192 = arith.constant 0 : i32
      %dma_start3A_193 = tpu.memref_slice %arg9[%dma_start3A_189, %dma_start3A_191, %dma_start3A_192] : memref<8x128x16xf32, #tpu.memory_space<vmem>> -> memref<1x128x16xf32, #tpu.memory_space<vmem>>
      %dma_start3A_194 = tpu.memref_squeeze %dma_start3A_193 : memref<1x128x16xf32, #tpu.memory_space<vmem>> -> memref<128x16xf32, #tpu.memory_space<vmem>>
      %dma_start3A_195 = arith.constant 0 : i32
      %dma_start3A_196 = tpu.memref_slice %arg8[%add3A_174, %dma_start3A_195] : memref<80x128xi32, #tpu.memory_space<vmem>> -> memref<1x128xi32, #tpu.memory_space<vmem>>
      %dma_start3A_197 = tpu.memref_squeeze %dma_start3A_196 : memref<1x128xi32, #tpu.memory_space<vmem>> -> memref<128xi32, #tpu.memory_space<vmem>>
      %dma_start3A_198 = arith.constant 0 : i32
      %dma_start3A_199 = arith.constant 0 : i32
      %dma_start3A_200 = tpu.memref_slice %arg10[%dma_start3A_198, %dma_start3A_199] : memref<10240x16xf32, #tpu.memory_space<vmem_shared>> -> memref<10240x16xf32, #tpu.memory_space<vmem_shared>>
      %dma_start3A_201 = tpu.memref_slice %arg13[%dma_start3A_190] : memref<8x!tpu.dma_semaphore, #tpu.memory_space<semaphore_mem>> -> memref<1x!tpu.dma_semaphore, #tpu.memory_space<semaphore_mem>>
      %dma_start3A_202 = tpu.memref_squeeze %dma_start3A_201 : memref<1x!tpu.dma_semaphore, #tpu.memory_space<semaphore_mem>> -> memref<!tpu.dma_semaphore, #tpu.memory_space<semaphore_mem>>
      tpu.enqueue_indirect_dma source(%dma_start3A_194 : memref<128x16xf32, #tpu.memory_space<vmem>>) target(%dma_start3A_200 : memref<10240x16xf32, #tpu.memory_space<vmem_shared>>) offsets(%dma_start3A_197 : memref<128xi32, #tpu.memory_space<vmem>>) semaphore(%dma_start3A_202 : memref<!tpu.dma_semaphore, #tpu.memory_space<semaphore_mem>>) {add = true}
      %ge3A_203 = arith.constant 4 : i32
      %ge3A_204 = arith.cmpi sge, %add3A_174, %ge3A_203 : i32
      %convert_element_type3A_205 = arith.extui %ge3A_204 : i1 to i32
      %cond3A_206 = arith.constant 0 : i32
      %cond3A_207 = arith.cmpi ne, %convert_element_type3A_205, %cond3A_206 : i32
      scf.if %cond3A_207 {
        %sub3A = arith.constant 4 : i32
        %sub3A_479 = arith.subi %add3A_174, %sub3A : i32
        %dma_wait3A_480 = arith.constant 5 : i32
        %dma_wait3A_481 = arith.constant 5 : i32
        %dma_wait3A_482 = arith.constant 0 : i32
        %dma_wait3A_483 = arith.constant 0 : i32
        %dma_wait3A_484 = tpu.memref_slice %arg9[%dma_wait3A_480, %dma_wait3A_482, %dma_wait3A_483] : memref<8x128x16xf32, #tpu.memory_space<vmem>> -> memref<1x128x16xf32, #tpu.memory_space<vmem>>
        %dma_wait3A_485 = tpu.memref_squeeze %dma_wait3A_484 : memref<1x128x16xf32, #tpu.memory_space<vmem>> -> memref<128x16xf32, #tpu.memory_space<vmem>>
        %dma_wait3A_486 = arith.constant 0 : i32
        %dma_wait3A_487 = tpu.memref_slice %arg8[%sub3A_479, %dma_wait3A_486] : memref<80x128xi32, #tpu.memory_space<vmem>> -> memref<1x128xi32, #tpu.memory_space<vmem>>
        %dma_wait3A_488 = tpu.memref_squeeze %dma_wait3A_487 : memref<1x128xi32, #tpu.memory_space<vmem>> -> memref<128xi32, #tpu.memory_space<vmem>>
        %dma_wait3A_489 = arith.constant 0 : i32
        %dma_wait3A_490 = arith.constant 0 : i32
        %dma_wait3A_491 = tpu.memref_slice %arg10[%dma_wait3A_489, %dma_wait3A_490] : memref<10240x16xf32, #tpu.memory_space<vmem_shared>> -> memref<10240x16xf32, #tpu.memory_space<vmem_shared>>
        %dma_wait3A_492 = tpu.memref_slice %arg13[%dma_wait3A_481] : memref<8x!tpu.dma_semaphore, #tpu.memory_space<semaphore_mem>> -> memref<1x!tpu.dma_semaphore, #tpu.memory_space<semaphore_mem>>
        %dma_wait3A_493 = tpu.memref_squeeze %dma_wait3A_492 : memref<1x!tpu.dma_semaphore, #tpu.memory_space<semaphore_mem>> -> memref<!tpu.dma_semaphore, #tpu.memory_space<semaphore_mem>>
        tpu.wait_indirect_dma semaphore(%dma_wait3A_493 : memref<!tpu.dma_semaphore, #tpu.memory_space<semaphore_mem>>) src(%dma_wait3A_485 : memref<128x16xf32, #tpu.memory_space<vmem>>) dst(%dma_wait3A_491 : memref<10240x16xf32, #tpu.memory_space<vmem_shared>>)
      } else {
      }
      %add3A_208 = arith.constant 4 : i32
      %add3A_209 = arith.addi %add3A_174, %add3A_208 : i32
      %lt3A_210 = arith.constant 80 : i32
      %lt3A_211 = arith.cmpi slt, %add3A_209, %lt3A_210 : i32
      %convert_element_type3A_212 = arith.extui %lt3A_211 : i1 to i32
      %cond3A_213 = arith.constant 0 : i32
      %cond3A_214 = arith.cmpi ne, %convert_element_type3A_212, %cond3A_213 : i32
      scf.if %cond3A_214 {
        %add3A_479 = arith.constant 4 : i32
        %add3A_480 = arith.addi %add3A_174, %add3A_479 : i32
        %dma_start3A_481 = arith.constant 5 : i32
        %dma_start3A_482 = arith.constant 5 : i32
        %dma_start3A_483 = arith.constant 0 : i32
        %dma_start3A_484 = arith.constant 0 : i32
        %dma_start3A_485 = tpu.memref_slice %arg9[%dma_start3A_481, %dma_start3A_483, %dma_start3A_484] : memref<8x128x16xf32, #tpu.memory_space<vmem>> -> memref<1x128x16xf32, #tpu.memory_space<vmem>>
        %dma_start3A_486 = tpu.memref_squeeze %dma_start3A_485 : memref<1x128x16xf32, #tpu.memory_space<vmem>> -> memref<128x16xf32, #tpu.memory_space<vmem>>
        %dma_start3A_487 = arith.constant 0 : i32
        %dma_start3A_488 = tpu.memref_slice %arg7[%add3A_480, %dma_start3A_487] : memref<80x128xi32, #tpu.memory_space<vmem>> -> memref<1x128xi32, #tpu.memory_space<vmem>>
        %dma_start3A_489 = tpu.memref_squeeze %dma_start3A_488 : memref<1x128xi32, #tpu.memory_space<vmem>> -> memref<128xi32, #tpu.memory_space<vmem>>
        %dma_start3A_490 = arith.constant 0 : i32
        %dma_start3A_491 = arith.constant 0 : i32
        %dma_start3A_492 = tpu.memref_slice %arg11[%dma_start3A_490, %dma_start3A_491] : memref<10240x16xf32, #tpu.memory_space<vmem_shared>> -> memref<10240x16xf32, #tpu.memory_space<vmem_shared>>
        %dma_start3A_493 = tpu.memref_slice %arg12[%dma_start3A_482] : memref<8x!tpu.dma_semaphore, #tpu.memory_space<semaphore_mem>> -> memref<1x!tpu.dma_semaphore, #tpu.memory_space<semaphore_mem>>
        %dma_start3A_494 = tpu.memref_squeeze %dma_start3A_493 : memref<1x!tpu.dma_semaphore, #tpu.memory_space<semaphore_mem>> -> memref<!tpu.dma_semaphore, #tpu.memory_space<semaphore_mem>>
        tpu.enqueue_indirect_dma source(%dma_start3A_492 : memref<10240x16xf32, #tpu.memory_space<vmem_shared>>) target(%dma_start3A_486 : memref<128x16xf32, #tpu.memory_space<vmem>>) offsets(%dma_start3A_489 : memref<128xi32, #tpu.memory_space<vmem>>) semaphore(%dma_start3A_494 : memref<!tpu.dma_semaphore, #tpu.memory_space<semaphore_mem>>)
      } else {
      }
      %mul3A_215 = arith.constant 8 : i32
      %mul3A_216 = arith.muli %scan3A_130, %mul3A_215 : i32
      %add3A_217 = arith.constant 2 : i32
      %add3A_218 = arith.addi %mul3A_216, %add3A_217 : i32
      %dma_wait3A_219 = arith.constant 2 : i32
      %dma_wait3A_220 = arith.constant 2 : i32
      %dma_wait3A_221 = arith.constant 0 : i32
      %dma_wait3A_222 = arith.constant 0 : i32
      %dma_wait3A_223 = tpu.memref_slice %arg9[%dma_wait3A_219, %dma_wait3A_221, %dma_wait3A_222] : memref<8x128x16xf32, #tpu.memory_space<vmem>> -> memref<1x128x16xf32, #tpu.memory_space<vmem>>
      %dma_wait3A_224 = tpu.memref_squeeze %dma_wait3A_223 : memref<1x128x16xf32, #tpu.memory_space<vmem>> -> memref<128x16xf32, #tpu.memory_space<vmem>>
      %dma_wait3A_225 = arith.constant 0 : i32
      %dma_wait3A_226 = tpu.memref_slice %arg7[%add3A_218, %dma_wait3A_225] : memref<80x128xi32, #tpu.memory_space<vmem>> -> memref<1x128xi32, #tpu.memory_space<vmem>>
      %dma_wait3A_227 = tpu.memref_squeeze %dma_wait3A_226 : memref<1x128xi32, #tpu.memory_space<vmem>> -> memref<128xi32, #tpu.memory_space<vmem>>
      %dma_wait3A_228 = arith.constant 0 : i32
      %dma_wait3A_229 = arith.constant 0 : i32
      %dma_wait3A_230 = tpu.memref_slice %arg11[%dma_wait3A_228, %dma_wait3A_229] : memref<10240x16xf32, #tpu.memory_space<vmem_shared>> -> memref<10240x16xf32, #tpu.memory_space<vmem_shared>>
      %dma_wait3A_231 = tpu.memref_slice %arg12[%dma_wait3A_220] : memref<8x!tpu.dma_semaphore, #tpu.memory_space<semaphore_mem>> -> memref<1x!tpu.dma_semaphore, #tpu.memory_space<semaphore_mem>>
      %dma_wait3A_232 = tpu.memref_squeeze %dma_wait3A_231 : memref<1x!tpu.dma_semaphore, #tpu.memory_space<semaphore_mem>> -> memref<!tpu.dma_semaphore, #tpu.memory_space<semaphore_mem>>
      tpu.wait_indirect_dma semaphore(%dma_wait3A_232 : memref<!tpu.dma_semaphore, #tpu.memory_space<semaphore_mem>>) src(%dma_wait3A_230 : memref<10240x16xf32, #tpu.memory_space<vmem_shared>>) dst(%dma_wait3A_224 : memref<128x16xf32, #tpu.memory_space<vmem>>)
      %dma_start3A_233 = arith.constant 2 : i32
      %dma_start3A_234 = arith.constant 2 : i32
      %dma_start3A_235 = arith.constant 0 : i32
      %dma_start3A_236 = arith.constant 0 : i32
      %dma_start3A_237 = tpu.memref_slice %arg9[%dma_start3A_233, %dma_start3A_235, %dma_start3A_236] : memref<8x128x16xf32, #tpu.memory_space<vmem>> -> memref<1x128x16xf32, #tpu.memory_space<vmem>>
      %dma_start3A_238 = tpu.memref_squeeze %dma_start3A_237 : memref<1x128x16xf32, #tpu.memory_space<vmem>> -> memref<128x16xf32, #tpu.memory_space<vmem>>
      %dma_start3A_239 = arith.constant 0 : i32
      %dma_start3A_240 = tpu.memref_slice %arg8[%add3A_218, %dma_start3A_239] : memref<80x128xi32, #tpu.memory_space<vmem>> -> memref<1x128xi32, #tpu.memory_space<vmem>>
      %dma_start3A_241 = tpu.memref_squeeze %dma_start3A_240 : memref<1x128xi32, #tpu.memory_space<vmem>> -> memref<128xi32, #tpu.memory_space<vmem>>
      %dma_start3A_242 = arith.constant 0 : i32
      %dma_start3A_243 = arith.constant 0 : i32
      %dma_start3A_244 = tpu.memref_slice %arg10[%dma_start3A_242, %dma_start3A_243] : memref<10240x16xf32, #tpu.memory_space<vmem_shared>> -> memref<10240x16xf32, #tpu.memory_space<vmem_shared>>
      %dma_start3A_245 = tpu.memref_slice %arg13[%dma_start3A_234] : memref<8x!tpu.dma_semaphore, #tpu.memory_space<semaphore_mem>> -> memref<1x!tpu.dma_semaphore, #tpu.memory_space<semaphore_mem>>
      %dma_start3A_246 = tpu.memref_squeeze %dma_start3A_245 : memref<1x!tpu.dma_semaphore, #tpu.memory_space<semaphore_mem>> -> memref<!tpu.dma_semaphore, #tpu.memory_space<semaphore_mem>>
      tpu.enqueue_indirect_dma source(%dma_start3A_238 : memref<128x16xf32, #tpu.memory_space<vmem>>) target(%dma_start3A_244 : memref<10240x16xf32, #tpu.memory_space<vmem_shared>>) offsets(%dma_start3A_241 : memref<128xi32, #tpu.memory_space<vmem>>) semaphore(%dma_start3A_246 : memref<!tpu.dma_semaphore, #tpu.memory_space<semaphore_mem>>) {add = true}
      %ge3A_247 = arith.constant 4 : i32
      %ge3A_248 = arith.cmpi sge, %add3A_218, %ge3A_247 : i32
      %convert_element_type3A_249 = arith.extui %ge3A_248 : i1 to i32
      %cond3A_250 = arith.constant 0 : i32
      %cond3A_251 = arith.cmpi ne, %convert_element_type3A_249, %cond3A_250 : i32
      scf.if %cond3A_251 {
        %sub3A = arith.constant 4 : i32
        %sub3A_479 = arith.subi %add3A_218, %sub3A : i32
        %dma_wait3A_480 = arith.constant 6 : i32
        %dma_wait3A_481 = arith.constant 6 : i32
        %dma_wait3A_482 = arith.constant 0 : i32
        %dma_wait3A_483 = arith.constant 0 : i32
        %dma_wait3A_484 = tpu.memref_slice %arg9[%dma_wait3A_480, %dma_wait3A_482, %dma_wait3A_483] : memref<8x128x16xf32, #tpu.memory_space<vmem>> -> memref<1x128x16xf32, #tpu.memory_space<vmem>>
        %dma_wait3A_485 = tpu.memref_squeeze %dma_wait3A_484 : memref<1x128x16xf32, #tpu.memory_space<vmem>> -> memref<128x16xf32, #tpu.memory_space<vmem>>
        %dma_wait3A_486 = arith.constant 0 : i32
        %dma_wait3A_487 = tpu.memref_slice %arg8[%sub3A_479, %dma_wait3A_486] : memref<80x128xi32, #tpu.memory_space<vmem>> -> memref<1x128xi32, #tpu.memory_space<vmem>>
        %dma_wait3A_488 = tpu.memref_squeeze %dma_wait3A_487 : memref<1x128xi32, #tpu.memory_space<vmem>> -> memref<128xi32, #tpu.memory_space<vmem>>
        %dma_wait3A_489 = arith.constant 0 : i32
        %dma_wait3A_490 = arith.constant 0 : i32
        %dma_wait3A_491 = tpu.memref_slice %arg10[%dma_wait3A_489, %dma_wait3A_490] : memref<10240x16xf32, #tpu.memory_space<vmem_shared>> -> memref<10240x16xf32, #tpu.memory_space<vmem_shared>>
        %dma_wait3A_492 = tpu.memref_slice %arg13[%dma_wait3A_481] : memref<8x!tpu.dma_semaphore, #tpu.memory_space<semaphore_mem>> -> memref<1x!tpu.dma_semaphore, #tpu.memory_space<semaphore_mem>>
        %dma_wait3A_493 = tpu.memref_squeeze %dma_wait3A_492 : memref<1x!tpu.dma_semaphore, #tpu.memory_space<semaphore_mem>> -> memref<!tpu.dma_semaphore, #tpu.memory_space<semaphore_mem>>
        tpu.wait_indirect_dma semaphore(%dma_wait3A_493 : memref<!tpu.dma_semaphore, #tpu.memory_space<semaphore_mem>>) src(%dma_wait3A_485 : memref<128x16xf32, #tpu.memory_space<vmem>>) dst(%dma_wait3A_491 : memref<10240x16xf32, #tpu.memory_space<vmem_shared>>)
      } else {
      }
      %add3A_252 = arith.constant 4 : i32
      %add3A_253 = arith.addi %add3A_218, %add3A_252 : i32
      %lt3A_254 = arith.constant 80 : i32
      %lt3A_255 = arith.cmpi slt, %add3A_253, %lt3A_254 : i32
      %convert_element_type3A_256 = arith.extui %lt3A_255 : i1 to i32
      %cond3A_257 = arith.constant 0 : i32
      %cond3A_258 = arith.cmpi ne, %convert_element_type3A_256, %cond3A_257 : i32
      scf.if %cond3A_258 {
        %add3A_479 = arith.constant 4 : i32
        %add3A_480 = arith.addi %add3A_218, %add3A_479 : i32
        %dma_start3A_481 = arith.constant 6 : i32
        %dma_start3A_482 = arith.constant 6 : i32
        %dma_start3A_483 = arith.constant 0 : i32
        %dma_start3A_484 = arith.constant 0 : i32
        %dma_start3A_485 = tpu.memref_slice %arg9[%dma_start3A_481, %dma_start3A_483, %dma_start3A_484] : memref<8x128x16xf32, #tpu.memory_space<vmem>> -> memref<1x128x16xf32, #tpu.memory_space<vmem>>
        %dma_start3A_486 = tpu.memref_squeeze %dma_start3A_485 : memref<1x128x16xf32, #tpu.memory_space<vmem>> -> memref<128x16xf32, #tpu.memory_space<vmem>>
        %dma_start3A_487 = arith.constant 0 : i32
        %dma_start3A_488 = tpu.memref_slice %arg7[%add3A_480, %dma_start3A_487] : memref<80x128xi32, #tpu.memory_space<vmem>> -> memref<1x128xi32, #tpu.memory_space<vmem>>
        %dma_start3A_489 = tpu.memref_squeeze %dma_start3A_488 : memref<1x128xi32, #tpu.memory_space<vmem>> -> memref<128xi32, #tpu.memory_space<vmem>>
        %dma_start3A_490 = arith.constant 0 : i32
        %dma_start3A_491 = arith.constant 0 : i32
        %dma_start3A_492 = tpu.memref_slice %arg11[%dma_start3A_490, %dma_start3A_491] : memref<10240x16xf32, #tpu.memory_space<vmem_shared>> -> memref<10240x16xf32, #tpu.memory_space<vmem_shared>>
        %dma_start3A_493 = tpu.memref_slice %arg12[%dma_start3A_482] : memref<8x!tpu.dma_semaphore, #tpu.memory_space<semaphore_mem>> -> memref<1x!tpu.dma_semaphore, #tpu.memory_space<semaphore_mem>>
        %dma_start3A_494 = tpu.memref_squeeze %dma_start3A_493 : memref<1x!tpu.dma_semaphore, #tpu.memory_space<semaphore_mem>> -> memref<!tpu.dma_semaphore, #tpu.memory_space<semaphore_mem>>
        tpu.enqueue_indirect_dma source(%dma_start3A_492 : memref<10240x16xf32, #tpu.memory_space<vmem_shared>>) target(%dma_start3A_486 : memref<128x16xf32, #tpu.memory_space<vmem>>) offsets(%dma_start3A_489 : memref<128xi32, #tpu.memory_space<vmem>>) semaphore(%dma_start3A_494 : memref<!tpu.dma_semaphore, #tpu.memory_space<semaphore_mem>>)
      } else {
      }
      %mul3A_259 = arith.constant 8 : i32
      %mul3A_260 = arith.muli %scan3A_130, %mul3A_259 : i32
      %add3A_261 = arith.constant 3 : i32
      %add3A_262 = arith.addi %mul3A_260, %add3A_261 : i32
      %dma_wait3A_263 = arith.constant 3 : i32
      %dma_wait3A_264 = arith.constant 3 : i32
      %dma_wait3A_265 = arith.constant 0 : i32
      %dma_wait3A_266 = arith.constant 0 : i32
      %dma_wait3A_267 = tpu.memref_slice %arg9[%dma_wait3A_263, %dma_wait3A_265, %dma_wait3A_266] : memref<8x128x16xf32, #tpu.memory_space<vmem>> -> memref<1x128x16xf32, #tpu.memory_space<vmem>>
      %dma_wait3A_268 = tpu.memref_squeeze %dma_wait3A_267 : memref<1x128x16xf32, #tpu.memory_space<vmem>> -> memref<128x16xf32, #tpu.memory_space<vmem>>
      %dma_wait3A_269 = arith.constant 0 : i32
      %dma_wait3A_270 = tpu.memref_slice %arg7[%add3A_262, %dma_wait3A_269] : memref<80x128xi32, #tpu.memory_space<vmem>> -> memref<1x128xi32, #tpu.memory_space<vmem>>
      %dma_wait3A_271 = tpu.memref_squeeze %dma_wait3A_270 : memref<1x128xi32, #tpu.memory_space<vmem>> -> memref<128xi32, #tpu.memory_space<vmem>>
      %dma_wait3A_272 = arith.constant 0 : i32
      %dma_wait3A_273 = arith.constant 0 : i32
      %dma_wait3A_274 = tpu.memref_slice %arg11[%dma_wait3A_272, %dma_wait3A_273] : memref<10240x16xf32, #tpu.memory_space<vmem_shared>> -> memref<10240x16xf32, #tpu.memory_space<vmem_shared>>
      %dma_wait3A_275 = tpu.memref_slice %arg12[%dma_wait3A_264] : memref<8x!tpu.dma_semaphore, #tpu.memory_space<semaphore_mem>> -> memref<1x!tpu.dma_semaphore, #tpu.memory_space<semaphore_mem>>
      %dma_wait3A_276 = tpu.memref_squeeze %dma_wait3A_275 : memref<1x!tpu.dma_semaphore, #tpu.memory_space<semaphore_mem>> -> memref<!tpu.dma_semaphore, #tpu.memory_space<semaphore_mem>>
      tpu.wait_indirect_dma semaphore(%dma_wait3A_276 : memref<!tpu.dma_semaphore, #tpu.memory_space<semaphore_mem>>) src(%dma_wait3A_274 : memref<10240x16xf32, #tpu.memory_space<vmem_shared>>) dst(%dma_wait3A_268 : memref<128x16xf32, #tpu.memory_space<vmem>>)
      %dma_start3A_277 = arith.constant 3 : i32
      %dma_start3A_278 = arith.constant 3 : i32
      %dma_start3A_279 = arith.constant 0 : i32
      %dma_start3A_280 = arith.constant 0 : i32
      %dma_start3A_281 = tpu.memref_slice %arg9[%dma_start3A_277, %dma_start3A_279, %dma_start3A_280] : memref<8x128x16xf32, #tpu.memory_space<vmem>> -> memref<1x128x16xf32, #tpu.memory_space<vmem>>
      %dma_start3A_282 = tpu.memref_squeeze %dma_start3A_281 : memref<1x128x16xf32, #tpu.memory_space<vmem>> -> memref<128x16xf32, #tpu.memory_space<vmem>>
      %dma_start3A_283 = arith.constant 0 : i32
      %dma_start3A_284 = tpu.memref_slice %arg8[%add3A_262, %dma_start3A_283] : memref<80x128xi32, #tpu.memory_space<vmem>> -> memref<1x128xi32, #tpu.memory_space<vmem>>
      %dma_start3A_285 = tpu.memref_squeeze %dma_start3A_284 : memref<1x128xi32, #tpu.memory_space<vmem>> -> memref<128xi32, #tpu.memory_space<vmem>>
      %dma_start3A_286 = arith.constant 0 : i32
      %dma_start3A_287 = arith.constant 0 : i32
      %dma_start3A_288 = tpu.memref_slice %arg10[%dma_start3A_286, %dma_start3A_287] : memref<10240x16xf32, #tpu.memory_space<vmem_shared>> -> memref<10240x16xf32, #tpu.memory_space<vmem_shared>>
      %dma_start3A_289 = tpu.memref_slice %arg13[%dma_start3A_278] : memref<8x!tpu.dma_semaphore, #tpu.memory_space<semaphore_mem>> -> memref<1x!tpu.dma_semaphore, #tpu.memory_space<semaphore_mem>>
      %dma_start3A_290 = tpu.memref_squeeze %dma_start3A_289 : memref<1x!tpu.dma_semaphore, #tpu.memory_space<semaphore_mem>> -> memref<!tpu.dma_semaphore, #tpu.memory_space<semaphore_mem>>
      tpu.enqueue_indirect_dma source(%dma_start3A_282 : memref<128x16xf32, #tpu.memory_space<vmem>>) target(%dma_start3A_288 : memref<10240x16xf32, #tpu.memory_space<vmem_shared>>) offsets(%dma_start3A_285 : memref<128xi32, #tpu.memory_space<vmem>>) semaphore(%dma_start3A_290 : memref<!tpu.dma_semaphore, #tpu.memory_space<semaphore_mem>>) {add = true}
      %ge3A_291 = arith.constant 4 : i32
      %ge3A_292 = arith.cmpi sge, %add3A_262, %ge3A_291 : i32
      %convert_element_type3A_293 = arith.extui %ge3A_292 : i1 to i32
      %cond3A_294 = arith.constant 0 : i32
      %cond3A_295 = arith.cmpi ne, %convert_element_type3A_293, %cond3A_294 : i32
      scf.if %cond3A_295 {
        %sub3A = arith.constant 4 : i32
        %sub3A_479 = arith.subi %add3A_262, %sub3A : i32
        %dma_wait3A_480 = arith.constant 7 : i32
        %dma_wait3A_481 = arith.constant 7 : i32
        %dma_wait3A_482 = arith.constant 0 : i32
        %dma_wait3A_483 = arith.constant 0 : i32
        %dma_wait3A_484 = tpu.memref_slice %arg9[%dma_wait3A_480, %dma_wait3A_482, %dma_wait3A_483] : memref<8x128x16xf32, #tpu.memory_space<vmem>> -> memref<1x128x16xf32, #tpu.memory_space<vmem>>
        %dma_wait3A_485 = tpu.memref_squeeze %dma_wait3A_484 : memref<1x128x16xf32, #tpu.memory_space<vmem>> -> memref<128x16xf32, #tpu.memory_space<vmem>>
        %dma_wait3A_486 = arith.constant 0 : i32
        %dma_wait3A_487 = tpu.memref_slice %arg8[%sub3A_479, %dma_wait3A_486] : memref<80x128xi32, #tpu.memory_space<vmem>> -> memref<1x128xi32, #tpu.memory_space<vmem>>
        %dma_wait3A_488 = tpu.memref_squeeze %dma_wait3A_487 : memref<1x128xi32, #tpu.memory_space<vmem>> -> memref<128xi32, #tpu.memory_space<vmem>>
        %dma_wait3A_489 = arith.constant 0 : i32
        %dma_wait3A_490 = arith.constant 0 : i32
        %dma_wait3A_491 = tpu.memref_slice %arg10[%dma_wait3A_489, %dma_wait3A_490] : memref<10240x16xf32, #tpu.memory_space<vmem_shared>> -> memref<10240x16xf32, #tpu.memory_space<vmem_shared>>
        %dma_wait3A_492 = tpu.memref_slice %arg13[%dma_wait3A_481] : memref<8x!tpu.dma_semaphore, #tpu.memory_space<semaphore_mem>> -> memref<1x!tpu.dma_semaphore, #tpu.memory_space<semaphore_mem>>
        %dma_wait3A_493 = tpu.memref_squeeze %dma_wait3A_492 : memref<1x!tpu.dma_semaphore, #tpu.memory_space<semaphore_mem>> -> memref<!tpu.dma_semaphore, #tpu.memory_space<semaphore_mem>>
        tpu.wait_indirect_dma semaphore(%dma_wait3A_493 : memref<!tpu.dma_semaphore, #tpu.memory_space<semaphore_mem>>) src(%dma_wait3A_485 : memref<128x16xf32, #tpu.memory_space<vmem>>) dst(%dma_wait3A_491 : memref<10240x16xf32, #tpu.memory_space<vmem_shared>>)
      } else {
      }
      %add3A_296 = arith.constant 4 : i32
      %add3A_297 = arith.addi %add3A_262, %add3A_296 : i32
      %lt3A_298 = arith.constant 80 : i32
      %lt3A_299 = arith.cmpi slt, %add3A_297, %lt3A_298 : i32
      %convert_element_type3A_300 = arith.extui %lt3A_299 : i1 to i32
      %cond3A_301 = arith.constant 0 : i32
      %cond3A_302 = arith.cmpi ne, %convert_element_type3A_300, %cond3A_301 : i32
      scf.if %cond3A_302 {
        %add3A_479 = arith.constant 4 : i32
        %add3A_480 = arith.addi %add3A_262, %add3A_479 : i32
        %dma_start3A_481 = arith.constant 7 : i32
        %dma_start3A_482 = arith.constant 7 : i32
        %dma_start3A_483 = arith.constant 0 : i32
        %dma_start3A_484 = arith.constant 0 : i32
        %dma_start3A_485 = tpu.memref_slice %arg9[%dma_start3A_481, %dma_start3A_483, %dma_start3A_484] : memref<8x128x16xf32, #tpu.memory_space<vmem>> -> memref<1x128x16xf32, #tpu.memory_space<vmem>>
        %dma_start3A_486 = tpu.memref_squeeze %dma_start3A_485 : memref<1x128x16xf32, #tpu.memory_space<vmem>> -> memref<128x16xf32, #tpu.memory_space<vmem>>
        %dma_start3A_487 = arith.constant 0 : i32
        %dma_start3A_488 = tpu.memref_slice %arg7[%add3A_480, %dma_start3A_487] : memref<80x128xi32, #tpu.memory_space<vmem>> -> memref<1x128xi32, #tpu.memory_space<vmem>>
        %dma_start3A_489 = tpu.memref_squeeze %dma_start3A_488 : memref<1x128xi32, #tpu.memory_space<vmem>> -> memref<128xi32, #tpu.memory_space<vmem>>
        %dma_start3A_490 = arith.constant 0 : i32
        %dma_start3A_491 = arith.constant 0 : i32
        %dma_start3A_492 = tpu.memref_slice %arg11[%dma_start3A_490, %dma_start3A_491] : memref<10240x16xf32, #tpu.memory_space<vmem_shared>> -> memref<10240x16xf32, #tpu.memory_space<vmem_shared>>
        %dma_start3A_493 = tpu.memref_slice %arg12[%dma_start3A_482] : memref<8x!tpu.dma_semaphore, #tpu.memory_space<semaphore_mem>> -> memref<1x!tpu.dma_semaphore, #tpu.memory_space<semaphore_mem>>
        %dma_start3A_494 = tpu.memref_squeeze %dma_start3A_493 : memref<1x!tpu.dma_semaphore, #tpu.memory_space<semaphore_mem>> -> memref<!tpu.dma_semaphore, #tpu.memory_space<semaphore_mem>>
        tpu.enqueue_indirect_dma source(%dma_start3A_492 : memref<10240x16xf32, #tpu.memory_space<vmem_shared>>) target(%dma_start3A_486 : memref<128x16xf32, #tpu.memory_space<vmem>>) offsets(%dma_start3A_489 : memref<128xi32, #tpu.memory_space<vmem>>) semaphore(%dma_start3A_494 : memref<!tpu.dma_semaphore, #tpu.memory_space<semaphore_mem>>)
      } else {
      }
      %mul3A_303 = arith.constant 8 : i32
      %mul3A_304 = arith.muli %scan3A_130, %mul3A_303 : i32
      %add3A_305 = arith.constant 4 : i32
      %add3A_306 = arith.addi %mul3A_304, %add3A_305 : i32
      %dma_wait3A_307 = arith.constant 4 : i32
      %dma_wait3A_308 = arith.constant 4 : i32
      %dma_wait3A_309 = arith.constant 0 : i32
      %dma_wait3A_310 = arith.constant 0 : i32
      %dma_wait3A_311 = tpu.memref_slice %arg9[%dma_wait3A_307, %dma_wait3A_309, %dma_wait3A_310] : memref<8x128x16xf32, #tpu.memory_space<vmem>> -> memref<1x128x16xf32, #tpu.memory_space<vmem>>
      %dma_wait3A_312 = tpu.memref_squeeze %dma_wait3A_311 : memref<1x128x16xf32, #tpu.memory_space<vmem>> -> memref<128x16xf32, #tpu.memory_space<vmem>>
      %dma_wait3A_313 = arith.constant 0 : i32
      %dma_wait3A_314 = tpu.memref_slice %arg7[%add3A_306, %dma_wait3A_313] : memref<80x128xi32, #tpu.memory_space<vmem>> -> memref<1x128xi32, #tpu.memory_space<vmem>>
      %dma_wait3A_315 = tpu.memref_squeeze %dma_wait3A_314 : memref<1x128xi32, #tpu.memory_space<vmem>> -> memref<128xi32, #tpu.memory_space<vmem>>
      %dma_wait3A_316 = arith.constant 0 : i32
      %dma_wait3A_317 = arith.constant 0 : i32
      %dma_wait3A_318 = tpu.memref_slice %arg11[%dma_wait3A_316, %dma_wait3A_317] : memref<10240x16xf32, #tpu.memory_space<vmem_shared>> -> memref<10240x16xf32, #tpu.memory_space<vmem_shared>>
      %dma_wait3A_319 = tpu.memref_slice %arg12[%dma_wait3A_308] : memref<8x!tpu.dma_semaphore, #tpu.memory_space<semaphore_mem>> -> memref<1x!tpu.dma_semaphore, #tpu.memory_space<semaphore_mem>>
      %dma_wait3A_320 = tpu.memref_squeeze %dma_wait3A_319 : memref<1x!tpu.dma_semaphore, #tpu.memory_space<semaphore_mem>> -> memref<!tpu.dma_semaphore, #tpu.memory_space<semaphore_mem>>
      tpu.wait_indirect_dma semaphore(%dma_wait3A_320 : memref<!tpu.dma_semaphore, #tpu.memory_space<semaphore_mem>>) src(%dma_wait3A_318 : memref<10240x16xf32, #tpu.memory_space<vmem_shared>>) dst(%dma_wait3A_312 : memref<128x16xf32, #tpu.memory_space<vmem>>)
      %dma_start3A_321 = arith.constant 4 : i32
      %dma_start3A_322 = arith.constant 4 : i32
      %dma_start3A_323 = arith.constant 0 : i32
      %dma_start3A_324 = arith.constant 0 : i32
      %dma_start3A_325 = tpu.memref_slice %arg9[%dma_start3A_321, %dma_start3A_323, %dma_start3A_324] : memref<8x128x16xf32, #tpu.memory_space<vmem>> -> memref<1x128x16xf32, #tpu.memory_space<vmem>>
      %dma_start3A_326 = tpu.memref_squeeze %dma_start3A_325 : memref<1x128x16xf32, #tpu.memory_space<vmem>> -> memref<128x16xf32, #tpu.memory_space<vmem>>
      %dma_start3A_327 = arith.constant 0 : i32
      %dma_start3A_328 = tpu.memref_slice %arg8[%add3A_306, %dma_start3A_327] : memref<80x128xi32, #tpu.memory_space<vmem>> -> memref<1x128xi32, #tpu.memory_space<vmem>>
      %dma_start3A_329 = tpu.memref_squeeze %dma_start3A_328 : memref<1x128xi32, #tpu.memory_space<vmem>> -> memref<128xi32, #tpu.memory_space<vmem>>
      %dma_start3A_330 = arith.constant 0 : i32
      %dma_start3A_331 = arith.constant 0 : i32
      %dma_start3A_332 = tpu.memref_slice %arg10[%dma_start3A_330, %dma_start3A_331] : memref<10240x16xf32, #tpu.memory_space<vmem_shared>> -> memref<10240x16xf32, #tpu.memory_space<vmem_shared>>
      %dma_start3A_333 = tpu.memref_slice %arg13[%dma_start3A_322] : memref<8x!tpu.dma_semaphore, #tpu.memory_space<semaphore_mem>> -> memref<1x!tpu.dma_semaphore, #tpu.memory_space<semaphore_mem>>
      %dma_start3A_334 = tpu.memref_squeeze %dma_start3A_333 : memref<1x!tpu.dma_semaphore, #tpu.memory_space<semaphore_mem>> -> memref<!tpu.dma_semaphore, #tpu.memory_space<semaphore_mem>>
      tpu.enqueue_indirect_dma source(%dma_start3A_326 : memref<128x16xf32, #tpu.memory_space<vmem>>) target(%dma_start3A_332 : memref<10240x16xf32, #tpu.memory_space<vmem_shared>>) offsets(%dma_start3A_329 : memref<128xi32, #tpu.memory_space<vmem>>) semaphore(%dma_start3A_334 : memref<!tpu.dma_semaphore, #tpu.memory_space<semaphore_mem>>) {add = true}
      %ge3A_335 = arith.constant 4 : i32
      %ge3A_336 = arith.cmpi sge, %add3A_306, %ge3A_335 : i32
      %convert_element_type3A_337 = arith.extui %ge3A_336 : i1 to i32
      %cond3A_338 = arith.constant 0 : i32
      %cond3A_339 = arith.cmpi ne, %convert_element_type3A_337, %cond3A_338 : i32
      scf.if %cond3A_339 {
        %sub3A = arith.constant 4 : i32
        %sub3A_479 = arith.subi %add3A_306, %sub3A : i32
        %dma_wait3A_480 = arith.constant 0 : i32
        %dma_wait3A_481 = arith.constant 0 : i32
        %dma_wait3A_482 = arith.constant 0 : i32
        %dma_wait3A_483 = arith.constant 0 : i32
        %dma_wait3A_484 = tpu.memref_slice %arg9[%dma_wait3A_480, %dma_wait3A_482, %dma_wait3A_483] : memref<8x128x16xf32, #tpu.memory_space<vmem>> -> memref<1x128x16xf32, #tpu.memory_space<vmem>>
        %dma_wait3A_485 = tpu.memref_squeeze %dma_wait3A_484 : memref<1x128x16xf32, #tpu.memory_space<vmem>> -> memref<128x16xf32, #tpu.memory_space<vmem>>
        %dma_wait3A_486 = arith.constant 0 : i32
        %dma_wait3A_487 = tpu.memref_slice %arg8[%sub3A_479, %dma_wait3A_486] : memref<80x128xi32, #tpu.memory_space<vmem>> -> memref<1x128xi32, #tpu.memory_space<vmem>>
        %dma_wait3A_488 = tpu.memref_squeeze %dma_wait3A_487 : memref<1x128xi32, #tpu.memory_space<vmem>> -> memref<128xi32, #tpu.memory_space<vmem>>
        %dma_wait3A_489 = arith.constant 0 : i32
        %dma_wait3A_490 = arith.constant 0 : i32
        %dma_wait3A_491 = tpu.memref_slice %arg10[%dma_wait3A_489, %dma_wait3A_490] : memref<10240x16xf32, #tpu.memory_space<vmem_shared>> -> memref<10240x16xf32, #tpu.memory_space<vmem_shared>>
        %dma_wait3A_492 = tpu.memref_slice %arg13[%dma_wait3A_481] : memref<8x!tpu.dma_semaphore, #tpu.memory_space<semaphore_mem>> -> memref<1x!tpu.dma_semaphore, #tpu.memory_space<semaphore_mem>>
        %dma_wait3A_493 = tpu.memref_squeeze %dma_wait3A_492 : memref<1x!tpu.dma_semaphore, #tpu.memory_space<semaphore_mem>> -> memref<!tpu.dma_semaphore, #tpu.memory_space<semaphore_mem>>
        tpu.wait_indirect_dma semaphore(%dma_wait3A_493 : memref<!tpu.dma_semaphore, #tpu.memory_space<semaphore_mem>>) src(%dma_wait3A_485 : memref<128x16xf32, #tpu.memory_space<vmem>>) dst(%dma_wait3A_491 : memref<10240x16xf32, #tpu.memory_space<vmem_shared>>)
      } else {
      }
      %add3A_340 = arith.constant 4 : i32
      %add3A_341 = arith.addi %add3A_306, %add3A_340 : i32
      %lt3A_342 = arith.constant 80 : i32
      %lt3A_343 = arith.cmpi slt, %add3A_341, %lt3A_342 : i32
      %convert_element_type3A_344 = arith.extui %lt3A_343 : i1 to i32
      %cond3A_345 = arith.constant 0 : i32
      %cond3A_346 = arith.cmpi ne, %convert_element_type3A_344, %cond3A_345 : i32
      scf.if %cond3A_346 {
        %add3A_479 = arith.constant 4 : i32
        %add3A_480 = arith.addi %add3A_306, %add3A_479 : i32
        %dma_start3A_481 = arith.constant 0 : i32
        %dma_start3A_482 = arith.constant 0 : i32
        %dma_start3A_483 = arith.constant 0 : i32
        %dma_start3A_484 = arith.constant 0 : i32
        %dma_start3A_485 = tpu.memref_slice %arg9[%dma_start3A_481, %dma_start3A_483, %dma_start3A_484] : memref<8x128x16xf32, #tpu.memory_space<vmem>> -> memref<1x128x16xf32, #tpu.memory_space<vmem>>
        %dma_start3A_486 = tpu.memref_squeeze %dma_start3A_485 : memref<1x128x16xf32, #tpu.memory_space<vmem>> -> memref<128x16xf32, #tpu.memory_space<vmem>>
        %dma_start3A_487 = arith.constant 0 : i32
        %dma_start3A_488 = tpu.memref_slice %arg7[%add3A_480, %dma_start3A_487] : memref<80x128xi32, #tpu.memory_space<vmem>> -> memref<1x128xi32, #tpu.memory_space<vmem>>
        %dma_start3A_489 = tpu.memref_squeeze %dma_start3A_488 : memref<1x128xi32, #tpu.memory_space<vmem>> -> memref<128xi32, #tpu.memory_space<vmem>>
        %dma_start3A_490 = arith.constant 0 : i32
        %dma_start3A_491 = arith.constant 0 : i32
        %dma_start3A_492 = tpu.memref_slice %arg11[%dma_start3A_490, %dma_start3A_491] : memref<10240x16xf32, #tpu.memory_space<vmem_shared>> -> memref<10240x16xf32, #tpu.memory_space<vmem_shared>>
        %dma_start3A_493 = tpu.memref_slice %arg12[%dma_start3A_482] : memref<8x!tpu.dma_semaphore, #tpu.memory_space<semaphore_mem>> -> memref<1x!tpu.dma_semaphore, #tpu.memory_space<semaphore_mem>>
        %dma_start3A_494 = tpu.memref_squeeze %dma_start3A_493 : memref<1x!tpu.dma_semaphore, #tpu.memory_space<semaphore_mem>> -> memref<!tpu.dma_semaphore, #tpu.memory_space<semaphore_mem>>
        tpu.enqueue_indirect_dma source(%dma_start3A_492 : memref<10240x16xf32, #tpu.memory_space<vmem_shared>>) target(%dma_start3A_486 : memref<128x16xf32, #tpu.memory_space<vmem>>) offsets(%dma_start3A_489 : memref<128xi32, #tpu.memory_space<vmem>>) semaphore(%dma_start3A_494 : memref<!tpu.dma_semaphore, #tpu.memory_space<semaphore_mem>>)
      } else {
      }
      %mul3A_347 = arith.constant 8 : i32
      %mul3A_348 = arith.muli %scan3A_130, %mul3A_347 : i32
      %add3A_349 = arith.constant 5 : i32
      %add3A_350 = arith.addi %mul3A_348, %add3A_349 : i32
      %dma_wait3A_351 = arith.constant 5 : i32
      %dma_wait3A_352 = arith.constant 5 : i32
      %dma_wait3A_353 = arith.constant 0 : i32
      %dma_wait3A_354 = arith.constant 0 : i32
      %dma_wait3A_355 = tpu.memref_slice %arg9[%dma_wait3A_351, %dma_wait3A_353, %dma_wait3A_354] : memref<8x128x16xf32, #tpu.memory_space<vmem>> -> memref<1x128x16xf32, #tpu.memory_space<vmem>>
      %dma_wait3A_356 = tpu.memref_squeeze %dma_wait3A_355 : memref<1x128x16xf32, #tpu.memory_space<vmem>> -> memref<128x16xf32, #tpu.memory_space<vmem>>
      %dma_wait3A_357 = arith.constant 0 : i32
      %dma_wait3A_358 = tpu.memref_slice %arg7[%add3A_350, %dma_wait3A_357] : memref<80x128xi32, #tpu.memory_space<vmem>> -> memref<1x128xi32, #tpu.memory_space<vmem>>
      %dma_wait3A_359 = tpu.memref_squeeze %dma_wait3A_358 : memref<1x128xi32, #tpu.memory_space<vmem>> -> memref<128xi32, #tpu.memory_space<vmem>>
      %dma_wait3A_360 = arith.constant 0 : i32
      %dma_wait3A_361 = arith.constant 0 : i32
      %dma_wait3A_362 = tpu.memref_slice %arg11[%dma_wait3A_360, %dma_wait3A_361] : memref<10240x16xf32, #tpu.memory_space<vmem_shared>> -> memref<10240x16xf32, #tpu.memory_space<vmem_shared>>
      %dma_wait3A_363 = tpu.memref_slice %arg12[%dma_wait3A_352] : memref<8x!tpu.dma_semaphore, #tpu.memory_space<semaphore_mem>> -> memref<1x!tpu.dma_semaphore, #tpu.memory_space<semaphore_mem>>
      %dma_wait3A_364 = tpu.memref_squeeze %dma_wait3A_363 : memref<1x!tpu.dma_semaphore, #tpu.memory_space<semaphore_mem>> -> memref<!tpu.dma_semaphore, #tpu.memory_space<semaphore_mem>>
      tpu.wait_indirect_dma semaphore(%dma_wait3A_364 : memref<!tpu.dma_semaphore, #tpu.memory_space<semaphore_mem>>) src(%dma_wait3A_362 : memref<10240x16xf32, #tpu.memory_space<vmem_shared>>) dst(%dma_wait3A_356 : memref<128x16xf32, #tpu.memory_space<vmem>>)
      %dma_start3A_365 = arith.constant 5 : i32
      %dma_start3A_366 = arith.constant 5 : i32
      %dma_start3A_367 = arith.constant 0 : i32
      %dma_start3A_368 = arith.constant 0 : i32
      %dma_start3A_369 = tpu.memref_slice %arg9[%dma_start3A_365, %dma_start3A_367, %dma_start3A_368] : memref<8x128x16xf32, #tpu.memory_space<vmem>> -> memref<1x128x16xf32, #tpu.memory_space<vmem>>
      %dma_start3A_370 = tpu.memref_squeeze %dma_start3A_369 : memref<1x128x16xf32, #tpu.memory_space<vmem>> -> memref<128x16xf32, #tpu.memory_space<vmem>>
      %dma_start3A_371 = arith.constant 0 : i32
      %dma_start3A_372 = tpu.memref_slice %arg8[%add3A_350, %dma_start3A_371] : memref<80x128xi32, #tpu.memory_space<vmem>> -> memref<1x128xi32, #tpu.memory_space<vmem>>
      %dma_start3A_373 = tpu.memref_squeeze %dma_start3A_372 : memref<1x128xi32, #tpu.memory_space<vmem>> -> memref<128xi32, #tpu.memory_space<vmem>>
      %dma_start3A_374 = arith.constant 0 : i32
      %dma_start3A_375 = arith.constant 0 : i32
      %dma_start3A_376 = tpu.memref_slice %arg10[%dma_start3A_374, %dma_start3A_375] : memref<10240x16xf32, #tpu.memory_space<vmem_shared>> -> memref<10240x16xf32, #tpu.memory_space<vmem_shared>>
      %dma_start3A_377 = tpu.memref_slice %arg13[%dma_start3A_366] : memref<8x!tpu.dma_semaphore, #tpu.memory_space<semaphore_mem>> -> memref<1x!tpu.dma_semaphore, #tpu.memory_space<semaphore_mem>>
      %dma_start3A_378 = tpu.memref_squeeze %dma_start3A_377 : memref<1x!tpu.dma_semaphore, #tpu.memory_space<semaphore_mem>> -> memref<!tpu.dma_semaphore, #tpu.memory_space<semaphore_mem>>
      tpu.enqueue_indirect_dma source(%dma_start3A_370 : memref<128x16xf32, #tpu.memory_space<vmem>>) target(%dma_start3A_376 : memref<10240x16xf32, #tpu.memory_space<vmem_shared>>) offsets(%dma_start3A_373 : memref<128xi32, #tpu.memory_space<vmem>>) semaphore(%dma_start3A_378 : memref<!tpu.dma_semaphore, #tpu.memory_space<semaphore_mem>>) {add = true}
      %ge3A_379 = arith.constant 4 : i32
      %ge3A_380 = arith.cmpi sge, %add3A_350, %ge3A_379 : i32
      %convert_element_type3A_381 = arith.extui %ge3A_380 : i1 to i32
      %cond3A_382 = arith.constant 0 : i32
      %cond3A_383 = arith.cmpi ne, %convert_element_type3A_381, %cond3A_382 : i32
      scf.if %cond3A_383 {
        %sub3A = arith.constant 4 : i32
        %sub3A_479 = arith.subi %add3A_350, %sub3A : i32
        %dma_wait3A_480 = arith.constant 1 : i32
        %dma_wait3A_481 = arith.constant 1 : i32
        %dma_wait3A_482 = arith.constant 0 : i32
        %dma_wait3A_483 = arith.constant 0 : i32
        %dma_wait3A_484 = tpu.memref_slice %arg9[%dma_wait3A_480, %dma_wait3A_482, %dma_wait3A_483] : memref<8x128x16xf32, #tpu.memory_space<vmem>> -> memref<1x128x16xf32, #tpu.memory_space<vmem>>
        %dma_wait3A_485 = tpu.memref_squeeze %dma_wait3A_484 : memref<1x128x16xf32, #tpu.memory_space<vmem>> -> memref<128x16xf32, #tpu.memory_space<vmem>>
        %dma_wait3A_486 = arith.constant 0 : i32
        %dma_wait3A_487 = tpu.memref_slice %arg8[%sub3A_479, %dma_wait3A_486] : memref<80x128xi32, #tpu.memory_space<vmem>> -> memref<1x128xi32, #tpu.memory_space<vmem>>
        %dma_wait3A_488 = tpu.memref_squeeze %dma_wait3A_487 : memref<1x128xi32, #tpu.memory_space<vmem>> -> memref<128xi32, #tpu.memory_space<vmem>>
        %dma_wait3A_489 = arith.constant 0 : i32
        %dma_wait3A_490 = arith.constant 0 : i32
        %dma_wait3A_491 = tpu.memref_slice %arg10[%dma_wait3A_489, %dma_wait3A_490] : memref<10240x16xf32, #tpu.memory_space<vmem_shared>> -> memref<10240x16xf32, #tpu.memory_space<vmem_shared>>
        %dma_wait3A_492 = tpu.memref_slice %arg13[%dma_wait3A_481] : memref<8x!tpu.dma_semaphore, #tpu.memory_space<semaphore_mem>> -> memref<1x!tpu.dma_semaphore, #tpu.memory_space<semaphore_mem>>
        %dma_wait3A_493 = tpu.memref_squeeze %dma_wait3A_492 : memref<1x!tpu.dma_semaphore, #tpu.memory_space<semaphore_mem>> -> memref<!tpu.dma_semaphore, #tpu.memory_space<semaphore_mem>>
        tpu.wait_indirect_dma semaphore(%dma_wait3A_493 : memref<!tpu.dma_semaphore, #tpu.memory_space<semaphore_mem>>) src(%dma_wait3A_485 : memref<128x16xf32, #tpu.memory_space<vmem>>) dst(%dma_wait3A_491 : memref<10240x16xf32, #tpu.memory_space<vmem_shared>>)
      } else {
      }
      %add3A_384 = arith.constant 4 : i32
      %add3A_385 = arith.addi %add3A_350, %add3A_384 : i32
      %lt3A_386 = arith.constant 80 : i32
      %lt3A_387 = arith.cmpi slt, %add3A_385, %lt3A_386 : i32
      %convert_element_type3A_388 = arith.extui %lt3A_387 : i1 to i32
      %cond3A_389 = arith.constant 0 : i32
      %cond3A_390 = arith.cmpi ne, %convert_element_type3A_388, %cond3A_389 : i32
      scf.if %cond3A_390 {
        %add3A_479 = arith.constant 4 : i32
        %add3A_480 = arith.addi %add3A_350, %add3A_479 : i32
        %dma_start3A_481 = arith.constant 1 : i32
        %dma_start3A_482 = arith.constant 1 : i32
        %dma_start3A_483 = arith.constant 0 : i32
        %dma_start3A_484 = arith.constant 0 : i32
        %dma_start3A_485 = tpu.memref_slice %arg9[%dma_start3A_481, %dma_start3A_483, %dma_start3A_484] : memref<8x128x16xf32, #tpu.memory_space<vmem>> -> memref<1x128x16xf32, #tpu.memory_space<vmem>>
        %dma_start3A_486 = tpu.memref_squeeze %dma_start3A_485 : memref<1x128x16xf32, #tpu.memory_space<vmem>> -> memref<128x16xf32, #tpu.memory_space<vmem>>
        %dma_start3A_487 = arith.constant 0 : i32
        %dma_start3A_488 = tpu.memref_slice %arg7[%add3A_480, %dma_start3A_487] : memref<80x128xi32, #tpu.memory_space<vmem>> -> memref<1x128xi32, #tpu.memory_space<vmem>>
        %dma_start3A_489 = tpu.memref_squeeze %dma_start3A_488 : memref<1x128xi32, #tpu.memory_space<vmem>> -> memref<128xi32, #tpu.memory_space<vmem>>
        %dma_start3A_490 = arith.constant 0 : i32
        %dma_start3A_491 = arith.constant 0 : i32
        %dma_start3A_492 = tpu.memref_slice %arg11[%dma_start3A_490, %dma_start3A_491] : memref<10240x16xf32, #tpu.memory_space<vmem_shared>> -> memref<10240x16xf32, #tpu.memory_space<vmem_shared>>
        %dma_start3A_493 = tpu.memref_slice %arg12[%dma_start3A_482] : memref<8x!tpu.dma_semaphore, #tpu.memory_space<semaphore_mem>> -> memref<1x!tpu.dma_semaphore, #tpu.memory_space<semaphore_mem>>
        %dma_start3A_494 = tpu.memref_squeeze %dma_start3A_493 : memref<1x!tpu.dma_semaphore, #tpu.memory_space<semaphore_mem>> -> memref<!tpu.dma_semaphore, #tpu.memory_space<semaphore_mem>>
        tpu.enqueue_indirect_dma source(%dma_start3A_492 : memref<10240x16xf32, #tpu.memory_space<vmem_shared>>) target(%dma_start3A_486 : memref<128x16xf32, #tpu.memory_space<vmem>>) offsets(%dma_start3A_489 : memref<128xi32, #tpu.memory_space<vmem>>) semaphore(%dma_start3A_494 : memref<!tpu.dma_semaphore, #tpu.memory_space<semaphore_mem>>)
      } else {
      }
      %mul3A_391 = arith.constant 8 : i32
      %mul3A_392 = arith.muli %scan3A_130, %mul3A_391 : i32
      %add3A_393 = arith.constant 6 : i32
      %add3A_394 = arith.addi %mul3A_392, %add3A_393 : i32
      %dma_wait3A_395 = arith.constant 6 : i32
      %dma_wait3A_396 = arith.constant 6 : i32
      %dma_wait3A_397 = arith.constant 0 : i32
      %dma_wait3A_398 = arith.constant 0 : i32
      %dma_wait3A_399 = tpu.memref_slice %arg9[%dma_wait3A_395, %dma_wait3A_397, %dma_wait3A_398] : memref<8x128x16xf32, #tpu.memory_space<vmem>> -> memref<1x128x16xf32, #tpu.memory_space<vmem>>
      %dma_wait3A_400 = tpu.memref_squeeze %dma_wait3A_399 : memref<1x128x16xf32, #tpu.memory_space<vmem>> -> memref<128x16xf32, #tpu.memory_space<vmem>>
      %dma_wait3A_401 = arith.constant 0 : i32
      %dma_wait3A_402 = tpu.memref_slice %arg7[%add3A_394, %dma_wait3A_401] : memref<80x128xi32, #tpu.memory_space<vmem>> -> memref<1x128xi32, #tpu.memory_space<vmem>>
      %dma_wait3A_403 = tpu.memref_squeeze %dma_wait3A_402 : memref<1x128xi32, #tpu.memory_space<vmem>> -> memref<128xi32, #tpu.memory_space<vmem>>
      %dma_wait3A_404 = arith.constant 0 : i32
      %dma_wait3A_405 = arith.constant 0 : i32
      %dma_wait3A_406 = tpu.memref_slice %arg11[%dma_wait3A_404, %dma_wait3A_405] : memref<10240x16xf32, #tpu.memory_space<vmem_shared>> -> memref<10240x16xf32, #tpu.memory_space<vmem_shared>>
      %dma_wait3A_407 = tpu.memref_slice %arg12[%dma_wait3A_396] : memref<8x!tpu.dma_semaphore, #tpu.memory_space<semaphore_mem>> -> memref<1x!tpu.dma_semaphore, #tpu.memory_space<semaphore_mem>>
      %dma_wait3A_408 = tpu.memref_squeeze %dma_wait3A_407 : memref<1x!tpu.dma_semaphore, #tpu.memory_space<semaphore_mem>> -> memref<!tpu.dma_semaphore, #tpu.memory_space<semaphore_mem>>
      tpu.wait_indirect_dma semaphore(%dma_wait3A_408 : memref<!tpu.dma_semaphore, #tpu.memory_space<semaphore_mem>>) src(%dma_wait3A_406 : memref<10240x16xf32, #tpu.memory_space<vmem_shared>>) dst(%dma_wait3A_400 : memref<128x16xf32, #tpu.memory_space<vmem>>)
      %dma_start3A_409 = arith.constant 6 : i32
      %dma_start3A_410 = arith.constant 6 : i32
      %dma_start3A_411 = arith.constant 0 : i32
      %dma_start3A_412 = arith.constant 0 : i32
      %dma_start3A_413 = tpu.memref_slice %arg9[%dma_start3A_409, %dma_start3A_411, %dma_start3A_412] : memref<8x128x16xf32, #tpu.memory_space<vmem>> -> memref<1x128x16xf32, #tpu.memory_space<vmem>>
      %dma_start3A_414 = tpu.memref_squeeze %dma_start3A_413 : memref<1x128x16xf32, #tpu.memory_space<vmem>> -> memref<128x16xf32, #tpu.memory_space<vmem>>
      %dma_start3A_415 = arith.constant 0 : i32
      %dma_start3A_416 = tpu.memref_slice %arg8[%add3A_394, %dma_start3A_415] : memref<80x128xi32, #tpu.memory_space<vmem>> -> memref<1x128xi32, #tpu.memory_space<vmem>>
      %dma_start3A_417 = tpu.memref_squeeze %dma_start3A_416 : memref<1x128xi32, #tpu.memory_space<vmem>> -> memref<128xi32, #tpu.memory_space<vmem>>
      %dma_start3A_418 = arith.constant 0 : i32
      %dma_start3A_419 = arith.constant 0 : i32
      %dma_start3A_420 = tpu.memref_slice %arg10[%dma_start3A_418, %dma_start3A_419] : memref<10240x16xf32, #tpu.memory_space<vmem_shared>> -> memref<10240x16xf32, #tpu.memory_space<vmem_shared>>
      %dma_start3A_421 = tpu.memref_slice %arg13[%dma_start3A_410] : memref<8x!tpu.dma_semaphore, #tpu.memory_space<semaphore_mem>> -> memref<1x!tpu.dma_semaphore, #tpu.memory_space<semaphore_mem>>
      %dma_start3A_422 = tpu.memref_squeeze %dma_start3A_421 : memref<1x!tpu.dma_semaphore, #tpu.memory_space<semaphore_mem>> -> memref<!tpu.dma_semaphore, #tpu.memory_space<semaphore_mem>>
      tpu.enqueue_indirect_dma source(%dma_start3A_414 : memref<128x16xf32, #tpu.memory_space<vmem>>) target(%dma_start3A_420 : memref<10240x16xf32, #tpu.memory_space<vmem_shared>>) offsets(%dma_start3A_417 : memref<128xi32, #tpu.memory_space<vmem>>) semaphore(%dma_start3A_422 : memref<!tpu.dma_semaphore, #tpu.memory_space<semaphore_mem>>) {add = true}
      %ge3A_423 = arith.constant 4 : i32
      %ge3A_424 = arith.cmpi sge, %add3A_394, %ge3A_423 : i32
      %convert_element_type3A_425 = arith.extui %ge3A_424 : i1 to i32
      %cond3A_426 = arith.constant 0 : i32
      %cond3A_427 = arith.cmpi ne, %convert_element_type3A_425, %cond3A_426 : i32
      scf.if %cond3A_427 {
        %sub3A = arith.constant 4 : i32
        %sub3A_479 = arith.subi %add3A_394, %sub3A : i32
        %dma_wait3A_480 = arith.constant 2 : i32
        %dma_wait3A_481 = arith.constant 2 : i32
        %dma_wait3A_482 = arith.constant 0 : i32
        %dma_wait3A_483 = arith.constant 0 : i32
        %dma_wait3A_484 = tpu.memref_slice %arg9[%dma_wait3A_480, %dma_wait3A_482, %dma_wait3A_483] : memref<8x128x16xf32, #tpu.memory_space<vmem>> -> memref<1x128x16xf32, #tpu.memory_space<vmem>>
        %dma_wait3A_485 = tpu.memref_squeeze %dma_wait3A_484 : memref<1x128x16xf32, #tpu.memory_space<vmem>> -> memref<128x16xf32, #tpu.memory_space<vmem>>
        %dma_wait3A_486 = arith.constant 0 : i32
        %dma_wait3A_487 = tpu.memref_slice %arg8[%sub3A_479, %dma_wait3A_486] : memref<80x128xi32, #tpu.memory_space<vmem>> -> memref<1x128xi32, #tpu.memory_space<vmem>>
        %dma_wait3A_488 = tpu.memref_squeeze %dma_wait3A_487 : memref<1x128xi32, #tpu.memory_space<vmem>> -> memref<128xi32, #tpu.memory_space<vmem>>
        %dma_wait3A_489 = arith.constant 0 : i32
        %dma_wait3A_490 = arith.constant 0 : i32
        %dma_wait3A_491 = tpu.memref_slice %arg10[%dma_wait3A_489, %dma_wait3A_490] : memref<10240x16xf32, #tpu.memory_space<vmem_shared>> -> memref<10240x16xf32, #tpu.memory_space<vmem_shared>>
        %dma_wait3A_492 = tpu.memref_slice %arg13[%dma_wait3A_481] : memref<8x!tpu.dma_semaphore, #tpu.memory_space<semaphore_mem>> -> memref<1x!tpu.dma_semaphore, #tpu.memory_space<semaphore_mem>>
        %dma_wait3A_493 = tpu.memref_squeeze %dma_wait3A_492 : memref<1x!tpu.dma_semaphore, #tpu.memory_space<semaphore_mem>> -> memref<!tpu.dma_semaphore, #tpu.memory_space<semaphore_mem>>
        tpu.wait_indirect_dma semaphore(%dma_wait3A_493 : memref<!tpu.dma_semaphore, #tpu.memory_space<semaphore_mem>>) src(%dma_wait3A_485 : memref<128x16xf32, #tpu.memory_space<vmem>>) dst(%dma_wait3A_491 : memref<10240x16xf32, #tpu.memory_space<vmem_shared>>)
      } else {
      }
      %add3A_428 = arith.constant 4 : i32
      %add3A_429 = arith.addi %add3A_394, %add3A_428 : i32
      %lt3A_430 = arith.constant 80 : i32
      %lt3A_431 = arith.cmpi slt, %add3A_429, %lt3A_430 : i32
      %convert_element_type3A_432 = arith.extui %lt3A_431 : i1 to i32
      %cond3A_433 = arith.constant 0 : i32
      %cond3A_434 = arith.cmpi ne, %convert_element_type3A_432, %cond3A_433 : i32
      scf.if %cond3A_434 {
        %add3A_479 = arith.constant 4 : i32
        %add3A_480 = arith.addi %add3A_394, %add3A_479 : i32
        %dma_start3A_481 = arith.constant 2 : i32
        %dma_start3A_482 = arith.constant 2 : i32
        %dma_start3A_483 = arith.constant 0 : i32
        %dma_start3A_484 = arith.constant 0 : i32
        %dma_start3A_485 = tpu.memref_slice %arg9[%dma_start3A_481, %dma_start3A_483, %dma_start3A_484] : memref<8x128x16xf32, #tpu.memory_space<vmem>> -> memref<1x128x16xf32, #tpu.memory_space<vmem>>
        %dma_start3A_486 = tpu.memref_squeeze %dma_start3A_485 : memref<1x128x16xf32, #tpu.memory_space<vmem>> -> memref<128x16xf32, #tpu.memory_space<vmem>>
        %dma_start3A_487 = arith.constant 0 : i32
        %dma_start3A_488 = tpu.memref_slice %arg7[%add3A_480, %dma_start3A_487] : memref<80x128xi32, #tpu.memory_space<vmem>> -> memref<1x128xi32, #tpu.memory_space<vmem>>
        %dma_start3A_489 = tpu.memref_squeeze %dma_start3A_488 : memref<1x128xi32, #tpu.memory_space<vmem>> -> memref<128xi32, #tpu.memory_space<vmem>>
        %dma_start3A_490 = arith.constant 0 : i32
        %dma_start3A_491 = arith.constant 0 : i32
        %dma_start3A_492 = tpu.memref_slice %arg11[%dma_start3A_490, %dma_start3A_491] : memref<10240x16xf32, #tpu.memory_space<vmem_shared>> -> memref<10240x16xf32, #tpu.memory_space<vmem_shared>>
        %dma_start3A_493 = tpu.memref_slice %arg12[%dma_start3A_482] : memref<8x!tpu.dma_semaphore, #tpu.memory_space<semaphore_mem>> -> memref<1x!tpu.dma_semaphore, #tpu.memory_space<semaphore_mem>>
        %dma_start3A_494 = tpu.memref_squeeze %dma_start3A_493 : memref<1x!tpu.dma_semaphore, #tpu.memory_space<semaphore_mem>> -> memref<!tpu.dma_semaphore, #tpu.memory_space<semaphore_mem>>
        tpu.enqueue_indirect_dma source(%dma_start3A_492 : memref<10240x16xf32, #tpu.memory_space<vmem_shared>>) target(%dma_start3A_486 : memref<128x16xf32, #tpu.memory_space<vmem>>) offsets(%dma_start3A_489 : memref<128xi32, #tpu.memory_space<vmem>>) semaphore(%dma_start3A_494 : memref<!tpu.dma_semaphore, #tpu.memory_space<semaphore_mem>>)
      } else {
      }
      %mul3A_435 = arith.constant 8 : i32
      %mul3A_436 = arith.muli %scan3A_130, %mul3A_435 : i32
      %add3A_437 = arith.constant 7 : i32
      %add3A_438 = arith.addi %mul3A_436, %add3A_437 : i32
      %dma_wait3A_439 = arith.constant 7 : i32
      %dma_wait3A_440 = arith.constant 7 : i32
      %dma_wait3A_441 = arith.constant 0 : i32
      %dma_wait3A_442 = arith.constant 0 : i32
      %dma_wait3A_443 = tpu.memref_slice %arg9[%dma_wait3A_439, %dma_wait3A_441, %dma_wait3A_442] : memref<8x128x16xf32, #tpu.memory_space<vmem>> -> memref<1x128x16xf32, #tpu.memory_space<vmem>>
      %dma_wait3A_444 = tpu.memref_squeeze %dma_wait3A_443 : memref<1x128x16xf32, #tpu.memory_space<vmem>> -> memref<128x16xf32, #tpu.memory_space<vmem>>
      %dma_wait3A_445 = arith.constant 0 : i32
      %dma_wait3A_446 = tpu.memref_slice %arg7[%add3A_438, %dma_wait3A_445] : memref<80x128xi32, #tpu.memory_space<vmem>> -> memref<1x128xi32, #tpu.memory_space<vmem>>
      %dma_wait3A_447 = tpu.memref_squeeze %dma_wait3A_446 : memref<1x128xi32, #tpu.memory_space<vmem>> -> memref<128xi32, #tpu.memory_space<vmem>>
      %dma_wait3A_448 = arith.constant 0 : i32
      %dma_wait3A_449 = arith.constant 0 : i32
      %dma_wait3A_450 = tpu.memref_slice %arg11[%dma_wait3A_448, %dma_wait3A_449] : memref<10240x16xf32, #tpu.memory_space<vmem_shared>> -> memref<10240x16xf32, #tpu.memory_space<vmem_shared>>
      %dma_wait3A_451 = tpu.memref_slice %arg12[%dma_wait3A_440] : memref<8x!tpu.dma_semaphore, #tpu.memory_space<semaphore_mem>> -> memref<1x!tpu.dma_semaphore, #tpu.memory_space<semaphore_mem>>
      %dma_wait3A_452 = tpu.memref_squeeze %dma_wait3A_451 : memref<1x!tpu.dma_semaphore, #tpu.memory_space<semaphore_mem>> -> memref<!tpu.dma_semaphore, #tpu.memory_space<semaphore_mem>>
      tpu.wait_indirect_dma semaphore(%dma_wait3A_452 : memref<!tpu.dma_semaphore, #tpu.memory_space<semaphore_mem>>) src(%dma_wait3A_450 : memref<10240x16xf32, #tpu.memory_space<vmem_shared>>) dst(%dma_wait3A_444 : memref<128x16xf32, #tpu.memory_space<vmem>>)
      %dma_start3A_453 = arith.constant 7 : i32
      %dma_start3A_454 = arith.constant 7 : i32
      %dma_start3A_455 = arith.constant 0 : i32
      %dma_start3A_456 = arith.constant 0 : i32
      %dma_start3A_457 = tpu.memref_slice %arg9[%dma_start3A_453, %dma_start3A_455, %dma_start3A_456] : memref<8x128x16xf32, #tpu.memory_space<vmem>> -> memref<1x128x16xf32, #tpu.memory_space<vmem>>
      %dma_start3A_458 = tpu.memref_squeeze %dma_start3A_457 : memref<1x128x16xf32, #tpu.memory_space<vmem>> -> memref<128x16xf32, #tpu.memory_space<vmem>>
      %dma_start3A_459 = arith.constant 0 : i32
      %dma_start3A_460 = tpu.memref_slice %arg8[%add3A_438, %dma_start3A_459] : memref<80x128xi32, #tpu.memory_space<vmem>> -> memref<1x128xi32, #tpu.memory_space<vmem>>
      %dma_start3A_461 = tpu.memref_squeeze %dma_start3A_460 : memref<1x128xi32, #tpu.memory_space<vmem>> -> memref<128xi32, #tpu.memory_space<vmem>>
      %dma_start3A_462 = arith.constant 0 : i32
      %dma_start3A_463 = arith.constant 0 : i32
      %dma_start3A_464 = tpu.memref_slice %arg10[%dma_start3A_462, %dma_start3A_463] : memref<10240x16xf32, #tpu.memory_space<vmem_shared>> -> memref<10240x16xf32, #tpu.memory_space<vmem_shared>>
      %dma_start3A_465 = tpu.memref_slice %arg13[%dma_start3A_454] : memref<8x!tpu.dma_semaphore, #tpu.memory_space<semaphore_mem>> -> memref<1x!tpu.dma_semaphore, #tpu.memory_space<semaphore_mem>>
      %dma_start3A_466 = tpu.memref_squeeze %dma_start3A_465 : memref<1x!tpu.dma_semaphore, #tpu.memory_space<semaphore_mem>> -> memref<!tpu.dma_semaphore, #tpu.memory_space<semaphore_mem>>
      tpu.enqueue_indirect_dma source(%dma_start3A_458 : memref<128x16xf32, #tpu.memory_space<vmem>>) target(%dma_start3A_464 : memref<10240x16xf32, #tpu.memory_space<vmem_shared>>) offsets(%dma_start3A_461 : memref<128xi32, #tpu.memory_space<vmem>>) semaphore(%dma_start3A_466 : memref<!tpu.dma_semaphore, #tpu.memory_space<semaphore_mem>>) {add = true}
      %ge3A_467 = arith.constant 4 : i32
      %ge3A_468 = arith.cmpi sge, %add3A_438, %ge3A_467 : i32
      %convert_element_type3A_469 = arith.extui %ge3A_468 : i1 to i32
      %cond3A_470 = arith.constant 0 : i32
      %cond3A_471 = arith.cmpi ne, %convert_element_type3A_469, %cond3A_470 : i32
      scf.if %cond3A_471 {
        %sub3A = arith.constant 4 : i32
        %sub3A_479 = arith.subi %add3A_438, %sub3A : i32
        %dma_wait3A_480 = arith.constant 3 : i32
        %dma_wait3A_481 = arith.constant 3 : i32
        %dma_wait3A_482 = arith.constant 0 : i32
        %dma_wait3A_483 = arith.constant 0 : i32
        %dma_wait3A_484 = tpu.memref_slice %arg9[%dma_wait3A_480, %dma_wait3A_482, %dma_wait3A_483] : memref<8x128x16xf32, #tpu.memory_space<vmem>> -> memref<1x128x16xf32, #tpu.memory_space<vmem>>
        %dma_wait3A_485 = tpu.memref_squeeze %dma_wait3A_484 : memref<1x128x16xf32, #tpu.memory_space<vmem>> -> memref<128x16xf32, #tpu.memory_space<vmem>>
        %dma_wait3A_486 = arith.constant 0 : i32
        %dma_wait3A_487 = tpu.memref_slice %arg8[%sub3A_479, %dma_wait3A_486] : memref<80x128xi32, #tpu.memory_space<vmem>> -> memref<1x128xi32, #tpu.memory_space<vmem>>
        %dma_wait3A_488 = tpu.memref_squeeze %dma_wait3A_487 : memref<1x128xi32, #tpu.memory_space<vmem>> -> memref<128xi32, #tpu.memory_space<vmem>>
        %dma_wait3A_489 = arith.constant 0 : i32
        %dma_wait3A_490 = arith.constant 0 : i32
        %dma_wait3A_491 = tpu.memref_slice %arg10[%dma_wait3A_489, %dma_wait3A_490] : memref<10240x16xf32, #tpu.memory_space<vmem_shared>> -> memref<10240x16xf32, #tpu.memory_space<vmem_shared>>
        %dma_wait3A_492 = tpu.memref_slice %arg13[%dma_wait3A_481] : memref<8x!tpu.dma_semaphore, #tpu.memory_space<semaphore_mem>> -> memref<1x!tpu.dma_semaphore, #tpu.memory_space<semaphore_mem>>
        %dma_wait3A_493 = tpu.memref_squeeze %dma_wait3A_492 : memref<1x!tpu.dma_semaphore, #tpu.memory_space<semaphore_mem>> -> memref<!tpu.dma_semaphore, #tpu.memory_space<semaphore_mem>>
        tpu.wait_indirect_dma semaphore(%dma_wait3A_493 : memref<!tpu.dma_semaphore, #tpu.memory_space<semaphore_mem>>) src(%dma_wait3A_485 : memref<128x16xf32, #tpu.memory_space<vmem>>) dst(%dma_wait3A_491 : memref<10240x16xf32, #tpu.memory_space<vmem_shared>>)
      } else {
      }
      %add3A_472 = arith.constant 4 : i32
      %add3A_473 = arith.addi %add3A_438, %add3A_472 : i32
      %lt3A_474 = arith.constant 80 : i32
      %lt3A_475 = arith.cmpi slt, %add3A_473, %lt3A_474 : i32
      %convert_element_type3A_476 = arith.extui %lt3A_475 : i1 to i32
      %cond3A_477 = arith.constant 0 : i32
      %cond3A_478 = arith.cmpi ne, %convert_element_type3A_476, %cond3A_477 : i32
      scf.if %cond3A_478 {
        %add3A_479 = arith.constant 4 : i32
        %add3A_480 = arith.addi %add3A_438, %add3A_479 : i32
        %dma_start3A_481 = arith.constant 3 : i32
        %dma_start3A_482 = arith.constant 3 : i32
        %dma_start3A_483 = arith.constant 0 : i32
        %dma_start3A_484 = arith.constant 0 : i32
        %dma_start3A_485 = tpu.memref_slice %arg9[%dma_start3A_481, %dma_start3A_483, %dma_start3A_484] : memref<8x128x16xf32, #tpu.memory_space<vmem>> -> memref<1x128x16xf32, #tpu.memory_space<vmem>>
        %dma_start3A_486 = tpu.memref_squeeze %dma_start3A_485 : memref<1x128x16xf32, #tpu.memory_space<vmem>> -> memref<128x16xf32, #tpu.memory_space<vmem>>
        %dma_start3A_487 = arith.constant 0 : i32
        %dma_start3A_488 = tpu.memref_slice %arg7[%add3A_480, %dma_start3A_487] : memref<80x128xi32, #tpu.memory_space<vmem>> -> memref<1x128xi32, #tpu.memory_space<vmem>>
        %dma_start3A_489 = tpu.memref_squeeze %dma_start3A_488 : memref<1x128xi32, #tpu.memory_space<vmem>> -> memref<128xi32, #tpu.memory_space<vmem>>
        %dma_start3A_490 = arith.constant 0 : i32
        %dma_start3A_491 = arith.constant 0 : i32
        %dma_start3A_492 = tpu.memref_slice %arg11[%dma_start3A_490, %dma_start3A_491] : memref<10240x16xf32, #tpu.memory_space<vmem_shared>> -> memref<10240x16xf32, #tpu.memory_space<vmem_shared>>
        %dma_start3A_493 = tpu.memref_slice %arg12[%dma_start3A_482] : memref<8x!tpu.dma_semaphore, #tpu.memory_space<semaphore_mem>> -> memref<1x!tpu.dma_semaphore, #tpu.memory_space<semaphore_mem>>
        %dma_start3A_494 = tpu.memref_squeeze %dma_start3A_493 : memref<1x!tpu.dma_semaphore, #tpu.memory_space<semaphore_mem>> -> memref<!tpu.dma_semaphore, #tpu.memory_space<semaphore_mem>>
        tpu.enqueue_indirect_dma source(%dma_start3A_492 : memref<10240x16xf32, #tpu.memory_space<vmem_shared>>) target(%dma_start3A_486 : memref<128x16xf32, #tpu.memory_space<vmem>>) offsets(%dma_start3A_489 : memref<128xi32, #tpu.memory_space<vmem>>) semaphore(%dma_start3A_494 : memref<!tpu.dma_semaphore, #tpu.memory_space<semaphore_mem>>)
      } else {
      }
    }
    %scan3A_66 = arith.constant 10 : i32
    %dma_wait3A = arith.constant 4 : i32
    %dma_wait3A_67 = arith.constant 76 : i32
    %dma_wait3A_68 = arith.constant 4 : i32
    %dma_wait3A_69 = arith.constant 0 : i32
    %dma_wait3A_70 = arith.constant 0 : i32
    %dma_wait3A_71 = tpu.memref_slice %arg9[%dma_wait3A, %dma_wait3A_69, %dma_wait3A_70] : memref<8x128x16xf32, #tpu.memory_space<vmem>> -> memref<1x128x16xf32, #tpu.memory_space<vmem>>
    %dma_wait3A_72 = tpu.memref_squeeze %dma_wait3A_71 : memref<1x128x16xf32, #tpu.memory_space<vmem>> -> memref<128x16xf32, #tpu.memory_space<vmem>>
    %dma_wait3A_73 = arith.constant 0 : i32
    %dma_wait3A_74 = tpu.memref_slice %arg8[%dma_wait3A_67, %dma_wait3A_73] : memref<80x128xi32, #tpu.memory_space<vmem>> -> memref<1x128xi32, #tpu.memory_space<vmem>>
    %dma_wait3A_75 = tpu.memref_squeeze %dma_wait3A_74 : memref<1x128xi32, #tpu.memory_space<vmem>> -> memref<128xi32, #tpu.memory_space<vmem>>
    %dma_wait3A_76 = arith.constant 0 : i32
    %dma_wait3A_77 = arith.constant 0 : i32
    %dma_wait3A_78 = tpu.memref_slice %arg10[%dma_wait3A_76, %dma_wait3A_77] : memref<10240x16xf32, #tpu.memory_space<vmem_shared>> -> memref<10240x16xf32, #tpu.memory_space<vmem_shared>>
    %dma_wait3A_79 = tpu.memref_slice %arg13[%dma_wait3A_68] : memref<8x!tpu.dma_semaphore, #tpu.memory_space<semaphore_mem>> -> memref<1x!tpu.dma_semaphore, #tpu.memory_space<semaphore_mem>>
    %dma_wait3A_80 = tpu.memref_squeeze %dma_wait3A_79 : memref<1x!tpu.dma_semaphore, #tpu.memory_space<semaphore_mem>> -> memref<!tpu.dma_semaphore, #tpu.memory_space<semaphore_mem>>
    tpu.wait_indirect_dma semaphore(%dma_wait3A_80 : memref<!tpu.dma_semaphore, #tpu.memory_space<semaphore_mem>>) src(%dma_wait3A_72 : memref<128x16xf32, #tpu.memory_space<vmem>>) dst(%dma_wait3A_78 : memref<10240x16xf32, #tpu.memory_space<vmem_shared>>)
    %dma_wait3A_81 = arith.constant 5 : i32
    %dma_wait3A_82 = arith.constant 77 : i32
    %dma_wait3A_83 = arith.constant 5 : i32
    %dma_wait3A_84 = arith.constant 0 : i32
    %dma_wait3A_85 = arith.constant 0 : i32
    %dma_wait3A_86 = tpu.memref_slice %arg9[%dma_wait3A_81, %dma_wait3A_84, %dma_wait3A_85] : memref<8x128x16xf32, #tpu.memory_space<vmem>> -> memref<1x128x16xf32, #tpu.memory_space<vmem>>
    %dma_wait3A_87 = tpu.memref_squeeze %dma_wait3A_86 : memref<1x128x16xf32, #tpu.memory_space<vmem>> -> memref<128x16xf32, #tpu.memory_space<vmem>>
    %dma_wait3A_88 = arith.constant 0 : i32
    %dma_wait3A_89 = tpu.memref_slice %arg8[%dma_wait3A_82, %dma_wait3A_88] : memref<80x128xi32, #tpu.memory_space<vmem>> -> memref<1x128xi32, #tpu.memory_space<vmem>>
    %dma_wait3A_90 = tpu.memref_squeeze %dma_wait3A_89 : memref<1x128xi32, #tpu.memory_space<vmem>> -> memref<128xi32, #tpu.memory_space<vmem>>
    %dma_wait3A_91 = arith.constant 0 : i32
    %dma_wait3A_92 = arith.constant 0 : i32
    %dma_wait3A_93 = tpu.memref_slice %arg10[%dma_wait3A_91, %dma_wait3A_92] : memref<10240x16xf32, #tpu.memory_space<vmem_shared>> -> memref<10240x16xf32, #tpu.memory_space<vmem_shared>>
    %dma_wait3A_94 = tpu.memref_slice %arg13[%dma_wait3A_83] : memref<8x!tpu.dma_semaphore, #tpu.memory_space<semaphore_mem>> -> memref<1x!tpu.dma_semaphore, #tpu.memory_space<semaphore_mem>>
    %dma_wait3A_95 = tpu.memref_squeeze %dma_wait3A_94 : memref<1x!tpu.dma_semaphore, #tpu.memory_space<semaphore_mem>> -> memref<!tpu.dma_semaphore, #tpu.memory_space<semaphore_mem>>
    tpu.wait_indirect_dma semaphore(%dma_wait3A_95 : memref<!tpu.dma_semaphore, #tpu.memory_space<semaphore_mem>>) src(%dma_wait3A_87 : memref<128x16xf32, #tpu.memory_space<vmem>>) dst(%dma_wait3A_93 : memref<10240x16xf32, #tpu.memory_space<vmem_shared>>)
    %dma_wait3A_96 = arith.constant 6 : i32
    %dma_wait3A_97 = arith.constant 78 : i32
    %dma_wait3A_98 = arith.constant 6 : i32
    %dma_wait3A_99 = arith.constant 0 : i32
    %dma_wait3A_100 = arith.constant 0 : i32
    %dma_wait3A_101 = tpu.memref_slice %arg9[%dma_wait3A_96, %dma_wait3A_99, %dma_wait3A_100] : memref<8x128x16xf32, #tpu.memory_space<vmem>> -> memref<1x128x16xf32, #tpu.memory_space<vmem>>
    %dma_wait3A_102 = tpu.memref_squeeze %dma_wait3A_101 : memref<1x128x16xf32, #tpu.memory_space<vmem>> -> memref<128x16xf32, #tpu.memory_space<vmem>>
    %dma_wait3A_103 = arith.constant 0 : i32
    %dma_wait3A_104 = tpu.memref_slice %arg8[%dma_wait3A_97, %dma_wait3A_103] : memref<80x128xi32, #tpu.memory_space<vmem>> -> memref<1x128xi32, #tpu.memory_space<vmem>>
    %dma_wait3A_105 = tpu.memref_squeeze %dma_wait3A_104 : memref<1x128xi32, #tpu.memory_space<vmem>> -> memref<128xi32, #tpu.memory_space<vmem>>
    %dma_wait3A_106 = arith.constant 0 : i32
    %dma_wait3A_107 = arith.constant 0 : i32
    %dma_wait3A_108 = tpu.memref_slice %arg10[%dma_wait3A_106, %dma_wait3A_107] : memref<10240x16xf32, #tpu.memory_space<vmem_shared>> -> memref<10240x16xf32, #tpu.memory_space<vmem_shared>>
    %dma_wait3A_109 = tpu.memref_slice %arg13[%dma_wait3A_98] : memref<8x!tpu.dma_semaphore, #tpu.memory_space<semaphore_mem>> -> memref<1x!tpu.dma_semaphore, #tpu.memory_space<semaphore_mem>>
    %dma_wait3A_110 = tpu.memref_squeeze %dma_wait3A_109 : memref<1x!tpu.dma_semaphore, #tpu.memory_space<semaphore_mem>> -> memref<!tpu.dma_semaphore, #tpu.memory_space<semaphore_mem>>
    tpu.wait_indirect_dma semaphore(%dma_wait3A_110 : memref<!tpu.dma_semaphore, #tpu.memory_space<semaphore_mem>>) src(%dma_wait3A_102 : memref<128x16xf32, #tpu.memory_space<vmem>>) dst(%dma_wait3A_108 : memref<10240x16xf32, #tpu.memory_space<vmem_shared>>)
    %dma_wait3A_111 = arith.constant 7 : i32
    %dma_wait3A_112 = arith.constant 79 : i32
    %dma_wait3A_113 = arith.constant 7 : i32
    %dma_wait3A_114 = arith.constant 0 : i32
    %dma_wait3A_115 = arith.constant 0 : i32
    %dma_wait3A_116 = tpu.memref_slice %arg9[%dma_wait3A_111, %dma_wait3A_114, %dma_wait3A_115] : memref<8x128x16xf32, #tpu.memory_space<vmem>> -> memref<1x128x16xf32, #tpu.memory_space<vmem>>
    %dma_wait3A_117 = tpu.memref_squeeze %dma_wait3A_116 : memref<1x128x16xf32, #tpu.memory_space<vmem>> -> memref<128x16xf32, #tpu.memory_space<vmem>>
    %dma_wait3A_118 = arith.constant 0 : i32
    %dma_wait3A_119 = tpu.memref_slice %arg8[%dma_wait3A_112, %dma_wait3A_118] : memref<80x128xi32, #tpu.memory_space<vmem>> -> memref<1x128xi32, #tpu.memory_space<vmem>>
    %dma_wait3A_120 = tpu.memref_squeeze %dma_wait3A_119 : memref<1x128xi32, #tpu.memory_space<vmem>> -> memref<128xi32, #tpu.memory_space<vmem>>
    %dma_wait3A_121 = arith.constant 0 : i32
    %dma_wait3A_122 = arith.constant 0 : i32
    %dma_wait3A_123 = tpu.memref_slice %arg10[%dma_wait3A_121, %dma_wait3A_122] : memref<10240x16xf32, #tpu.memory_space<vmem_shared>> -> memref<10240x16xf32, #tpu.memory_space<vmem_shared>>
    %dma_wait3A_124 = tpu.memref_slice %arg13[%dma_wait3A_113] : memref<8x!tpu.dma_semaphore, #tpu.memory_space<semaphore_mem>> -> memref<1x!tpu.dma_semaphore, #tpu.memory_space<semaphore_mem>>
    %dma_wait3A_125 = tpu.memref_squeeze %dma_wait3A_124 : memref<1x!tpu.dma_semaphore, #tpu.memory_space<semaphore_mem>> -> memref<!tpu.dma_semaphore, #tpu.memory_space<semaphore_mem>>
    tpu.wait_indirect_dma semaphore(%dma_wait3A_125 : memref<!tpu.dma_semaphore, #tpu.memory_space<semaphore_mem>>) src(%dma_wait3A_117 : memref<128x16xf32, #tpu.memory_space<vmem>>) dst(%dma_wait3A_123 : memref<10240x16xf32, #tpu.memory_space<vmem_shared>>)
    %barrier3A_126 = arith.constant 0 : index
    tpu.barrier barrier_id(%barrier3A_126)
    %mul3A_127 = arith.constant 10240 : i32
    %mul3A_128 = arith.muli %arg0, %mul3A_127 : i32
    %add3A_129 = arith.addi %mul3A_128, %mul3A_2 : i32
    "tpu.region"() ({
      %run_scoped3A = tpu.sem_alloc : memref<!tpu.dma_semaphore, #tpu.memory_space<semaphore_mem>>
      %dma_start3A_130 = arith.constant 0 : i32
      %dma_start3A_131 = tpu.memref_slice %arg6[%add3A_129, %dma_start3A_130] : memref<20480x16xf32, #tpu.memory_space<hbm>> -> memref<640x16xf32, #tpu.memory_space<hbm>>
      %dma_start3A_132 = arith.constant 0 : i32
      %dma_start3A_133 = tpu.memref_slice %arg10[%mul3A_2, %dma_start3A_132] : memref<10240x16xf32, #tpu.memory_space<vmem_shared>> -> memref<640x16xf32, #tpu.memory_space<vmem_shared>>
      tpu.enqueue_dma source(%dma_start3A_133 : memref<640x16xf32, #tpu.memory_space<vmem_shared>>) target(%dma_start3A_131 : memref<640x16xf32, #tpu.memory_space<hbm>>) target_semaphore(%run_scoped3A : memref<!tpu.dma_semaphore, #tpu.memory_space<semaphore_mem>>)
      %dma_wait3A_134 = arith.constant 0 : i32
      %dma_wait3A_135 = tpu.memref_slice %arg6[%add3A_129, %dma_wait3A_134] : memref<20480x16xf32, #tpu.memory_space<hbm>> -> memref<640x16xf32, #tpu.memory_space<hbm>>
      %dma_wait3A_136 = arith.constant 0 : i32
      %dma_wait3A_137 = tpu.memref_slice %arg10[%mul3A_2, %dma_wait3A_136] : memref<10240x16xf32, #tpu.memory_space<vmem_shared>> -> memref<640x16xf32, #tpu.memory_space<vmem_shared>>
      tpu.wait_dma2 semaphore(%run_scoped3A : memref<!tpu.dma_semaphore, #tpu.memory_space<semaphore_mem>>) src(%dma_wait3A_137 : memref<640x16xf32, #tpu.memory_space<vmem_shared>>) dst(%dma_wait3A_135 : memref<640x16xf32, #tpu.memory_space<hbm>>)
      tpu.yield
    }) : () -> ()
    return
  }
}

#map = affine_map<(d0, d1) -> (0, 0)>
#map1 = affine_map<(d0, d1) -> (0, 0, 0)>
module attributes {stable_mosaic.version = 14 : i64} {
  func.func @_edge_body(%arg0: i32, %arg1: i32, %arg2: memref<10240x16xf32, #tpu.memory_space<hbm>>, %arg3: memref<32x80x128xi32, #tpu.memory_space<hbm>>, %arg4: memref<32x80x128xi32, #tpu.memory_space<hbm>>, %arg5: memref<10240x16xf32, #tpu.memory_space<hbm>>, %arg6: memref<20480x16xf32, #tpu.memory_space<hbm>>, %arg7: memref<80x128xi32, #tpu.memory_space<vmem>>, %arg8: memref<80x128xi32, #tpu.memory_space<vmem>>, %arg9: memref<8x128x16xf32, #tpu.memory_space<vmem>>, %arg10: memref<10240x16xf32, #tpu.memory_space<vmem_shared>>, %arg11: memref<10240x16xf32, #tpu.memory_space<vmem_shared>>, %arg12: memref<8x!tpu.dma_semaphore, #tpu.memory_space<semaphore_mem>>, %arg13: memref<8x!tpu.dma_semaphore, #tpu.memory_space<semaphore_mem>>) attributes {dimension_semantics = [#tpu.dimension_semantics<core_parallel>, #tpu.dimension_semantics<subcore_parallel>], iteration_bounds = array<i64: 2, 16>, scalar_prefetch = 0 : i64, scratch_operands = 7 : i64, tpu.core_type = #tpu.core_type<sc_vector_subcore>, window_params = [{transform_indices = #map}, {transform_indices = #map1}, {transform_indices = #map1}, {transform_indices = #map}, {transform_indices = #map}]} {
    %mul3A = arith.constant 16 : i32
    %mul3A_0 = arith.muli %arg0, %mul3A : i32
    %add3A = arith.addi %mul3A_0, %arg1 : i32
    %mul3A_1 = arith.constant 640 : i32
    %mul3A_2 = arith.muli %arg1, %mul3A_1 : i32
    "tpu.region"() ({
      %run_scoped3A = tpu.sem_alloc : memref<!tpu.dma_semaphore, #tpu.memory_space<semaphore_mem>>
      %dma_start3A_130 = arith.constant 0 : i32
      %dma_start3A_131 = tpu.memref_slice %arg10[%mul3A_2, %dma_start3A_130] : memref<10240x16xf32, #tpu.memory_space<vmem_shared>> -> memref<640x16xf32, #tpu.memory_space<vmem_shared>>
      %dma_start3A_132 = arith.constant 0 : i32
      %dma_start3A_133 = tpu.memref_slice %arg5[%mul3A_2, %dma_start3A_132] : memref<10240x16xf32, #tpu.memory_space<hbm>> -> memref<640x16xf32, #tpu.memory_space<hbm>>
      tpu.enqueue_dma source(%dma_start3A_133 : memref<640x16xf32, #tpu.memory_space<hbm>>) target(%dma_start3A_131 : memref<640x16xf32, #tpu.memory_space<vmem_shared>>) target_semaphore(%run_scoped3A : memref<!tpu.dma_semaphore, #tpu.memory_space<semaphore_mem>>)
      %dma_wait3A_134 = arith.constant 0 : i32
      %dma_wait3A_135 = tpu.memref_slice %arg10[%mul3A_2, %dma_wait3A_134] : memref<10240x16xf32, #tpu.memory_space<vmem_shared>> -> memref<640x16xf32, #tpu.memory_space<vmem_shared>>
      %dma_wait3A_136 = arith.constant 0 : i32
      %dma_wait3A_137 = tpu.memref_slice %arg5[%mul3A_2, %dma_wait3A_136] : memref<10240x16xf32, #tpu.memory_space<hbm>> -> memref<640x16xf32, #tpu.memory_space<hbm>>
      tpu.wait_dma2 semaphore(%run_scoped3A : memref<!tpu.dma_semaphore, #tpu.memory_space<semaphore_mem>>) src(%dma_wait3A_137 : memref<640x16xf32, #tpu.memory_space<hbm>>) dst(%dma_wait3A_135 : memref<640x16xf32, #tpu.memory_space<vmem_shared>>)
      tpu.yield
    }) : () -> ()
    "tpu.region"() ({
      %run_scoped3A = tpu.sem_alloc : memref<!tpu.dma_semaphore, #tpu.memory_space<semaphore_mem>>
      %dma_start3A_130 = arith.constant 0 : i32
      %dma_start3A_131 = tpu.memref_slice %arg11[%mul3A_2, %dma_start3A_130] : memref<10240x16xf32, #tpu.memory_space<vmem_shared>> -> memref<640x16xf32, #tpu.memory_space<vmem_shared>>
      %dma_start3A_132 = arith.constant 0 : i32
      %dma_start3A_133 = tpu.memref_slice %arg2[%mul3A_2, %dma_start3A_132] : memref<10240x16xf32, #tpu.memory_space<hbm>> -> memref<640x16xf32, #tpu.memory_space<hbm>>
      tpu.enqueue_dma source(%dma_start3A_133 : memref<640x16xf32, #tpu.memory_space<hbm>>) target(%dma_start3A_131 : memref<640x16xf32, #tpu.memory_space<vmem_shared>>) target_semaphore(%run_scoped3A : memref<!tpu.dma_semaphore, #tpu.memory_space<semaphore_mem>>)
      %dma_wait3A_134 = arith.constant 0 : i32
      %dma_wait3A_135 = tpu.memref_slice %arg11[%mul3A_2, %dma_wait3A_134] : memref<10240x16xf32, #tpu.memory_space<vmem_shared>> -> memref<640x16xf32, #tpu.memory_space<vmem_shared>>
      %dma_wait3A_136 = arith.constant 0 : i32
      %dma_wait3A_137 = tpu.memref_slice %arg2[%mul3A_2, %dma_wait3A_136] : memref<10240x16xf32, #tpu.memory_space<hbm>> -> memref<640x16xf32, #tpu.memory_space<hbm>>
      tpu.wait_dma2 semaphore(%run_scoped3A : memref<!tpu.dma_semaphore, #tpu.memory_space<semaphore_mem>>) src(%dma_wait3A_137 : memref<640x16xf32, #tpu.memory_space<hbm>>) dst(%dma_wait3A_135 : memref<640x16xf32, #tpu.memory_space<vmem_shared>>)
      tpu.yield
    }) : () -> ()
    "tpu.region"() ({
      %run_scoped3A = tpu.sem_alloc : memref<!tpu.dma_semaphore, #tpu.memory_space<semaphore_mem>>
      %dma_start3A_130 = arith.constant 0 : i32
      %dma_start3A_131 = arith.constant 0 : i32
      %dma_start3A_132 = tpu.memref_slice %arg3[%add3A, %dma_start3A_130, %dma_start3A_131] : memref<32x80x128xi32, #tpu.memory_space<hbm>> -> memref<1x80x128xi32, #tpu.memory_space<hbm>>
      %dma_start3A_133 = tpu.memref_squeeze %dma_start3A_132 : memref<1x80x128xi32, #tpu.memory_space<hbm>> -> memref<80x128xi32, #tpu.memory_space<hbm>>
      %dma_start3A_134 = arith.constant 0 : i32
      %dma_start3A_135 = arith.constant 0 : i32
      %dma_start3A_136 = tpu.memref_slice %arg3[%add3A, %dma_start3A_134, %dma_start3A_135] : memref<32x80x128xi32, #tpu.memory_space<hbm>> -> memref<1x80x128xi32, #tpu.memory_space<hbm>>
      %dma_start3A_137 = tpu.memref_squeeze %dma_start3A_136 : memref<1x80x128xi32, #tpu.memory_space<hbm>> -> memref<80x128xi32, #tpu.memory_space<hbm>>
      tpu.enqueue_dma source(%dma_start3A_137 : memref<80x128xi32, #tpu.memory_space<hbm>>) target(%arg7 : memref<80x128xi32, #tpu.memory_space<vmem>>) target_semaphore(%run_scoped3A : memref<!tpu.dma_semaphore, #tpu.memory_space<semaphore_mem>>)
      %dma_wait3A_138 = arith.constant 0 : i32
      %dma_wait3A_139 = arith.constant 0 : i32
      %dma_wait3A_140 = tpu.memref_slice %arg3[%add3A, %dma_wait3A_138, %dma_wait3A_139] : memref<32x80x128xi32, #tpu.memory_space<hbm>> -> memref<1x80x128xi32, #tpu.memory_space<hbm>>
      %dma_wait3A_141 = tpu.memref_squeeze %dma_wait3A_140 : memref<1x80x128xi32, #tpu.memory_space<hbm>> -> memref<80x128xi32, #tpu.memory_space<hbm>>
      %dma_wait3A_142 = arith.constant 0 : i32
      %dma_wait3A_143 = arith.constant 0 : i32
      %dma_wait3A_144 = tpu.memref_slice %arg3[%add3A, %dma_wait3A_142, %dma_wait3A_143] : memref<32x80x128xi32, #tpu.memory_space<hbm>> -> memref<1x80x128xi32, #tpu.memory_space<hbm>>
      %dma_wait3A_145 = tpu.memref_squeeze %dma_wait3A_144 : memref<1x80x128xi32, #tpu.memory_space<hbm>> -> memref<80x128xi32, #tpu.memory_space<hbm>>
      tpu.wait_dma2 semaphore(%run_scoped3A : memref<!tpu.dma_semaphore, #tpu.memory_space<semaphore_mem>>) src(%dma_wait3A_145 : memref<80x128xi32, #tpu.memory_space<hbm>>) dst(%arg7 : memref<80x128xi32, #tpu.memory_space<vmem>>)
      tpu.yield
    }) : () -> ()
    "tpu.region"() ({
      %run_scoped3A = tpu.sem_alloc : memref<!tpu.dma_semaphore, #tpu.memory_space<semaphore_mem>>
      %dma_start3A_130 = arith.constant 0 : i32
      %dma_start3A_131 = arith.constant 0 : i32
      %dma_start3A_132 = tpu.memref_slice %arg4[%add3A, %dma_start3A_130, %dma_start3A_131] : memref<32x80x128xi32, #tpu.memory_space<hbm>> -> memref<1x80x128xi32, #tpu.memory_space<hbm>>
      %dma_start3A_133 = tpu.memref_squeeze %dma_start3A_132 : memref<1x80x128xi32, #tpu.memory_space<hbm>> -> memref<80x128xi32, #tpu.memory_space<hbm>>
      %dma_start3A_134 = arith.constant 0 : i32
      %dma_start3A_135 = arith.constant 0 : i32
      %dma_start3A_136 = tpu.memref_slice %arg4[%add3A, %dma_start3A_134, %dma_start3A_135] : memref<32x80x128xi32, #tpu.memory_space<hbm>> -> memref<1x80x128xi32, #tpu.memory_space<hbm>>
      %dma_start3A_137 = tpu.memref_squeeze %dma_start3A_136 : memref<1x80x128xi32, #tpu.memory_space<hbm>> -> memref<80x128xi32, #tpu.memory_space<hbm>>
      tpu.enqueue_dma source(%dma_start3A_137 : memref<80x128xi32, #tpu.memory_space<hbm>>) target(%arg8 : memref<80x128xi32, #tpu.memory_space<vmem>>) target_semaphore(%run_scoped3A : memref<!tpu.dma_semaphore, #tpu.memory_space<semaphore_mem>>)
      %dma_wait3A_138 = arith.constant 0 : i32
      %dma_wait3A_139 = arith.constant 0 : i32
      %dma_wait3A_140 = tpu.memref_slice %arg4[%add3A, %dma_wait3A_138, %dma_wait3A_139] : memref<32x80x128xi32, #tpu.memory_space<hbm>> -> memref<1x80x128xi32, #tpu.memory_space<hbm>>
      %dma_wait3A_141 = tpu.memref_squeeze %dma_wait3A_140 : memref<1x80x128xi32, #tpu.memory_space<hbm>> -> memref<80x128xi32, #tpu.memory_space<hbm>>
      %dma_wait3A_142 = arith.constant 0 : i32
      %dma_wait3A_143 = arith.constant 0 : i32
      %dma_wait3A_144 = tpu.memref_slice %arg4[%add3A, %dma_wait3A_142, %dma_wait3A_143] : memref<32x80x128xi32, #tpu.memory_space<hbm>> -> memref<1x80x128xi32, #tpu.memory_space<hbm>>
      %dma_wait3A_145 = tpu.memref_squeeze %dma_wait3A_144 : memref<1x80x128xi32, #tpu.memory_space<hbm>> -> memref<80x128xi32, #tpu.memory_space<hbm>>
      tpu.wait_dma2 semaphore(%run_scoped3A : memref<!tpu.dma_semaphore, #tpu.memory_space<semaphore_mem>>) src(%dma_wait3A_145 : memref<80x128xi32, #tpu.memory_space<hbm>>) dst(%arg8 : memref<80x128xi32, #tpu.memory_space<vmem>>)
      tpu.yield
    }) : () -> ()
    %barrier3A = arith.constant 0 : index
    tpu.barrier barrier_id(%barrier3A)
    %dma_start3A = arith.constant 0 : i32
    %dma_start3A_3 = arith.constant 0 : i32
    %dma_start3A_4 = arith.constant 0 : i32
    %dma_start3A_5 = arith.constant 0 : i32
    %dma_start3A_6 = arith.constant 0 : i32
    %dma_start3A_7 = tpu.memref_slice %arg9[%dma_start3A_3, %dma_start3A_5, %dma_start3A_6] : memref<8x128x16xf32, #tpu.memory_space<vmem>> -> memref<1x128x16xf32, #tpu.memory_space<vmem>>
    %dma_start3A_8 = tpu.memref_squeeze %dma_start3A_7 : memref<1x128x16xf32, #tpu.memory_space<vmem>> -> memref<128x16xf32, #tpu.memory_space<vmem>>
    %dma_start3A_9 = arith.constant 0 : i32
    %dma_start3A_10 = tpu.memref_slice %arg7[%dma_start3A, %dma_start3A_9] : memref<80x128xi32, #tpu.memory_space<vmem>> -> memref<1x128xi32, #tpu.memory_space<vmem>>
    %dma_start3A_11 = tpu.memref_squeeze %dma_start3A_10 : memref<1x128xi32, #tpu.memory_space<vmem>> -> memref<128xi32, #tpu.memory_space<vmem>>
    %dma_start3A_12 = arith.constant 0 : i32
    %dma_start3A_13 = arith.constant 0 : i32
    %dma_start3A_14 = tpu.memref_slice %arg11[%dma_start3A_12, %dma_start3A_13] : memref<10240x16xf32, #tpu.memory_space<vmem_shared>> -> memref<10240x16xf32, #tpu.memory_space<vmem_shared>>
    %dma_start3A_15 = tpu.memref_slice %arg12[%dma_start3A_4] : memref<8x!tpu.dma_semaphore, #tpu.memory_space<semaphore_mem>> -> memref<1x!tpu.dma_semaphore, #tpu.memory_space<semaphore_mem>>
    %dma_start3A_16 = tpu.memref_squeeze %dma_start3A_15 : memref<1x!tpu.dma_semaphore, #tpu.memory_space<semaphore_mem>> -> memref<!tpu.dma_semaphore, #tpu.memory_space<semaphore_mem>>
    tpu.enqueue_indirect_dma source(%dma_start3A_14 : memref<10240x16xf32, #tpu.memory_space<vmem_shared>>) target(%dma_start3A_8 : memref<128x16xf32, #tpu.memory_space<vmem>>) offsets(%dma_start3A_11 : memref<128xi32, #tpu.memory_space<vmem>>) semaphore(%dma_start3A_16 : memref<!tpu.dma_semaphore, #tpu.memory_space<semaphore_mem>>)
    %dma_start3A_17 = arith.constant 1 : i32
    %dma_start3A_18 = arith.constant 1 : i32
    %dma_start3A_19 = arith.constant 1 : i32
    %dma_start3A_20 = arith.constant 0 : i32
    %dma_start3A_21 = arith.constant 0 : i32
    %dma_start3A_22 = tpu.memref_slice %arg9[%dma_start3A_18, %dma_start3A_20, %dma_start3A_21] : memref<8x128x16xf32, #tpu.memory_space<vmem>> -> memref<1x128x16xf32, #tpu.memory_space<vmem>>
    %dma_start3A_23 = tpu.memref_squeeze %dma_start3A_22 : memref<1x128x16xf32, #tpu.memory_space<vmem>> -> memref<128x16xf32, #tpu.memory_space<vmem>>
    %dma_start3A_24 = arith.constant 0 : i32
    %dma_start3A_25 = tpu.memref_slice %arg7[%dma_start3A_17, %dma_start3A_24] : memref<80x128xi32, #tpu.memory_space<vmem>> -> memref<1x128xi32, #tpu.memory_space<vmem>>
    %dma_start3A_26 = tpu.memref_squeeze %dma_start3A_25 : memref<1x128xi32, #tpu.memory_space<vmem>> -> memref<128xi32, #tpu.memory_space<vmem>>
    %dma_start3A_27 = arith.constant 0 : i32
    %dma_start3A_28 = arith.constant 0 : i32
    %dma_start3A_29 = tpu.memref_slice %arg11[%dma_start3A_27, %dma_start3A_28] : memref<10240x16xf32, #tpu.memory_space<vmem_shared>> -> memref<10240x16xf32, #tpu.memory_space<vmem_shared>>
    %dma_start3A_30 = tpu.memref_slice %arg12[%dma_start3A_19] : memref<8x!tpu.dma_semaphore, #tpu.memory_space<semaphore_mem>> -> memref<1x!tpu.dma_semaphore, #tpu.memory_space<semaphore_mem>>
    %dma_start3A_31 = tpu.memref_squeeze %dma_start3A_30 : memref<1x!tpu.dma_semaphore, #tpu.memory_space<semaphore_mem>> -> memref<!tpu.dma_semaphore, #tpu.memory_space<semaphore_mem>>
    tpu.enqueue_indirect_dma source(%dma_start3A_29 : memref<10240x16xf32, #tpu.memory_space<vmem_shared>>) target(%dma_start3A_23 : memref<128x16xf32, #tpu.memory_space<vmem>>) offsets(%dma_start3A_26 : memref<128xi32, #tpu.memory_space<vmem>>) semaphore(%dma_start3A_31 : memref<!tpu.dma_semaphore, #tpu.memory_space<semaphore_mem>>)
    %dma_start3A_32 = arith.constant 2 : i32
    %dma_start3A_33 = arith.constant 2 : i32
    %dma_start3A_34 = arith.constant 2 : i32
    %dma_start3A_35 = arith.constant 0 : i32
    %dma_start3A_36 = arith.constant 0 : i32
    %dma_start3A_37 = tpu.memref_slice %arg9[%dma_start3A_33, %dma_start3A_35, %dma_start3A_36] : memref<8x128x16xf32, #tpu.memory_space<vmem>> -> memref<1x128x16xf32, #tpu.memory_space<vmem>>
    %dma_start3A_38 = tpu.memref_squeeze %dma_start3A_37 : memref<1x128x16xf32, #tpu.memory_space<vmem>> -> memref<128x16xf32, #tpu.memory_space<vmem>>
    %dma_start3A_39 = arith.constant 0 : i32
    %dma_start3A_40 = tpu.memref_slice %arg7[%dma_start3A_32, %dma_start3A_39] : memref<80x128xi32, #tpu.memory_space<vmem>> -> memref<1x128xi32, #tpu.memory_space<vmem>>
    %dma_start3A_41 = tpu.memref_squeeze %dma_start3A_40 : memref<1x128xi32, #tpu.memory_space<vmem>> -> memref<128xi32, #tpu.memory_space<vmem>>
    %dma_start3A_42 = arith.constant 0 : i32
    %dma_start3A_43 = arith.constant 0 : i32
    %dma_start3A_44 = tpu.memref_slice %arg11[%dma_start3A_42, %dma_start3A_43] : memref<10240x16xf32, #tpu.memory_space<vmem_shared>> -> memref<10240x16xf32, #tpu.memory_space<vmem_shared>>
    %dma_start3A_45 = tpu.memref_slice %arg12[%dma_start3A_34] : memref<8x!tpu.dma_semaphore, #tpu.memory_space<semaphore_mem>> -> memref<1x!tpu.dma_semaphore, #tpu.memory_space<semaphore_mem>>
    %dma_start3A_46 = tpu.memref_squeeze %dma_start3A_45 : memref<1x!tpu.dma_semaphore, #tpu.memory_space<semaphore_mem>> -> memref<!tpu.dma_semaphore, #tpu.memory_space<semaphore_mem>>
    tpu.enqueue_indirect_dma source(%dma_start3A_44 : memref<10240x16xf32, #tpu.memory_space<vmem_shared>>) target(%dma_start3A_38 : memref<128x16xf32, #tpu.memory_space<vmem>>) offsets(%dma_start3A_41 : memref<128xi32, #tpu.memory_space<vmem>>) semaphore(%dma_start3A_46 : memref<!tpu.dma_semaphore, #tpu.memory_space<semaphore_mem>>)
    %dma_start3A_47 = arith.constant 3 : i32
    %dma_start3A_48 = arith.constant 3 : i32
    %dma_start3A_49 = arith.constant 3 : i32
    %dma_start3A_50 = arith.constant 0 : i32
    %dma_start3A_51 = arith.constant 0 : i32
    %dma_start3A_52 = tpu.memref_slice %arg9[%dma_start3A_48, %dma_start3A_50, %dma_start3A_51] : memref<8x128x16xf32, #tpu.memory_space<vmem>> -> memref<1x128x16xf32, #tpu.memory_space<vmem>>
    %dma_start3A_53 = tpu.memref_squeeze %dma_start3A_52 : memref<1x128x16xf32, #tpu.memory_space<vmem>> -> memref<128x16xf32, #tpu.memory_space<vmem>>
    %dma_start3A_54 = arith.constant 0 : i32
    %dma_start3A_55 = tpu.memref_slice %arg7[%dma_start3A_47, %dma_start3A_54] : memref<80x128xi32, #tpu.memory_space<vmem>> -> memref<1x128xi32, #tpu.memory_space<vmem>>
    %dma_start3A_56 = tpu.memref_squeeze %dma_start3A_55 : memref<1x128xi32, #tpu.memory_space<vmem>> -> memref<128xi32, #tpu.memory_space<vmem>>
    %dma_start3A_57 = arith.constant 0 : i32
    %dma_start3A_58 = arith.constant 0 : i32
    %dma_start3A_59 = tpu.memref_slice %arg11[%dma_start3A_57, %dma_start3A_58] : memref<10240x16xf32, #tpu.memory_space<vmem_shared>> -> memref<10240x16xf32, #tpu.memory_space<vmem_shared>>
    %dma_start3A_60 = tpu.memref_slice %arg12[%dma_start3A_49] : memref<8x!tpu.dma_semaphore, #tpu.memory_space<semaphore_mem>> -> memref<1x!tpu.dma_semaphore, #tpu.memory_space<semaphore_mem>>
    %dma_start3A_61 = tpu.memref_squeeze %dma_start3A_60 : memref<1x!tpu.dma_semaphore, #tpu.memory_space<semaphore_mem>> -> memref<!tpu.dma_semaphore, #tpu.memory_space<semaphore_mem>>
    tpu.enqueue_indirect_dma source(%dma_start3A_59 : memref<10240x16xf32, #tpu.memory_space<vmem_shared>>) target(%dma_start3A_53 : memref<128x16xf32, #tpu.memory_space<vmem>>) offsets(%dma_start3A_56 : memref<128xi32, #tpu.memory_space<vmem>>) semaphore(%dma_start3A_61 : memref<!tpu.dma_semaphore, #tpu.memory_space<semaphore_mem>>)
    %scan3A = arith.constant 0 : i32
    %scan3A_62 = arith.constant 0 : i32
    %scan3A_63 = arith.constant 10 : i32
    %scan3A_64 = arith.addi %scan3A_62, %scan3A_63 : i32
    %scan3A_65 = arith.constant 1 : i32
    scf.for %scan3A_130 = %scan3A_62 to %scan3A_64 step %scan3A_65  : i32 {
      %mul3A_131 = arith.constant 8 : i32
      %mul3A_132 = arith.muli %scan3A_130, %mul3A_131 : i32
      %add3A_133 = arith.constant 0 : i32
      %add3A_134 = arith.addi %mul3A_132, %add3A_133 : i32
      %dma_wait3A_135 = arith.constant 0 : i32
      %dma_wait3A_136 = arith.constant 0 : i32
      %dma_wait3A_137 = arith.constant 0 : i32
      %dma_wait3A_138 = arith.constant 0 : i32
      %dma_wait3A_139 = tpu.memref_slice %arg9[%dma_wait3A_135, %dma_wait3A_137, %dma_wait3A_138] : memref<8x128x16xf32, #tpu.memory_space<vmem>> -> memref<1x128x16xf32, #tpu.memory_space<vmem>>
      %dma_wait3A_140 = tpu.memref_squeeze %dma_wait3A_139 : memref<1x128x16xf32, #tpu.memory_space<vmem>> -> memref<128x16xf32, #tpu.memory_space<vmem>>
      %dma_wait3A_141 = arith.constant 0 : i32
      %dma_wait3A_142 = tpu.memref_slice %arg7[%add3A_134, %dma_wait3A_141] : memref<80x128xi32, #tpu.memory_space<vmem>> -> memref<1x128xi32, #tpu.memory_space<vmem>>
      %dma_wait3A_143 = tpu.memref_squeeze %dma_wait3A_142 : memref<1x128xi32, #tpu.memory_space<vmem>> -> memref<128xi32, #tpu.memory_space<vmem>>
      %dma_wait3A_144 = arith.constant 0 : i32
      %dma_wait3A_145 = arith.constant 0 : i32
      %dma_wait3A_146 = tpu.memref_slice %arg11[%dma_wait3A_144, %dma_wait3A_145] : memref<10240x16xf32, #tpu.memory_space<vmem_shared>> -> memref<10240x16xf32, #tpu.memory_space<vmem_shared>>
      %dma_wait3A_147 = tpu.memref_slice %arg12[%dma_wait3A_136] : memref<8x!tpu.dma_semaphore, #tpu.memory_space<semaphore_mem>> -> memref<1x!tpu.dma_semaphore, #tpu.memory_space<semaphore_mem>>
      %dma_wait3A_148 = tpu.memref_squeeze %dma_wait3A_147 : memref<1x!tpu.dma_semaphore, #tpu.memory_space<semaphore_mem>> -> memref<!tpu.dma_semaphore, #tpu.memory_space<semaphore_mem>>
      tpu.wait_indirect_dma semaphore(%dma_wait3A_148 : memref<!tpu.dma_semaphore, #tpu.memory_space<semaphore_mem>>) src(%dma_wait3A_146 : memref<10240x16xf32, #tpu.memory_space<vmem_shared>>) dst(%dma_wait3A_140 : memref<128x16xf32, #tpu.memory_space<vmem>>)
      %dma_start3A_149 = arith.constant 0 : i32
      %dma_start3A_150 = arith.constant 0 : i32
      %dma_start3A_151 = arith.constant 0 : i32
      %dma_start3A_152 = arith.constant 0 : i32
      %dma_start3A_153 = tpu.memref_slice %arg9[%dma_start3A_149, %dma_start3A_151, %dma_start3A_152] : memref<8x128x16xf32, #tpu.memory_space<vmem>> -> memref<1x128x16xf32, #tpu.memory_space<vmem>>
      %dma_start3A_154 = tpu.memref_squeeze %dma_start3A_153 : memref<1x128x16xf32, #tpu.memory_space<vmem>> -> memref<128x16xf32, #tpu.memory_space<vmem>>
      %dma_start3A_155 = arith.constant 0 : i32
      %dma_start3A_156 = tpu.memref_slice %arg8[%add3A_134, %dma_start3A_155] : memref<80x128xi32, #tpu.memory_space<vmem>> -> memref<1x128xi32, #tpu.memory_space<vmem>>
      %dma_start3A_157 = tpu.memref_squeeze %dma_start3A_156 : memref<1x128xi32, #tpu.memory_space<vmem>> -> memref<128xi32, #tpu.memory_space<vmem>>
      %dma_start3A_158 = arith.constant 0 : i32
      %dma_start3A_159 = arith.constant 0 : i32
      %dma_start3A_160 = tpu.memref_slice %arg10[%dma_start3A_158, %dma_start3A_159] : memref<10240x16xf32, #tpu.memory_space<vmem_shared>> -> memref<10240x16xf32, #tpu.memory_space<vmem_shared>>
      %dma_start3A_161 = tpu.memref_slice %arg13[%dma_start3A_150] : memref<8x!tpu.dma_semaphore, #tpu.memory_space<semaphore_mem>> -> memref<1x!tpu.dma_semaphore, #tpu.memory_space<semaphore_mem>>
      %dma_start3A_162 = tpu.memref_squeeze %dma_start3A_161 : memref<1x!tpu.dma_semaphore, #tpu.memory_space<semaphore_mem>> -> memref<!tpu.dma_semaphore, #tpu.memory_space<semaphore_mem>>
      tpu.enqueue_indirect_dma source(%dma_start3A_154 : memref<128x16xf32, #tpu.memory_space<vmem>>) target(%dma_start3A_160 : memref<10240x16xf32, #tpu.memory_space<vmem_shared>>) offsets(%dma_start3A_157 : memref<128xi32, #tpu.memory_space<vmem>>) semaphore(%dma_start3A_162 : memref<!tpu.dma_semaphore, #tpu.memory_space<semaphore_mem>>) {add = true}
      %ge3A = arith.constant 4 : i32
      %ge3A_163 = arith.cmpi sge, %add3A_134, %ge3A : i32
      %convert_element_type3A = arith.extui %ge3A_163 : i1 to i32
      %cond3A = arith.constant 0 : i32
      %cond3A_164 = arith.cmpi ne, %convert_element_type3A, %cond3A : i32
      scf.if %cond3A_164 {
        %sub3A = arith.constant 4 : i32
        %sub3A_479 = arith.subi %add3A_134, %sub3A : i32
        %dma_wait3A_480 = arith.constant 4 : i32
        %dma_wait3A_481 = arith.constant 4 : i32
        %dma_wait3A_482 = arith.constant 0 : i32
        %dma_wait3A_483 = arith.constant 0 : i32
        %dma_wait3A_484 = tpu.memref_slice %arg9[%dma_wait3A_480, %dma_wait3A_482, %dma_wait3A_483] : memref<8x128x16xf32, #tpu.memory_space<vmem>> -> memref<1x128x16xf32, #tpu.memory_space<vmem>>
        %dma_wait3A_485 = tpu.memref_squeeze %dma_wait3A_484 : memref<1x128x16xf32, #tpu.memory_space<vmem>> -> memref<128x16xf32, #tpu.memory_space<vmem>>
        %dma_wait3A_486 = arith.constant 0 : i32
        %dma_wait3A_487 = tpu.memref_slice %arg8[%sub3A_479, %dma_wait3A_486] : memref<80x128xi32, #tpu.memory_space<vmem>> -> memref<1x128xi32, #tpu.memory_space<vmem>>
        %dma_wait3A_488 = tpu.memref_squeeze %dma_wait3A_487 : memref<1x128xi32, #tpu.memory_space<vmem>> -> memref<128xi32, #tpu.memory_space<vmem>>
        %dma_wait3A_489 = arith.constant 0 : i32
        %dma_wait3A_490 = arith.constant 0 : i32
        %dma_wait3A_491 = tpu.memref_slice %arg10[%dma_wait3A_489, %dma_wait3A_490] : memref<10240x16xf32, #tpu.memory_space<vmem_shared>> -> memref<10240x16xf32, #tpu.memory_space<vmem_shared>>
        %dma_wait3A_492 = tpu.memref_slice %arg13[%dma_wait3A_481] : memref<8x!tpu.dma_semaphore, #tpu.memory_space<semaphore_mem>> -> memref<1x!tpu.dma_semaphore, #tpu.memory_space<semaphore_mem>>
        %dma_wait3A_493 = tpu.memref_squeeze %dma_wait3A_492 : memref<1x!tpu.dma_semaphore, #tpu.memory_space<semaphore_mem>> -> memref<!tpu.dma_semaphore, #tpu.memory_space<semaphore_mem>>
        tpu.wait_indirect_dma semaphore(%dma_wait3A_493 : memref<!tpu.dma_semaphore, #tpu.memory_space<semaphore_mem>>) src(%dma_wait3A_485 : memref<128x16xf32, #tpu.memory_space<vmem>>) dst(%dma_wait3A_491 : memref<10240x16xf32, #tpu.memory_space<vmem_shared>>)
      } else {
      }
      %add3A_165 = arith.constant 4 : i32
      %add3A_166 = arith.addi %add3A_134, %add3A_165 : i32
      %lt3A = arith.constant 80 : i32
      %lt3A_167 = arith.cmpi slt, %add3A_166, %lt3A : i32
      %convert_element_type3A_168 = arith.extui %lt3A_167 : i1 to i32
      %cond3A_169 = arith.constant 0 : i32
      %cond3A_170 = arith.cmpi ne, %convert_element_type3A_168, %cond3A_169 : i32
      scf.if %cond3A_170 {
        %add3A_479 = arith.constant 4 : i32
        %add3A_480 = arith.addi %add3A_134, %add3A_479 : i32
        %dma_start3A_481 = arith.constant 4 : i32
        %dma_start3A_482 = arith.constant 4 : i32
        %dma_start3A_483 = arith.constant 0 : i32
        %dma_start3A_484 = arith.constant 0 : i32
        %dma_start3A_485 = tpu.memref_slice %arg9[%dma_start3A_481, %dma_start3A_483, %dma_start3A_484] : memref<8x128x16xf32, #tpu.memory_space<vmem>> -> memref<1x128x16xf32, #tpu.memory_space<vmem>>
        %dma_start3A_486 = tpu.memref_squeeze %dma_start3A_485 : memref<1x128x16xf32, #tpu.memory_space<vmem>> -> memref<128x16xf32, #tpu.memory_space<vmem>>
        %dma_start3A_487 = arith.constant 0 : i32
        %dma_start3A_488 = tpu.memref_slice %arg7[%add3A_480, %dma_start3A_487] : memref<80x128xi32, #tpu.memory_space<vmem>> -> memref<1x128xi32, #tpu.memory_space<vmem>>
        %dma_start3A_489 = tpu.memref_squeeze %dma_start3A_488 : memref<1x128xi32, #tpu.memory_space<vmem>> -> memref<128xi32, #tpu.memory_space<vmem>>
        %dma_start3A_490 = arith.constant 0 : i32
        %dma_start3A_491 = arith.constant 0 : i32
        %dma_start3A_492 = tpu.memref_slice %arg11[%dma_start3A_490, %dma_start3A_491] : memref<10240x16xf32, #tpu.memory_space<vmem_shared>> -> memref<10240x16xf32, #tpu.memory_space<vmem_shared>>
        %dma_start3A_493 = tpu.memref_slice %arg12[%dma_start3A_482] : memref<8x!tpu.dma_semaphore, #tpu.memory_space<semaphore_mem>> -> memref<1x!tpu.dma_semaphore, #tpu.memory_space<semaphore_mem>>
        %dma_start3A_494 = tpu.memref_squeeze %dma_start3A_493 : memref<1x!tpu.dma_semaphore, #tpu.memory_space<semaphore_mem>> -> memref<!tpu.dma_semaphore, #tpu.memory_space<semaphore_mem>>
        tpu.enqueue_indirect_dma source(%dma_start3A_492 : memref<10240x16xf32, #tpu.memory_space<vmem_shared>>) target(%dma_start3A_486 : memref<128x16xf32, #tpu.memory_space<vmem>>) offsets(%dma_start3A_489 : memref<128xi32, #tpu.memory_space<vmem>>) semaphore(%dma_start3A_494 : memref<!tpu.dma_semaphore, #tpu.memory_space<semaphore_mem>>)
      } else {
      }
      %mul3A_171 = arith.constant 8 : i32
      %mul3A_172 = arith.muli %scan3A_130, %mul3A_171 : i32
      %add3A_173 = arith.constant 1 : i32
      %add3A_174 = arith.addi %mul3A_172, %add3A_173 : i32
      %dma_wait3A_175 = arith.constant 1 : i32
      %dma_wait3A_176 = arith.constant 1 : i32
      %dma_wait3A_177 = arith.constant 0 : i32
      %dma_wait3A_178 = arith.constant 0 : i32
      %dma_wait3A_179 = tpu.memref_slice %arg9[%dma_wait3A_175, %dma_wait3A_177, %dma_wait3A_178] : memref<8x128x16xf32, #tpu.memory_space<vmem>> -> memref<1x128x16xf32, #tpu.memory_space<vmem>>
      %dma_wait3A_180 = tpu.memref_squeeze %dma_wait3A_179 : memref<1x128x16xf32, #tpu.memory_space<vmem>> -> memref<128x16xf32, #tpu.memory_space<vmem>>
      %dma_wait3A_181 = arith.constant 0 : i32
      %dma_wait3A_182 = tpu.memref_slice %arg7[%add3A_174, %dma_wait3A_181] : memref<80x128xi32, #tpu.memory_space<vmem>> -> memref<1x128xi32, #tpu.memory_space<vmem>>
      %dma_wait3A_183 = tpu.memref_squeeze %dma_wait3A_182 : memref<1x128xi32, #tpu.memory_space<vmem>> -> memref<128xi32, #tpu.memory_space<vmem>>
      %dma_wait3A_184 = arith.constant 0 : i32
      %dma_wait3A_185 = arith.constant 0 : i32
      %dma_wait3A_186 = tpu.memref_slice %arg11[%dma_wait3A_184, %dma_wait3A_185] : memref<10240x16xf32, #tpu.memory_space<vmem_shared>> -> memref<10240x16xf32, #tpu.memory_space<vmem_shared>>
      %dma_wait3A_187 = tpu.memref_slice %arg12[%dma_wait3A_176] : memref<8x!tpu.dma_semaphore, #tpu.memory_space<semaphore_mem>> -> memref<1x!tpu.dma_semaphore, #tpu.memory_space<semaphore_mem>>
      %dma_wait3A_188 = tpu.memref_squeeze %dma_wait3A_187 : memref<1x!tpu.dma_semaphore, #tpu.memory_space<semaphore_mem>> -> memref<!tpu.dma_semaphore, #tpu.memory_space<semaphore_mem>>
      tpu.wait_indirect_dma semaphore(%dma_wait3A_188 : memref<!tpu.dma_semaphore, #tpu.memory_space<semaphore_mem>>) src(%dma_wait3A_186 : memref<10240x16xf32, #tpu.memory_space<vmem_shared>>) dst(%dma_wait3A_180 : memref<128x16xf32, #tpu.memory_space<vmem>>)
      %dma_start3A_189 = arith.constant 1 : i32
      %dma_start3A_190 = arith.constant 1 : i32
      %dma_start3A_191 = arith.constant 0 : i32
      %dma_start3A_192 = arith.constant 0 : i32
      %dma_start3A_193 = tpu.memref_slice %arg9[%dma_start3A_189, %dma_start3A_191, %dma_start3A_192] : memref<8x128x16xf32, #tpu.memory_space<vmem>> -> memref<1x128x16xf32, #tpu.memory_space<vmem>>
      %dma_start3A_194 = tpu.memref_squeeze %dma_start3A_193 : memref<1x128x16xf32, #tpu.memory_space<vmem>> -> memref<128x16xf32, #tpu.memory_space<vmem>>
      %dma_start3A_195 = arith.constant 0 : i32
      %dma_start3A_196 = tpu.memref_slice %arg8[%add3A_174, %dma_start3A_195] : memref<80x128xi32, #tpu.memory_space<vmem>> -> memref<1x128xi32, #tpu.memory_space<vmem>>
      %dma_start3A_197 = tpu.memref_squeeze %dma_start3A_196 : memref<1x128xi32, #tpu.memory_space<vmem>> -> memref<128xi32, #tpu.memory_space<vmem>>
      %dma_start3A_198 = arith.constant 0 : i32
      %dma_start3A_199 = arith.constant 0 : i32
      %dma_start3A_200 = tpu.memref_slice %arg10[%dma_start3A_198, %dma_start3A_199] : memref<10240x16xf32, #tpu.memory_space<vmem_shared>> -> memref<10240x16xf32, #tpu.memory_space<vmem_shared>>
      %dma_start3A_201 = tpu.memref_slice %arg13[%dma_start3A_190] : memref<8x!tpu.dma_semaphore, #tpu.memory_space<semaphore_mem>> -> memref<1x!tpu.dma_semaphore, #tpu.memory_space<semaphore_mem>>
      %dma_start3A_202 = tpu.memref_squeeze %dma_start3A_201 : memref<1x!tpu.dma_semaphore, #tpu.memory_space<semaphore_mem>> -> memref<!tpu.dma_semaphore, #tpu.memory_space<semaphore_mem>>
      tpu.enqueue_indirect_dma source(%dma_start3A_194 : memref<128x16xf32, #tpu.memory_space<vmem>>) target(%dma_start3A_200 : memref<10240x16xf32, #tpu.memory_space<vmem_shared>>) offsets(%dma_start3A_197 : memref<128xi32, #tpu.memory_space<vmem>>) semaphore(%dma_start3A_202 : memref<!tpu.dma_semaphore, #tpu.memory_space<semaphore_mem>>) {add = true}
      %ge3A_203 = arith.constant 4 : i32
      %ge3A_204 = arith.cmpi sge, %add3A_174, %ge3A_203 : i32
      %convert_element_type3A_205 = arith.extui %ge3A_204 : i1 to i32
      %cond3A_206 = arith.constant 0 : i32
      %cond3A_207 = arith.cmpi ne, %convert_element_type3A_205, %cond3A_206 : i32
      scf.if %cond3A_207 {
        %sub3A = arith.constant 4 : i32
        %sub3A_479 = arith.subi %add3A_174, %sub3A : i32
        %dma_wait3A_480 = arith.constant 5 : i32
        %dma_wait3A_481 = arith.constant 5 : i32
        %dma_wait3A_482 = arith.constant 0 : i32
        %dma_wait3A_483 = arith.constant 0 : i32
        %dma_wait3A_484 = tpu.memref_slice %arg9[%dma_wait3A_480, %dma_wait3A_482, %dma_wait3A_483] : memref<8x128x16xf32, #tpu.memory_space<vmem>> -> memref<1x128x16xf32, #tpu.memory_space<vmem>>
        %dma_wait3A_485 = tpu.memref_squeeze %dma_wait3A_484 : memref<1x128x16xf32, #tpu.memory_space<vmem>> -> memref<128x16xf32, #tpu.memory_space<vmem>>
        %dma_wait3A_486 = arith.constant 0 : i32
        %dma_wait3A_487 = tpu.memref_slice %arg8[%sub3A_479, %dma_wait3A_486] : memref<80x128xi32, #tpu.memory_space<vmem>> -> memref<1x128xi32, #tpu.memory_space<vmem>>
        %dma_wait3A_488 = tpu.memref_squeeze %dma_wait3A_487 : memref<1x128xi32, #tpu.memory_space<vmem>> -> memref<128xi32, #tpu.memory_space<vmem>>
        %dma_wait3A_489 = arith.constant 0 : i32
        %dma_wait3A_490 = arith.constant 0 : i32
        %dma_wait3A_491 = tpu.memref_slice %arg10[%dma_wait3A_489, %dma_wait3A_490] : memref<10240x16xf32, #tpu.memory_space<vmem_shared>> -> memref<10240x16xf32, #tpu.memory_space<vmem_shared>>
        %dma_wait3A_492 = tpu.memref_slice %arg13[%dma_wait3A_481] : memref<8x!tpu.dma_semaphore, #tpu.memory_space<semaphore_mem>> -> memref<1x!tpu.dma_semaphore, #tpu.memory_space<semaphore_mem>>
        %dma_wait3A_493 = tpu.memref_squeeze %dma_wait3A_492 : memref<1x!tpu.dma_semaphore, #tpu.memory_space<semaphore_mem>> -> memref<!tpu.dma_semaphore, #tpu.memory_space<semaphore_mem>>
        tpu.wait_indirect_dma semaphore(%dma_wait3A_493 : memref<!tpu.dma_semaphore, #tpu.memory_space<semaphore_mem>>) src(%dma_wait3A_485 : memref<128x16xf32, #tpu.memory_space<vmem>>) dst(%dma_wait3A_491 : memref<10240x16xf32, #tpu.memory_space<vmem_shared>>)
      } else {
      }
      %add3A_208 = arith.constant 4 : i32
      %add3A_209 = arith.addi %add3A_174, %add3A_208 : i32
      %lt3A_210 = arith.constant 80 : i32
      %lt3A_211 = arith.cmpi slt, %add3A_209, %lt3A_210 : i32
      %convert_element_type3A_212 = arith.extui %lt3A_211 : i1 to i32
      %cond3A_213 = arith.constant 0 : i32
      %cond3A_214 = arith.cmpi ne, %convert_element_type3A_212, %cond3A_213 : i32
      scf.if %cond3A_214 {
        %add3A_479 = arith.constant 4 : i32
        %add3A_480 = arith.addi %add3A_174, %add3A_479 : i32
        %dma_start3A_481 = arith.constant 5 : i32
        %dma_start3A_482 = arith.constant 5 : i32
        %dma_start3A_483 = arith.constant 0 : i32
        %dma_start3A_484 = arith.constant 0 : i32
        %dma_start3A_485 = tpu.memref_slice %arg9[%dma_start3A_481, %dma_start3A_483, %dma_start3A_484] : memref<8x128x16xf32, #tpu.memory_space<vmem>> -> memref<1x128x16xf32, #tpu.memory_space<vmem>>
        %dma_start3A_486 = tpu.memref_squeeze %dma_start3A_485 : memref<1x128x16xf32, #tpu.memory_space<vmem>> -> memref<128x16xf32, #tpu.memory_space<vmem>>
        %dma_start3A_487 = arith.constant 0 : i32
        %dma_start3A_488 = tpu.memref_slice %arg7[%add3A_480, %dma_start3A_487] : memref<80x128xi32, #tpu.memory_space<vmem>> -> memref<1x128xi32, #tpu.memory_space<vmem>>
        %dma_start3A_489 = tpu.memref_squeeze %dma_start3A_488 : memref<1x128xi32, #tpu.memory_space<vmem>> -> memref<128xi32, #tpu.memory_space<vmem>>
        %dma_start3A_490 = arith.constant 0 : i32
        %dma_start3A_491 = arith.constant 0 : i32
        %dma_start3A_492 = tpu.memref_slice %arg11[%dma_start3A_490, %dma_start3A_491] : memref<10240x16xf32, #tpu.memory_space<vmem_shared>> -> memref<10240x16xf32, #tpu.memory_space<vmem_shared>>
        %dma_start3A_493 = tpu.memref_slice %arg12[%dma_start3A_482] : memref<8x!tpu.dma_semaphore, #tpu.memory_space<semaphore_mem>> -> memref<1x!tpu.dma_semaphore, #tpu.memory_space<semaphore_mem>>
        %dma_start3A_494 = tpu.memref_squeeze %dma_start3A_493 : memref<1x!tpu.dma_semaphore, #tpu.memory_space<semaphore_mem>> -> memref<!tpu.dma_semaphore, #tpu.memory_space<semaphore_mem>>
        tpu.enqueue_indirect_dma source(%dma_start3A_492 : memref<10240x16xf32, #tpu.memory_space<vmem_shared>>) target(%dma_start3A_486 : memref<128x16xf32, #tpu.memory_space<vmem>>) offsets(%dma_start3A_489 : memref<128xi32, #tpu.memory_space<vmem>>) semaphore(%dma_start3A_494 : memref<!tpu.dma_semaphore, #tpu.memory_space<semaphore_mem>>)
      } else {
      }
      %mul3A_215 = arith.constant 8 : i32
      %mul3A_216 = arith.muli %scan3A_130, %mul3A_215 : i32
      %add3A_217 = arith.constant 2 : i32
      %add3A_218 = arith.addi %mul3A_216, %add3A_217 : i32
      %dma_wait3A_219 = arith.constant 2 : i32
      %dma_wait3A_220 = arith.constant 2 : i32
      %dma_wait3A_221 = arith.constant 0 : i32
      %dma_wait3A_222 = arith.constant 0 : i32
      %dma_wait3A_223 = tpu.memref_slice %arg9[%dma_wait3A_219, %dma_wait3A_221, %dma_wait3A_222] : memref<8x128x16xf32, #tpu.memory_space<vmem>> -> memref<1x128x16xf32, #tpu.memory_space<vmem>>
      %dma_wait3A_224 = tpu.memref_squeeze %dma_wait3A_223 : memref<1x128x16xf32, #tpu.memory_space<vmem>> -> memref<128x16xf32, #tpu.memory_space<vmem>>
      %dma_wait3A_225 = arith.constant 0 : i32
      %dma_wait3A_226 = tpu.memref_slice %arg7[%add3A_218, %dma_wait3A_225] : memref<80x128xi32, #tpu.memory_space<vmem>> -> memref<1x128xi32, #tpu.memory_space<vmem>>
      %dma_wait3A_227 = tpu.memref_squeeze %dma_wait3A_226 : memref<1x128xi32, #tpu.memory_space<vmem>> -> memref<128xi32, #tpu.memory_space<vmem>>
      %dma_wait3A_228 = arith.constant 0 : i32
      %dma_wait3A_229 = arith.constant 0 : i32
      %dma_wait3A_230 = tpu.memref_slice %arg11[%dma_wait3A_228, %dma_wait3A_229] : memref<10240x16xf32, #tpu.memory_space<vmem_shared>> -> memref<10240x16xf32, #tpu.memory_space<vmem_shared>>
      %dma_wait3A_231 = tpu.memref_slice %arg12[%dma_wait3A_220] : memref<8x!tpu.dma_semaphore, #tpu.memory_space<semaphore_mem>> -> memref<1x!tpu.dma_semaphore, #tpu.memory_space<semaphore_mem>>
      %dma_wait3A_232 = tpu.memref_squeeze %dma_wait3A_231 : memref<1x!tpu.dma_semaphore, #tpu.memory_space<semaphore_mem>> -> memref<!tpu.dma_semaphore, #tpu.memory_space<semaphore_mem>>
      tpu.wait_indirect_dma semaphore(%dma_wait3A_232 : memref<!tpu.dma_semaphore, #tpu.memory_space<semaphore_mem>>) src(%dma_wait3A_230 : memref<10240x16xf32, #tpu.memory_space<vmem_shared>>) dst(%dma_wait3A_224 : memref<128x16xf32, #tpu.memory_space<vmem>>)
      %dma_start3A_233 = arith.constant 2 : i32
      %dma_start3A_234 = arith.constant 2 : i32
      %dma_start3A_235 = arith.constant 0 : i32
      %dma_start3A_236 = arith.constant 0 : i32
      %dma_start3A_237 = tpu.memref_slice %arg9[%dma_start3A_233, %dma_start3A_235, %dma_start3A_236] : memref<8x128x16xf32, #tpu.memory_space<vmem>> -> memref<1x128x16xf32, #tpu.memory_space<vmem>>
      %dma_start3A_238 = tpu.memref_squeeze %dma_start3A_237 : memref<1x128x16xf32, #tpu.memory_space<vmem>> -> memref<128x16xf32, #tpu.memory_space<vmem>>
      %dma_start3A_239 = arith.constant 0 : i32
      %dma_start3A_240 = tpu.memref_slice %arg8[%add3A_218, %dma_start3A_239] : memref<80x128xi32, #tpu.memory_space<vmem>> -> memref<1x128xi32, #tpu.memory_space<vmem>>
      %dma_start3A_241 = tpu.memref_squeeze %dma_start3A_240 : memref<1x128xi32, #tpu.memory_space<vmem>> -> memref<128xi32, #tpu.memory_space<vmem>>
      %dma_start3A_242 = arith.constant 0 : i32
      %dma_start3A_243 = arith.constant 0 : i32
      %dma_start3A_244 = tpu.memref_slice %arg10[%dma_start3A_242, %dma_start3A_243] : memref<10240x16xf32, #tpu.memory_space<vmem_shared>> -> memref<10240x16xf32, #tpu.memory_space<vmem_shared>>
      %dma_start3A_245 = tpu.memref_slice %arg13[%dma_start3A_234] : memref<8x!tpu.dma_semaphore, #tpu.memory_space<semaphore_mem>> -> memref<1x!tpu.dma_semaphore, #tpu.memory_space<semaphore_mem>>
      %dma_start3A_246 = tpu.memref_squeeze %dma_start3A_245 : memref<1x!tpu.dma_semaphore, #tpu.memory_space<semaphore_mem>> -> memref<!tpu.dma_semaphore, #tpu.memory_space<semaphore_mem>>
      tpu.enqueue_indirect_dma source(%dma_start3A_238 : memref<128x16xf32, #tpu.memory_space<vmem>>) target(%dma_start3A_244 : memref<10240x16xf32, #tpu.memory_space<vmem_shared>>) offsets(%dma_start3A_241 : memref<128xi32, #tpu.memory_space<vmem>>) semaphore(%dma_start3A_246 : memref<!tpu.dma_semaphore, #tpu.memory_space<semaphore_mem>>) {add = true}
      %ge3A_247 = arith.constant 4 : i32
      %ge3A_248 = arith.cmpi sge, %add3A_218, %ge3A_247 : i32
      %convert_element_type3A_249 = arith.extui %ge3A_248 : i1 to i32
      %cond3A_250 = arith.constant 0 : i32
      %cond3A_251 = arith.cmpi ne, %convert_element_type3A_249, %cond3A_250 : i32
      scf.if %cond3A_251 {
        %sub3A = arith.constant 4 : i32
        %sub3A_479 = arith.subi %add3A_218, %sub3A : i32
        %dma_wait3A_480 = arith.constant 6 : i32
        %dma_wait3A_481 = arith.constant 6 : i32
        %dma_wait3A_482 = arith.constant 0 : i32
        %dma_wait3A_483 = arith.constant 0 : i32
        %dma_wait3A_484 = tpu.memref_slice %arg9[%dma_wait3A_480, %dma_wait3A_482, %dma_wait3A_483] : memref<8x128x16xf32, #tpu.memory_space<vmem>> -> memref<1x128x16xf32, #tpu.memory_space<vmem>>
        %dma_wait3A_485 = tpu.memref_squeeze %dma_wait3A_484 : memref<1x128x16xf32, #tpu.memory_space<vmem>> -> memref<128x16xf32, #tpu.memory_space<vmem>>
        %dma_wait3A_486 = arith.constant 0 : i32
        %dma_wait3A_487 = tpu.memref_slice %arg8[%sub3A_479, %dma_wait3A_486] : memref<80x128xi32, #tpu.memory_space<vmem>> -> memref<1x128xi32, #tpu.memory_space<vmem>>
        %dma_wait3A_488 = tpu.memref_squeeze %dma_wait3A_487 : memref<1x128xi32, #tpu.memory_space<vmem>> -> memref<128xi32, #tpu.memory_space<vmem>>
        %dma_wait3A_489 = arith.constant 0 : i32
        %dma_wait3A_490 = arith.constant 0 : i32
        %dma_wait3A_491 = tpu.memref_slice %arg10[%dma_wait3A_489, %dma_wait3A_490] : memref<10240x16xf32, #tpu.memory_space<vmem_shared>> -> memref<10240x16xf32, #tpu.memory_space<vmem_shared>>
        %dma_wait3A_492 = tpu.memref_slice %arg13[%dma_wait3A_481] : memref<8x!tpu.dma_semaphore, #tpu.memory_space<semaphore_mem>> -> memref<1x!tpu.dma_semaphore, #tpu.memory_space<semaphore_mem>>
        %dma_wait3A_493 = tpu.memref_squeeze %dma_wait3A_492 : memref<1x!tpu.dma_semaphore, #tpu.memory_space<semaphore_mem>> -> memref<!tpu.dma_semaphore, #tpu.memory_space<semaphore_mem>>
        tpu.wait_indirect_dma semaphore(%dma_wait3A_493 : memref<!tpu.dma_semaphore, #tpu.memory_space<semaphore_mem>>) src(%dma_wait3A_485 : memref<128x16xf32, #tpu.memory_space<vmem>>) dst(%dma_wait3A_491 : memref<10240x16xf32, #tpu.memory_space<vmem_shared>>)
      } else {
      }
      %add3A_252 = arith.constant 4 : i32
      %add3A_253 = arith.addi %add3A_218, %add3A_252 : i32
      %lt3A_254 = arith.constant 80 : i32
      %lt3A_255 = arith.cmpi slt, %add3A_253, %lt3A_254 : i32
      %convert_element_type3A_256 = arith.extui %lt3A_255 : i1 to i32
      %cond3A_257 = arith.constant 0 : i32
      %cond3A_258 = arith.cmpi ne, %convert_element_type3A_256, %cond3A_257 : i32
      scf.if %cond3A_258 {
        %add3A_479 = arith.constant 4 : i32
        %add3A_480 = arith.addi %add3A_218, %add3A_479 : i32
        %dma_start3A_481 = arith.constant 6 : i32
        %dma_start3A_482 = arith.constant 6 : i32
        %dma_start3A_483 = arith.constant 0 : i32
        %dma_start3A_484 = arith.constant 0 : i32
        %dma_start3A_485 = tpu.memref_slice %arg9[%dma_start3A_481, %dma_start3A_483, %dma_start3A_484] : memref<8x128x16xf32, #tpu.memory_space<vmem>> -> memref<1x128x16xf32, #tpu.memory_space<vmem>>
        %dma_start3A_486 = tpu.memref_squeeze %dma_start3A_485 : memref<1x128x16xf32, #tpu.memory_space<vmem>> -> memref<128x16xf32, #tpu.memory_space<vmem>>
        %dma_start3A_487 = arith.constant 0 : i32
        %dma_start3A_488 = tpu.memref_slice %arg7[%add3A_480, %dma_start3A_487] : memref<80x128xi32, #tpu.memory_space<vmem>> -> memref<1x128xi32, #tpu.memory_space<vmem>>
        %dma_start3A_489 = tpu.memref_squeeze %dma_start3A_488 : memref<1x128xi32, #tpu.memory_space<vmem>> -> memref<128xi32, #tpu.memory_space<vmem>>
        %dma_start3A_490 = arith.constant 0 : i32
        %dma_start3A_491 = arith.constant 0 : i32
        %dma_start3A_492 = tpu.memref_slice %arg11[%dma_start3A_490, %dma_start3A_491] : memref<10240x16xf32, #tpu.memory_space<vmem_shared>> -> memref<10240x16xf32, #tpu.memory_space<vmem_shared>>
        %dma_start3A_493 = tpu.memref_slice %arg12[%dma_start3A_482] : memref<8x!tpu.dma_semaphore, #tpu.memory_space<semaphore_mem>> -> memref<1x!tpu.dma_semaphore, #tpu.memory_space<semaphore_mem>>
        %dma_start3A_494 = tpu.memref_squeeze %dma_start3A_493 : memref<1x!tpu.dma_semaphore, #tpu.memory_space<semaphore_mem>> -> memref<!tpu.dma_semaphore, #tpu.memory_space<semaphore_mem>>
        tpu.enqueue_indirect_dma source(%dma_start3A_492 : memref<10240x16xf32, #tpu.memory_space<vmem_shared>>) target(%dma_start3A_486 : memref<128x16xf32, #tpu.memory_space<vmem>>) offsets(%dma_start3A_489 : memref<128xi32, #tpu.memory_space<vmem>>) semaphore(%dma_start3A_494 : memref<!tpu.dma_semaphore, #tpu.memory_space<semaphore_mem>>)
      } else {
      }
      %mul3A_259 = arith.constant 8 : i32
      %mul3A_260 = arith.muli %scan3A_130, %mul3A_259 : i32
      %add3A_261 = arith.constant 3 : i32
      %add3A_262 = arith.addi %mul3A_260, %add3A_261 : i32
      %dma_wait3A_263 = arith.constant 3 : i32
      %dma_wait3A_264 = arith.constant 3 : i32
      %dma_wait3A_265 = arith.constant 0 : i32
      %dma_wait3A_266 = arith.constant 0 : i32
      %dma_wait3A_267 = tpu.memref_slice %arg9[%dma_wait3A_263, %dma_wait3A_265, %dma_wait3A_266] : memref<8x128x16xf32, #tpu.memory_space<vmem>> -> memref<1x128x16xf32, #tpu.memory_space<vmem>>
      %dma_wait3A_268 = tpu.memref_squeeze %dma_wait3A_267 : memref<1x128x16xf32, #tpu.memory_space<vmem>> -> memref<128x16xf32, #tpu.memory_space<vmem>>
      %dma_wait3A_269 = arith.constant 0 : i32
      %dma_wait3A_270 = tpu.memref_slice %arg7[%add3A_262, %dma_wait3A_269] : memref<80x128xi32, #tpu.memory_space<vmem>> -> memref<1x128xi32, #tpu.memory_space<vmem>>
      %dma_wait3A_271 = tpu.memref_squeeze %dma_wait3A_270 : memref<1x128xi32, #tpu.memory_space<vmem>> -> memref<128xi32, #tpu.memory_space<vmem>>
      %dma_wait3A_272 = arith.constant 0 : i32
      %dma_wait3A_273 = arith.constant 0 : i32
      %dma_wait3A_274 = tpu.memref_slice %arg11[%dma_wait3A_272, %dma_wait3A_273] : memref<10240x16xf32, #tpu.memory_space<vmem_shared>> -> memref<10240x16xf32, #tpu.memory_space<vmem_shared>>
      %dma_wait3A_275 = tpu.memref_slice %arg12[%dma_wait3A_264] : memref<8x!tpu.dma_semaphore, #tpu.memory_space<semaphore_mem>> -> memref<1x!tpu.dma_semaphore, #tpu.memory_space<semaphore_mem>>
      %dma_wait3A_276 = tpu.memref_squeeze %dma_wait3A_275 : memref<1x!tpu.dma_semaphore, #tpu.memory_space<semaphore_mem>> -> memref<!tpu.dma_semaphore, #tpu.memory_space<semaphore_mem>>
      tpu.wait_indirect_dma semaphore(%dma_wait3A_276 : memref<!tpu.dma_semaphore, #tpu.memory_space<semaphore_mem>>) src(%dma_wait3A_274 : memref<10240x16xf32, #tpu.memory_space<vmem_shared>>) dst(%dma_wait3A_268 : memref<128x16xf32, #tpu.memory_space<vmem>>)
      %dma_start3A_277 = arith.constant 3 : i32
      %dma_start3A_278 = arith.constant 3 : i32
      %dma_start3A_279 = arith.constant 0 : i32
      %dma_start3A_280 = arith.constant 0 : i32
      %dma_start3A_281 = tpu.memref_slice %arg9[%dma_start3A_277, %dma_start3A_279, %dma_start3A_280] : memref<8x128x16xf32, #tpu.memory_space<vmem>> -> memref<1x128x16xf32, #tpu.memory_space<vmem>>
      %dma_start3A_282 = tpu.memref_squeeze %dma_start3A_281 : memref<1x128x16xf32, #tpu.memory_space<vmem>> -> memref<128x16xf32, #tpu.memory_space<vmem>>
      %dma_start3A_283 = arith.constant 0 : i32
      %dma_start3A_284 = tpu.memref_slice %arg8[%add3A_262, %dma_start3A_283] : memref<80x128xi32, #tpu.memory_space<vmem>> -> memref<1x128xi32, #tpu.memory_space<vmem>>
      %dma_start3A_285 = tpu.memref_squeeze %dma_start3A_284 : memref<1x128xi32, #tpu.memory_space<vmem>> -> memref<128xi32, #tpu.memory_space<vmem>>
      %dma_start3A_286 = arith.constant 0 : i32
      %dma_start3A_287 = arith.constant 0 : i32
      %dma_start3A_288 = tpu.memref_slice %arg10[%dma_start3A_286, %dma_start3A_287] : memref<10240x16xf32, #tpu.memory_space<vmem_shared>> -> memref<10240x16xf32, #tpu.memory_space<vmem_shared>>
      %dma_start3A_289 = tpu.memref_slice %arg13[%dma_start3A_278] : memref<8x!tpu.dma_semaphore, #tpu.memory_space<semaphore_mem>> -> memref<1x!tpu.dma_semaphore, #tpu.memory_space<semaphore_mem>>
      %dma_start3A_290 = tpu.memref_squeeze %dma_start3A_289 : memref<1x!tpu.dma_semaphore, #tpu.memory_space<semaphore_mem>> -> memref<!tpu.dma_semaphore, #tpu.memory_space<semaphore_mem>>
      tpu.enqueue_indirect_dma source(%dma_start3A_282 : memref<128x16xf32, #tpu.memory_space<vmem>>) target(%dma_start3A_288 : memref<10240x16xf32, #tpu.memory_space<vmem_shared>>) offsets(%dma_start3A_285 : memref<128xi32, #tpu.memory_space<vmem>>) semaphore(%dma_start3A_290 : memref<!tpu.dma_semaphore, #tpu.memory_space<semaphore_mem>>) {add = true}
      %ge3A_291 = arith.constant 4 : i32
      %ge3A_292 = arith.cmpi sge, %add3A_262, %ge3A_291 : i32
      %convert_element_type3A_293 = arith.extui %ge3A_292 : i1 to i32
      %cond3A_294 = arith.constant 0 : i32
      %cond3A_295 = arith.cmpi ne, %convert_element_type3A_293, %cond3A_294 : i32
      scf.if %cond3A_295 {
        %sub3A = arith.constant 4 : i32
        %sub3A_479 = arith.subi %add3A_262, %sub3A : i32
        %dma_wait3A_480 = arith.constant 7 : i32
        %dma_wait3A_481 = arith.constant 7 : i32
        %dma_wait3A_482 = arith.constant 0 : i32
        %dma_wait3A_483 = arith.constant 0 : i32
        %dma_wait3A_484 = tpu.memref_slice %arg9[%dma_wait3A_480, %dma_wait3A_482, %dma_wait3A_483] : memref<8x128x16xf32, #tpu.memory_space<vmem>> -> memref<1x128x16xf32, #tpu.memory_space<vmem>>
        %dma_wait3A_485 = tpu.memref_squeeze %dma_wait3A_484 : memref<1x128x16xf32, #tpu.memory_space<vmem>> -> memref<128x16xf32, #tpu.memory_space<vmem>>
        %dma_wait3A_486 = arith.constant 0 : i32
        %dma_wait3A_487 = tpu.memref_slice %arg8[%sub3A_479, %dma_wait3A_486] : memref<80x128xi32, #tpu.memory_space<vmem>> -> memref<1x128xi32, #tpu.memory_space<vmem>>
        %dma_wait3A_488 = tpu.memref_squeeze %dma_wait3A_487 : memref<1x128xi32, #tpu.memory_space<vmem>> -> memref<128xi32, #tpu.memory_space<vmem>>
        %dma_wait3A_489 = arith.constant 0 : i32
        %dma_wait3A_490 = arith.constant 0 : i32
        %dma_wait3A_491 = tpu.memref_slice %arg10[%dma_wait3A_489, %dma_wait3A_490] : memref<10240x16xf32, #tpu.memory_space<vmem_shared>> -> memref<10240x16xf32, #tpu.memory_space<vmem_shared>>
        %dma_wait3A_492 = tpu.memref_slice %arg13[%dma_wait3A_481] : memref<8x!tpu.dma_semaphore, #tpu.memory_space<semaphore_mem>> -> memref<1x!tpu.dma_semaphore, #tpu.memory_space<semaphore_mem>>
        %dma_wait3A_493 = tpu.memref_squeeze %dma_wait3A_492 : memref<1x!tpu.dma_semaphore, #tpu.memory_space<semaphore_mem>> -> memref<!tpu.dma_semaphore, #tpu.memory_space<semaphore_mem>>
        tpu.wait_indirect_dma semaphore(%dma_wait3A_493 : memref<!tpu.dma_semaphore, #tpu.memory_space<semaphore_mem>>) src(%dma_wait3A_485 : memref<128x16xf32, #tpu.memory_space<vmem>>) dst(%dma_wait3A_491 : memref<10240x16xf32, #tpu.memory_space<vmem_shared>>)
      } else {
      }
      %add3A_296 = arith.constant 4 : i32
      %add3A_297 = arith.addi %add3A_262, %add3A_296 : i32
      %lt3A_298 = arith.constant 80 : i32
      %lt3A_299 = arith.cmpi slt, %add3A_297, %lt3A_298 : i32
      %convert_element_type3A_300 = arith.extui %lt3A_299 : i1 to i32
      %cond3A_301 = arith.constant 0 : i32
      %cond3A_302 = arith.cmpi ne, %convert_element_type3A_300, %cond3A_301 : i32
      scf.if %cond3A_302 {
        %add3A_479 = arith.constant 4 : i32
        %add3A_480 = arith.addi %add3A_262, %add3A_479 : i32
        %dma_start3A_481 = arith.constant 7 : i32
        %dma_start3A_482 = arith.constant 7 : i32
        %dma_start3A_483 = arith.constant 0 : i32
        %dma_start3A_484 = arith.constant 0 : i32
        %dma_start3A_485 = tpu.memref_slice %arg9[%dma_start3A_481, %dma_start3A_483, %dma_start3A_484] : memref<8x128x16xf32, #tpu.memory_space<vmem>> -> memref<1x128x16xf32, #tpu.memory_space<vmem>>
        %dma_start3A_486 = tpu.memref_squeeze %dma_start3A_485 : memref<1x128x16xf32, #tpu.memory_space<vmem>> -> memref<128x16xf32, #tpu.memory_space<vmem>>
        %dma_start3A_487 = arith.constant 0 : i32
        %dma_start3A_488 = tpu.memref_slice %arg7[%add3A_480, %dma_start3A_487] : memref<80x128xi32, #tpu.memory_space<vmem>> -> memref<1x128xi32, #tpu.memory_space<vmem>>
        %dma_start3A_489 = tpu.memref_squeeze %dma_start3A_488 : memref<1x128xi32, #tpu.memory_space<vmem>> -> memref<128xi32, #tpu.memory_space<vmem>>
        %dma_start3A_490 = arith.constant 0 : i32
        %dma_start3A_491 = arith.constant 0 : i32
        %dma_start3A_492 = tpu.memref_slice %arg11[%dma_start3A_490, %dma_start3A_491] : memref<10240x16xf32, #tpu.memory_space<vmem_shared>> -> memref<10240x16xf32, #tpu.memory_space<vmem_shared>>
        %dma_start3A_493 = tpu.memref_slice %arg12[%dma_start3A_482] : memref<8x!tpu.dma_semaphore, #tpu.memory_space<semaphore_mem>> -> memref<1x!tpu.dma_semaphore, #tpu.memory_space<semaphore_mem>>
        %dma_start3A_494 = tpu.memref_squeeze %dma_start3A_493 : memref<1x!tpu.dma_semaphore, #tpu.memory_space<semaphore_mem>> -> memref<!tpu.dma_semaphore, #tpu.memory_space<semaphore_mem>>
        tpu.enqueue_indirect_dma source(%dma_start3A_492 : memref<10240x16xf32, #tpu.memory_space<vmem_shared>>) target(%dma_start3A_486 : memref<128x16xf32, #tpu.memory_space<vmem>>) offsets(%dma_start3A_489 : memref<128xi32, #tpu.memory_space<vmem>>) semaphore(%dma_start3A_494 : memref<!tpu.dma_semaphore, #tpu.memory_space<semaphore_mem>>)
      } else {
      }
      %mul3A_303 = arith.constant 8 : i32
      %mul3A_304 = arith.muli %scan3A_130, %mul3A_303 : i32
      %add3A_305 = arith.constant 4 : i32
      %add3A_306 = arith.addi %mul3A_304, %add3A_305 : i32
      %dma_wait3A_307 = arith.constant 4 : i32
      %dma_wait3A_308 = arith.constant 4 : i32
      %dma_wait3A_309 = arith.constant 0 : i32
      %dma_wait3A_310 = arith.constant 0 : i32
      %dma_wait3A_311 = tpu.memref_slice %arg9[%dma_wait3A_307, %dma_wait3A_309, %dma_wait3A_310] : memref<8x128x16xf32, #tpu.memory_space<vmem>> -> memref<1x128x16xf32, #tpu.memory_space<vmem>>
      %dma_wait3A_312 = tpu.memref_squeeze %dma_wait3A_311 : memref<1x128x16xf32, #tpu.memory_space<vmem>> -> memref<128x16xf32, #tpu.memory_space<vmem>>
      %dma_wait3A_313 = arith.constant 0 : i32
      %dma_wait3A_314 = tpu.memref_slice %arg7[%add3A_306, %dma_wait3A_313] : memref<80x128xi32, #tpu.memory_space<vmem>> -> memref<1x128xi32, #tpu.memory_space<vmem>>
      %dma_wait3A_315 = tpu.memref_squeeze %dma_wait3A_314 : memref<1x128xi32, #tpu.memory_space<vmem>> -> memref<128xi32, #tpu.memory_space<vmem>>
      %dma_wait3A_316 = arith.constant 0 : i32
      %dma_wait3A_317 = arith.constant 0 : i32
      %dma_wait3A_318 = tpu.memref_slice %arg11[%dma_wait3A_316, %dma_wait3A_317] : memref<10240x16xf32, #tpu.memory_space<vmem_shared>> -> memref<10240x16xf32, #tpu.memory_space<vmem_shared>>
      %dma_wait3A_319 = tpu.memref_slice %arg12[%dma_wait3A_308] : memref<8x!tpu.dma_semaphore, #tpu.memory_space<semaphore_mem>> -> memref<1x!tpu.dma_semaphore, #tpu.memory_space<semaphore_mem>>
      %dma_wait3A_320 = tpu.memref_squeeze %dma_wait3A_319 : memref<1x!tpu.dma_semaphore, #tpu.memory_space<semaphore_mem>> -> memref<!tpu.dma_semaphore, #tpu.memory_space<semaphore_mem>>
      tpu.wait_indirect_dma semaphore(%dma_wait3A_320 : memref<!tpu.dma_semaphore, #tpu.memory_space<semaphore_mem>>) src(%dma_wait3A_318 : memref<10240x16xf32, #tpu.memory_space<vmem_shared>>) dst(%dma_wait3A_312 : memref<128x16xf32, #tpu.memory_space<vmem>>)
      %dma_start3A_321 = arith.constant 4 : i32
      %dma_start3A_322 = arith.constant 4 : i32
      %dma_start3A_323 = arith.constant 0 : i32
      %dma_start3A_324 = arith.constant 0 : i32
      %dma_start3A_325 = tpu.memref_slice %arg9[%dma_start3A_321, %dma_start3A_323, %dma_start3A_324] : memref<8x128x16xf32, #tpu.memory_space<vmem>> -> memref<1x128x16xf32, #tpu.memory_space<vmem>>
      %dma_start3A_326 = tpu.memref_squeeze %dma_start3A_325 : memref<1x128x16xf32, #tpu.memory_space<vmem>> -> memref<128x16xf32, #tpu.memory_space<vmem>>
      %dma_start3A_327 = arith.constant 0 : i32
      %dma_start3A_328 = tpu.memref_slice %arg8[%add3A_306, %dma_start3A_327] : memref<80x128xi32, #tpu.memory_space<vmem>> -> memref<1x128xi32, #tpu.memory_space<vmem>>
      %dma_start3A_329 = tpu.memref_squeeze %dma_start3A_328 : memref<1x128xi32, #tpu.memory_space<vmem>> -> memref<128xi32, #tpu.memory_space<vmem>>
      %dma_start3A_330 = arith.constant 0 : i32
      %dma_start3A_331 = arith.constant 0 : i32
      %dma_start3A_332 = tpu.memref_slice %arg10[%dma_start3A_330, %dma_start3A_331] : memref<10240x16xf32, #tpu.memory_space<vmem_shared>> -> memref<10240x16xf32, #tpu.memory_space<vmem_shared>>
      %dma_start3A_333 = tpu.memref_slice %arg13[%dma_start3A_322] : memref<8x!tpu.dma_semaphore, #tpu.memory_space<semaphore_mem>> -> memref<1x!tpu.dma_semaphore, #tpu.memory_space<semaphore_mem>>
      %dma_start3A_334 = tpu.memref_squeeze %dma_start3A_333 : memref<1x!tpu.dma_semaphore, #tpu.memory_space<semaphore_mem>> -> memref<!tpu.dma_semaphore, #tpu.memory_space<semaphore_mem>>
      tpu.enqueue_indirect_dma source(%dma_start3A_326 : memref<128x16xf32, #tpu.memory_space<vmem>>) target(%dma_start3A_332 : memref<10240x16xf32, #tpu.memory_space<vmem_shared>>) offsets(%dma_start3A_329 : memref<128xi32, #tpu.memory_space<vmem>>) semaphore(%dma_start3A_334 : memref<!tpu.dma_semaphore, #tpu.memory_space<semaphore_mem>>) {add = true}
      %ge3A_335 = arith.constant 4 : i32
      %ge3A_336 = arith.cmpi sge, %add3A_306, %ge3A_335 : i32
      %convert_element_type3A_337 = arith.extui %ge3A_336 : i1 to i32
      %cond3A_338 = arith.constant 0 : i32
      %cond3A_339 = arith.cmpi ne, %convert_element_type3A_337, %cond3A_338 : i32
      scf.if %cond3A_339 {
        %sub3A = arith.constant 4 : i32
        %sub3A_479 = arith.subi %add3A_306, %sub3A : i32
        %dma_wait3A_480 = arith.constant 0 : i32
        %dma_wait3A_481 = arith.constant 0 : i32
        %dma_wait3A_482 = arith.constant 0 : i32
        %dma_wait3A_483 = arith.constant 0 : i32
        %dma_wait3A_484 = tpu.memref_slice %arg9[%dma_wait3A_480, %dma_wait3A_482, %dma_wait3A_483] : memref<8x128x16xf32, #tpu.memory_space<vmem>> -> memref<1x128x16xf32, #tpu.memory_space<vmem>>
        %dma_wait3A_485 = tpu.memref_squeeze %dma_wait3A_484 : memref<1x128x16xf32, #tpu.memory_space<vmem>> -> memref<128x16xf32, #tpu.memory_space<vmem>>
        %dma_wait3A_486 = arith.constant 0 : i32
        %dma_wait3A_487 = tpu.memref_slice %arg8[%sub3A_479, %dma_wait3A_486] : memref<80x128xi32, #tpu.memory_space<vmem>> -> memref<1x128xi32, #tpu.memory_space<vmem>>
        %dma_wait3A_488 = tpu.memref_squeeze %dma_wait3A_487 : memref<1x128xi32, #tpu.memory_space<vmem>> -> memref<128xi32, #tpu.memory_space<vmem>>
        %dma_wait3A_489 = arith.constant 0 : i32
        %dma_wait3A_490 = arith.constant 0 : i32
        %dma_wait3A_491 = tpu.memref_slice %arg10[%dma_wait3A_489, %dma_wait3A_490] : memref<10240x16xf32, #tpu.memory_space<vmem_shared>> -> memref<10240x16xf32, #tpu.memory_space<vmem_shared>>
        %dma_wait3A_492 = tpu.memref_slice %arg13[%dma_wait3A_481] : memref<8x!tpu.dma_semaphore, #tpu.memory_space<semaphore_mem>> -> memref<1x!tpu.dma_semaphore, #tpu.memory_space<semaphore_mem>>
        %dma_wait3A_493 = tpu.memref_squeeze %dma_wait3A_492 : memref<1x!tpu.dma_semaphore, #tpu.memory_space<semaphore_mem>> -> memref<!tpu.dma_semaphore, #tpu.memory_space<semaphore_mem>>
        tpu.wait_indirect_dma semaphore(%dma_wait3A_493 : memref<!tpu.dma_semaphore, #tpu.memory_space<semaphore_mem>>) src(%dma_wait3A_485 : memref<128x16xf32, #tpu.memory_space<vmem>>) dst(%dma_wait3A_491 : memref<10240x16xf32, #tpu.memory_space<vmem_shared>>)
      } else {
      }
      %add3A_340 = arith.constant 4 : i32
      %add3A_341 = arith.addi %add3A_306, %add3A_340 : i32
      %lt3A_342 = arith.constant 80 : i32
      %lt3A_343 = arith.cmpi slt, %add3A_341, %lt3A_342 : i32
      %convert_element_type3A_344 = arith.extui %lt3A_343 : i1 to i32
      %cond3A_345 = arith.constant 0 : i32
      %cond3A_346 = arith.cmpi ne, %convert_element_type3A_344, %cond3A_345 : i32
      scf.if %cond3A_346 {
        %add3A_479 = arith.constant 4 : i32
        %add3A_480 = arith.addi %add3A_306, %add3A_479 : i32
        %dma_start3A_481 = arith.constant 0 : i32
        %dma_start3A_482 = arith.constant 0 : i32
        %dma_start3A_483 = arith.constant 0 : i32
        %dma_start3A_484 = arith.constant 0 : i32
        %dma_start3A_485 = tpu.memref_slice %arg9[%dma_start3A_481, %dma_start3A_483, %dma_start3A_484] : memref<8x128x16xf32, #tpu.memory_space<vmem>> -> memref<1x128x16xf32, #tpu.memory_space<vmem>>
        %dma_start3A_486 = tpu.memref_squeeze %dma_start3A_485 : memref<1x128x16xf32, #tpu.memory_space<vmem>> -> memref<128x16xf32, #tpu.memory_space<vmem>>
        %dma_start3A_487 = arith.constant 0 : i32
        %dma_start3A_488 = tpu.memref_slice %arg7[%add3A_480, %dma_start3A_487] : memref<80x128xi32, #tpu.memory_space<vmem>> -> memref<1x128xi32, #tpu.memory_space<vmem>>
        %dma_start3A_489 = tpu.memref_squeeze %dma_start3A_488 : memref<1x128xi32, #tpu.memory_space<vmem>> -> memref<128xi32, #tpu.memory_space<vmem>>
        %dma_start3A_490 = arith.constant 0 : i32
        %dma_start3A_491 = arith.constant 0 : i32
        %dma_start3A_492 = tpu.memref_slice %arg11[%dma_start3A_490, %dma_start3A_491] : memref<10240x16xf32, #tpu.memory_space<vmem_shared>> -> memref<10240x16xf32, #tpu.memory_space<vmem_shared>>
        %dma_start3A_493 = tpu.memref_slice %arg12[%dma_start3A_482] : memref<8x!tpu.dma_semaphore, #tpu.memory_space<semaphore_mem>> -> memref<1x!tpu.dma_semaphore, #tpu.memory_space<semaphore_mem>>
        %dma_start3A_494 = tpu.memref_squeeze %dma_start3A_493 : memref<1x!tpu.dma_semaphore, #tpu.memory_space<semaphore_mem>> -> memref<!tpu.dma_semaphore, #tpu.memory_space<semaphore_mem>>
        tpu.enqueue_indirect_dma source(%dma_start3A_492 : memref<10240x16xf32, #tpu.memory_space<vmem_shared>>) target(%dma_start3A_486 : memref<128x16xf32, #tpu.memory_space<vmem>>) offsets(%dma_start3A_489 : memref<128xi32, #tpu.memory_space<vmem>>) semaphore(%dma_start3A_494 : memref<!tpu.dma_semaphore, #tpu.memory_space<semaphore_mem>>)
      } else {
      }
      %mul3A_347 = arith.constant 8 : i32
      %mul3A_348 = arith.muli %scan3A_130, %mul3A_347 : i32
      %add3A_349 = arith.constant 5 : i32
      %add3A_350 = arith.addi %mul3A_348, %add3A_349 : i32
      %dma_wait3A_351 = arith.constant 5 : i32
      %dma_wait3A_352 = arith.constant 5 : i32
      %dma_wait3A_353 = arith.constant 0 : i32
      %dma_wait3A_354 = arith.constant 0 : i32
      %dma_wait3A_355 = tpu.memref_slice %arg9[%dma_wait3A_351, %dma_wait3A_353, %dma_wait3A_354] : memref<8x128x16xf32, #tpu.memory_space<vmem>> -> memref<1x128x16xf32, #tpu.memory_space<vmem>>
      %dma_wait3A_356 = tpu.memref_squeeze %dma_wait3A_355 : memref<1x128x16xf32, #tpu.memory_space<vmem>> -> memref<128x16xf32, #tpu.memory_space<vmem>>
      %dma_wait3A_357 = arith.constant 0 : i32
      %dma_wait3A_358 = tpu.memref_slice %arg7[%add3A_350, %dma_wait3A_357] : memref<80x128xi32, #tpu.memory_space<vmem>> -> memref<1x128xi32, #tpu.memory_space<vmem>>
      %dma_wait3A_359 = tpu.memref_squeeze %dma_wait3A_358 : memref<1x128xi32, #tpu.memory_space<vmem>> -> memref<128xi32, #tpu.memory_space<vmem>>
      %dma_wait3A_360 = arith.constant 0 : i32
      %dma_wait3A_361 = arith.constant 0 : i32
      %dma_wait3A_362 = tpu.memref_slice %arg11[%dma_wait3A_360, %dma_wait3A_361] : memref<10240x16xf32, #tpu.memory_space<vmem_shared>> -> memref<10240x16xf32, #tpu.memory_space<vmem_shared>>
      %dma_wait3A_363 = tpu.memref_slice %arg12[%dma_wait3A_352] : memref<8x!tpu.dma_semaphore, #tpu.memory_space<semaphore_mem>> -> memref<1x!tpu.dma_semaphore, #tpu.memory_space<semaphore_mem>>
      %dma_wait3A_364 = tpu.memref_squeeze %dma_wait3A_363 : memref<1x!tpu.dma_semaphore, #tpu.memory_space<semaphore_mem>> -> memref<!tpu.dma_semaphore, #tpu.memory_space<semaphore_mem>>
      tpu.wait_indirect_dma semaphore(%dma_wait3A_364 : memref<!tpu.dma_semaphore, #tpu.memory_space<semaphore_mem>>) src(%dma_wait3A_362 : memref<10240x16xf32, #tpu.memory_space<vmem_shared>>) dst(%dma_wait3A_356 : memref<128x16xf32, #tpu.memory_space<vmem>>)
      %dma_start3A_365 = arith.constant 5 : i32
      %dma_start3A_366 = arith.constant 5 : i32
      %dma_start3A_367 = arith.constant 0 : i32
      %dma_start3A_368 = arith.constant 0 : i32
      %dma_start3A_369 = tpu.memref_slice %arg9[%dma_start3A_365, %dma_start3A_367, %dma_start3A_368] : memref<8x128x16xf32, #tpu.memory_space<vmem>> -> memref<1x128x16xf32, #tpu.memory_space<vmem>>
      %dma_start3A_370 = tpu.memref_squeeze %dma_start3A_369 : memref<1x128x16xf32, #tpu.memory_space<vmem>> -> memref<128x16xf32, #tpu.memory_space<vmem>>
      %dma_start3A_371 = arith.constant 0 : i32
      %dma_start3A_372 = tpu.memref_slice %arg8[%add3A_350, %dma_start3A_371] : memref<80x128xi32, #tpu.memory_space<vmem>> -> memref<1x128xi32, #tpu.memory_space<vmem>>
      %dma_start3A_373 = tpu.memref_squeeze %dma_start3A_372 : memref<1x128xi32, #tpu.memory_space<vmem>> -> memref<128xi32, #tpu.memory_space<vmem>>
      %dma_start3A_374 = arith.constant 0 : i32
      %dma_start3A_375 = arith.constant 0 : i32
      %dma_start3A_376 = tpu.memref_slice %arg10[%dma_start3A_374, %dma_start3A_375] : memref<10240x16xf32, #tpu.memory_space<vmem_shared>> -> memref<10240x16xf32, #tpu.memory_space<vmem_shared>>
      %dma_start3A_377 = tpu.memref_slice %arg13[%dma_start3A_366] : memref<8x!tpu.dma_semaphore, #tpu.memory_space<semaphore_mem>> -> memref<1x!tpu.dma_semaphore, #tpu.memory_space<semaphore_mem>>
      %dma_start3A_378 = tpu.memref_squeeze %dma_start3A_377 : memref<1x!tpu.dma_semaphore, #tpu.memory_space<semaphore_mem>> -> memref<!tpu.dma_semaphore, #tpu.memory_space<semaphore_mem>>
      tpu.enqueue_indirect_dma source(%dma_start3A_370 : memref<128x16xf32, #tpu.memory_space<vmem>>) target(%dma_start3A_376 : memref<10240x16xf32, #tpu.memory_space<vmem_shared>>) offsets(%dma_start3A_373 : memref<128xi32, #tpu.memory_space<vmem>>) semaphore(%dma_start3A_378 : memref<!tpu.dma_semaphore, #tpu.memory_space<semaphore_mem>>) {add = true}
      %ge3A_379 = arith.constant 4 : i32
      %ge3A_380 = arith.cmpi sge, %add3A_350, %ge3A_379 : i32
      %convert_element_type3A_381 = arith.extui %ge3A_380 : i1 to i32
      %cond3A_382 = arith.constant 0 : i32
      %cond3A_383 = arith.cmpi ne, %convert_element_type3A_381, %cond3A_382 : i32
      scf.if %cond3A_383 {
        %sub3A = arith.constant 4 : i32
        %sub3A_479 = arith.subi %add3A_350, %sub3A : i32
        %dma_wait3A_480 = arith.constant 1 : i32
        %dma_wait3A_481 = arith.constant 1 : i32
        %dma_wait3A_482 = arith.constant 0 : i32
        %dma_wait3A_483 = arith.constant 0 : i32
        %dma_wait3A_484 = tpu.memref_slice %arg9[%dma_wait3A_480, %dma_wait3A_482, %dma_wait3A_483] : memref<8x128x16xf32, #tpu.memory_space<vmem>> -> memref<1x128x16xf32, #tpu.memory_space<vmem>>
        %dma_wait3A_485 = tpu.memref_squeeze %dma_wait3A_484 : memref<1x128x16xf32, #tpu.memory_space<vmem>> -> memref<128x16xf32, #tpu.memory_space<vmem>>
        %dma_wait3A_486 = arith.constant 0 : i32
        %dma_wait3A_487 = tpu.memref_slice %arg8[%sub3A_479, %dma_wait3A_486] : memref<80x128xi32, #tpu.memory_space<vmem>> -> memref<1x128xi32, #tpu.memory_space<vmem>>
        %dma_wait3A_488 = tpu.memref_squeeze %dma_wait3A_487 : memref<1x128xi32, #tpu.memory_space<vmem>> -> memref<128xi32, #tpu.memory_space<vmem>>
        %dma_wait3A_489 = arith.constant 0 : i32
        %dma_wait3A_490 = arith.constant 0 : i32
        %dma_wait3A_491 = tpu.memref_slice %arg10[%dma_wait3A_489, %dma_wait3A_490] : memref<10240x16xf32, #tpu.memory_space<vmem_shared>> -> memref<10240x16xf32, #tpu.memory_space<vmem_shared>>
        %dma_wait3A_492 = tpu.memref_slice %arg13[%dma_wait3A_481] : memref<8x!tpu.dma_semaphore, #tpu.memory_space<semaphore_mem>> -> memref<1x!tpu.dma_semaphore, #tpu.memory_space<semaphore_mem>>
        %dma_wait3A_493 = tpu.memref_squeeze %dma_wait3A_492 : memref<1x!tpu.dma_semaphore, #tpu.memory_space<semaphore_mem>> -> memref<!tpu.dma_semaphore, #tpu.memory_space<semaphore_mem>>
        tpu.wait_indirect_dma semaphore(%dma_wait3A_493 : memref<!tpu.dma_semaphore, #tpu.memory_space<semaphore_mem>>) src(%dma_wait3A_485 : memref<128x16xf32, #tpu.memory_space<vmem>>) dst(%dma_wait3A_491 : memref<10240x16xf32, #tpu.memory_space<vmem_shared>>)
      } else {
      }
      %add3A_384 = arith.constant 4 : i32
      %add3A_385 = arith.addi %add3A_350, %add3A_384 : i32
      %lt3A_386 = arith.constant 80 : i32
      %lt3A_387 = arith.cmpi slt, %add3A_385, %lt3A_386 : i32
      %convert_element_type3A_388 = arith.extui %lt3A_387 : i1 to i32
      %cond3A_389 = arith.constant 0 : i32
      %cond3A_390 = arith.cmpi ne, %convert_element_type3A_388, %cond3A_389 : i32
      scf.if %cond3A_390 {
        %add3A_479 = arith.constant 4 : i32
        %add3A_480 = arith.addi %add3A_350, %add3A_479 : i32
        %dma_start3A_481 = arith.constant 1 : i32
        %dma_start3A_482 = arith.constant 1 : i32
        %dma_start3A_483 = arith.constant 0 : i32
        %dma_start3A_484 = arith.constant 0 : i32
        %dma_start3A_485 = tpu.memref_slice %arg9[%dma_start3A_481, %dma_start3A_483, %dma_start3A_484] : memref<8x128x16xf32, #tpu.memory_space<vmem>> -> memref<1x128x16xf32, #tpu.memory_space<vmem>>
        %dma_start3A_486 = tpu.memref_squeeze %dma_start3A_485 : memref<1x128x16xf32, #tpu.memory_space<vmem>> -> memref<128x16xf32, #tpu.memory_space<vmem>>
        %dma_start3A_487 = arith.constant 0 : i32
        %dma_start3A_488 = tpu.memref_slice %arg7[%add3A_480, %dma_start3A_487] : memref<80x128xi32, #tpu.memory_space<vmem>> -> memref<1x128xi32, #tpu.memory_space<vmem>>
        %dma_start3A_489 = tpu.memref_squeeze %dma_start3A_488 : memref<1x128xi32, #tpu.memory_space<vmem>> -> memref<128xi32, #tpu.memory_space<vmem>>
        %dma_start3A_490 = arith.constant 0 : i32
        %dma_start3A_491 = arith.constant 0 : i32
        %dma_start3A_492 = tpu.memref_slice %arg11[%dma_start3A_490, %dma_start3A_491] : memref<10240x16xf32, #tpu.memory_space<vmem_shared>> -> memref<10240x16xf32, #tpu.memory_space<vmem_shared>>
        %dma_start3A_493 = tpu.memref_slice %arg12[%dma_start3A_482] : memref<8x!tpu.dma_semaphore, #tpu.memory_space<semaphore_mem>> -> memref<1x!tpu.dma_semaphore, #tpu.memory_space<semaphore_mem>>
        %dma_start3A_494 = tpu.memref_squeeze %dma_start3A_493 : memref<1x!tpu.dma_semaphore, #tpu.memory_space<semaphore_mem>> -> memref<!tpu.dma_semaphore, #tpu.memory_space<semaphore_mem>>
        tpu.enqueue_indirect_dma source(%dma_start3A_492 : memref<10240x16xf32, #tpu.memory_space<vmem_shared>>) target(%dma_start3A_486 : memref<128x16xf32, #tpu.memory_space<vmem>>) offsets(%dma_start3A_489 : memref<128xi32, #tpu.memory_space<vmem>>) semaphore(%dma_start3A_494 : memref<!tpu.dma_semaphore, #tpu.memory_space<semaphore_mem>>)
      } else {
      }
      %mul3A_391 = arith.constant 8 : i32
      %mul3A_392 = arith.muli %scan3A_130, %mul3A_391 : i32
      %add3A_393 = arith.constant 6 : i32
      %add3A_394 = arith.addi %mul3A_392, %add3A_393 : i32
      %dma_wait3A_395 = arith.constant 6 : i32
      %dma_wait3A_396 = arith.constant 6 : i32
      %dma_wait3A_397 = arith.constant 0 : i32
      %dma_wait3A_398 = arith.constant 0 : i32
      %dma_wait3A_399 = tpu.memref_slice %arg9[%dma_wait3A_395, %dma_wait3A_397, %dma_wait3A_398] : memref<8x128x16xf32, #tpu.memory_space<vmem>> -> memref<1x128x16xf32, #tpu.memory_space<vmem>>
      %dma_wait3A_400 = tpu.memref_squeeze %dma_wait3A_399 : memref<1x128x16xf32, #tpu.memory_space<vmem>> -> memref<128x16xf32, #tpu.memory_space<vmem>>
      %dma_wait3A_401 = arith.constant 0 : i32
      %dma_wait3A_402 = tpu.memref_slice %arg7[%add3A_394, %dma_wait3A_401] : memref<80x128xi32, #tpu.memory_space<vmem>> -> memref<1x128xi32, #tpu.memory_space<vmem>>
      %dma_wait3A_403 = tpu.memref_squeeze %dma_wait3A_402 : memref<1x128xi32, #tpu.memory_space<vmem>> -> memref<128xi32, #tpu.memory_space<vmem>>
      %dma_wait3A_404 = arith.constant 0 : i32
      %dma_wait3A_405 = arith.constant 0 : i32
      %dma_wait3A_406 = tpu.memref_slice %arg11[%dma_wait3A_404, %dma_wait3A_405] : memref<10240x16xf32, #tpu.memory_space<vmem_shared>> -> memref<10240x16xf32, #tpu.memory_space<vmem_shared>>
      %dma_wait3A_407 = tpu.memref_slice %arg12[%dma_wait3A_396] : memref<8x!tpu.dma_semaphore, #tpu.memory_space<semaphore_mem>> -> memref<1x!tpu.dma_semaphore, #tpu.memory_space<semaphore_mem>>
      %dma_wait3A_408 = tpu.memref_squeeze %dma_wait3A_407 : memref<1x!tpu.dma_semaphore, #tpu.memory_space<semaphore_mem>> -> memref<!tpu.dma_semaphore, #tpu.memory_space<semaphore_mem>>
      tpu.wait_indirect_dma semaphore(%dma_wait3A_408 : memref<!tpu.dma_semaphore, #tpu.memory_space<semaphore_mem>>) src(%dma_wait3A_406 : memref<10240x16xf32, #tpu.memory_space<vmem_shared>>) dst(%dma_wait3A_400 : memref<128x16xf32, #tpu.memory_space<vmem>>)
      %dma_start3A_409 = arith.constant 6 : i32
      %dma_start3A_410 = arith.constant 6 : i32
      %dma_start3A_411 = arith.constant 0 : i32
      %dma_start3A_412 = arith.constant 0 : i32
      %dma_start3A_413 = tpu.memref_slice %arg9[%dma_start3A_409, %dma_start3A_411, %dma_start3A_412] : memref<8x128x16xf32, #tpu.memory_space<vmem>> -> memref<1x128x16xf32, #tpu.memory_space<vmem>>
      %dma_start3A_414 = tpu.memref_squeeze %dma_start3A_413 : memref<1x128x16xf32, #tpu.memory_space<vmem>> -> memref<128x16xf32, #tpu.memory_space<vmem>>
      %dma_start3A_415 = arith.constant 0 : i32
      %dma_start3A_416 = tpu.memref_slice %arg8[%add3A_394, %dma_start3A_415] : memref<80x128xi32, #tpu.memory_space<vmem>> -> memref<1x128xi32, #tpu.memory_space<vmem>>
      %dma_start3A_417 = tpu.memref_squeeze %dma_start3A_416 : memref<1x128xi32, #tpu.memory_space<vmem>> -> memref<128xi32, #tpu.memory_space<vmem>>
      %dma_start3A_418 = arith.constant 0 : i32
      %dma_start3A_419 = arith.constant 0 : i32
      %dma_start3A_420 = tpu.memref_slice %arg10[%dma_start3A_418, %dma_start3A_419] : memref<10240x16xf32, #tpu.memory_space<vmem_shared>> -> memref<10240x16xf32, #tpu.memory_space<vmem_shared>>
      %dma_start3A_421 = tpu.memref_slice %arg13[%dma_start3A_410] : memref<8x!tpu.dma_semaphore, #tpu.memory_space<semaphore_mem>> -> memref<1x!tpu.dma_semaphore, #tpu.memory_space<semaphore_mem>>
      %dma_start3A_422 = tpu.memref_squeeze %dma_start3A_421 : memref<1x!tpu.dma_semaphore, #tpu.memory_space<semaphore_mem>> -> memref<!tpu.dma_semaphore, #tpu.memory_space<semaphore_mem>>
      tpu.enqueue_indirect_dma source(%dma_start3A_414 : memref<128x16xf32, #tpu.memory_space<vmem>>) target(%dma_start3A_420 : memref<10240x16xf32, #tpu.memory_space<vmem_shared>>) offsets(%dma_start3A_417 : memref<128xi32, #tpu.memory_space<vmem>>) semaphore(%dma_start3A_422 : memref<!tpu.dma_semaphore, #tpu.memory_space<semaphore_mem>>) {add = true}
      %ge3A_423 = arith.constant 4 : i32
      %ge3A_424 = arith.cmpi sge, %add3A_394, %ge3A_423 : i32
      %convert_element_type3A_425 = arith.extui %ge3A_424 : i1 to i32
      %cond3A_426 = arith.constant 0 : i32
      %cond3A_427 = arith.cmpi ne, %convert_element_type3A_425, %cond3A_426 : i32
      scf.if %cond3A_427 {
        %sub3A = arith.constant 4 : i32
        %sub3A_479 = arith.subi %add3A_394, %sub3A : i32
        %dma_wait3A_480 = arith.constant 2 : i32
        %dma_wait3A_481 = arith.constant 2 : i32
        %dma_wait3A_482 = arith.constant 0 : i32
        %dma_wait3A_483 = arith.constant 0 : i32
        %dma_wait3A_484 = tpu.memref_slice %arg9[%dma_wait3A_480, %dma_wait3A_482, %dma_wait3A_483] : memref<8x128x16xf32, #tpu.memory_space<vmem>> -> memref<1x128x16xf32, #tpu.memory_space<vmem>>
        %dma_wait3A_485 = tpu.memref_squeeze %dma_wait3A_484 : memref<1x128x16xf32, #tpu.memory_space<vmem>> -> memref<128x16xf32, #tpu.memory_space<vmem>>
        %dma_wait3A_486 = arith.constant 0 : i32
        %dma_wait3A_487 = tpu.memref_slice %arg8[%sub3A_479, %dma_wait3A_486] : memref<80x128xi32, #tpu.memory_space<vmem>> -> memref<1x128xi32, #tpu.memory_space<vmem>>
        %dma_wait3A_488 = tpu.memref_squeeze %dma_wait3A_487 : memref<1x128xi32, #tpu.memory_space<vmem>> -> memref<128xi32, #tpu.memory_space<vmem>>
        %dma_wait3A_489 = arith.constant 0 : i32
        %dma_wait3A_490 = arith.constant 0 : i32
        %dma_wait3A_491 = tpu.memref_slice %arg10[%dma_wait3A_489, %dma_wait3A_490] : memref<10240x16xf32, #tpu.memory_space<vmem_shared>> -> memref<10240x16xf32, #tpu.memory_space<vmem_shared>>
        %dma_wait3A_492 = tpu.memref_slice %arg13[%dma_wait3A_481] : memref<8x!tpu.dma_semaphore, #tpu.memory_space<semaphore_mem>> -> memref<1x!tpu.dma_semaphore, #tpu.memory_space<semaphore_mem>>
        %dma_wait3A_493 = tpu.memref_squeeze %dma_wait3A_492 : memref<1x!tpu.dma_semaphore, #tpu.memory_space<semaphore_mem>> -> memref<!tpu.dma_semaphore, #tpu.memory_space<semaphore_mem>>
        tpu.wait_indirect_dma semaphore(%dma_wait3A_493 : memref<!tpu.dma_semaphore, #tpu.memory_space<semaphore_mem>>) src(%dma_wait3A_485 : memref<128x16xf32, #tpu.memory_space<vmem>>) dst(%dma_wait3A_491 : memref<10240x16xf32, #tpu.memory_space<vmem_shared>>)
      } else {
      }
      %add3A_428 = arith.constant 4 : i32
      %add3A_429 = arith.addi %add3A_394, %add3A_428 : i32
      %lt3A_430 = arith.constant 80 : i32
      %lt3A_431 = arith.cmpi slt, %add3A_429, %lt3A_430 : i32
      %convert_element_type3A_432 = arith.extui %lt3A_431 : i1 to i32
      %cond3A_433 = arith.constant 0 : i32
      %cond3A_434 = arith.cmpi ne, %convert_element_type3A_432, %cond3A_433 : i32
      scf.if %cond3A_434 {
        %add3A_479 = arith.constant 4 : i32
        %add3A_480 = arith.addi %add3A_394, %add3A_479 : i32
        %dma_start3A_481 = arith.constant 2 : i32
        %dma_start3A_482 = arith.constant 2 : i32
        %dma_start3A_483 = arith.constant 0 : i32
        %dma_start3A_484 = arith.constant 0 : i32
        %dma_start3A_485 = tpu.memref_slice %arg9[%dma_start3A_481, %dma_start3A_483, %dma_start3A_484] : memref<8x128x16xf32, #tpu.memory_space<vmem>> -> memref<1x128x16xf32, #tpu.memory_space<vmem>>
        %dma_start3A_486 = tpu.memref_squeeze %dma_start3A_485 : memref<1x128x16xf32, #tpu.memory_space<vmem>> -> memref<128x16xf32, #tpu.memory_space<vmem>>
        %dma_start3A_487 = arith.constant 0 : i32
        %dma_start3A_488 = tpu.memref_slice %arg7[%add3A_480, %dma_start3A_487] : memref<80x128xi32, #tpu.memory_space<vmem>> -> memref<1x128xi32, #tpu.memory_space<vmem>>
        %dma_start3A_489 = tpu.memref_squeeze %dma_start3A_488 : memref<1x128xi32, #tpu.memory_space<vmem>> -> memref<128xi32, #tpu.memory_space<vmem>>
        %dma_start3A_490 = arith.constant 0 : i32
        %dma_start3A_491 = arith.constant 0 : i32
        %dma_start3A_492 = tpu.memref_slice %arg11[%dma_start3A_490, %dma_start3A_491] : memref<10240x16xf32, #tpu.memory_space<vmem_shared>> -> memref<10240x16xf32, #tpu.memory_space<vmem_shared>>
        %dma_start3A_493 = tpu.memref_slice %arg12[%dma_start3A_482] : memref<8x!tpu.dma_semaphore, #tpu.memory_space<semaphore_mem>> -> memref<1x!tpu.dma_semaphore, #tpu.memory_space<semaphore_mem>>
        %dma_start3A_494 = tpu.memref_squeeze %dma_start3A_493 : memref<1x!tpu.dma_semaphore, #tpu.memory_space<semaphore_mem>> -> memref<!tpu.dma_semaphore, #tpu.memory_space<semaphore_mem>>
        tpu.enqueue_indirect_dma source(%dma_start3A_492 : memref<10240x16xf32, #tpu.memory_space<vmem_shared>>) target(%dma_start3A_486 : memref<128x16xf32, #tpu.memory_space<vmem>>) offsets(%dma_start3A_489 : memref<128xi32, #tpu.memory_space<vmem>>) semaphore(%dma_start3A_494 : memref<!tpu.dma_semaphore, #tpu.memory_space<semaphore_mem>>)
      } else {
      }
      %mul3A_435 = arith.constant 8 : i32
      %mul3A_436 = arith.muli %scan3A_130, %mul3A_435 : i32
      %add3A_437 = arith.constant 7 : i32
      %add3A_438 = arith.addi %mul3A_436, %add3A_437 : i32
      %dma_wait3A_439 = arith.constant 7 : i32
      %dma_wait3A_440 = arith.constant 7 : i32
      %dma_wait3A_441 = arith.constant 0 : i32
      %dma_wait3A_442 = arith.constant 0 : i32
      %dma_wait3A_443 = tpu.memref_slice %arg9[%dma_wait3A_439, %dma_wait3A_441, %dma_wait3A_442] : memref<8x128x16xf32, #tpu.memory_space<vmem>> -> memref<1x128x16xf32, #tpu.memory_space<vmem>>
      %dma_wait3A_444 = tpu.memref_squeeze %dma_wait3A_443 : memref<1x128x16xf32, #tpu.memory_space<vmem>> -> memref<128x16xf32, #tpu.memory_space<vmem>>
      %dma_wait3A_445 = arith.constant 0 : i32
      %dma_wait3A_446 = tpu.memref_slice %arg7[%add3A_438, %dma_wait3A_445] : memref<80x128xi32, #tpu.memory_space<vmem>> -> memref<1x128xi32, #tpu.memory_space<vmem>>
      %dma_wait3A_447 = tpu.memref_squeeze %dma_wait3A_446 : memref<1x128xi32, #tpu.memory_space<vmem>> -> memref<128xi32, #tpu.memory_space<vmem>>
      %dma_wait3A_448 = arith.constant 0 : i32
      %dma_wait3A_449 = arith.constant 0 : i32
      %dma_wait3A_450 = tpu.memref_slice %arg11[%dma_wait3A_448, %dma_wait3A_449] : memref<10240x16xf32, #tpu.memory_space<vmem_shared>> -> memref<10240x16xf32, #tpu.memory_space<vmem_shared>>
      %dma_wait3A_451 = tpu.memref_slice %arg12[%dma_wait3A_440] : memref<8x!tpu.dma_semaphore, #tpu.memory_space<semaphore_mem>> -> memref<1x!tpu.dma_semaphore, #tpu.memory_space<semaphore_mem>>
      %dma_wait3A_452 = tpu.memref_squeeze %dma_wait3A_451 : memref<1x!tpu.dma_semaphore, #tpu.memory_space<semaphore_mem>> -> memref<!tpu.dma_semaphore, #tpu.memory_space<semaphore_mem>>
      tpu.wait_indirect_dma semaphore(%dma_wait3A_452 : memref<!tpu.dma_semaphore, #tpu.memory_space<semaphore_mem>>) src(%dma_wait3A_450 : memref<10240x16xf32, #tpu.memory_space<vmem_shared>>) dst(%dma_wait3A_444 : memref<128x16xf32, #tpu.memory_space<vmem>>)
      %dma_start3A_453 = arith.constant 7 : i32
      %dma_start3A_454 = arith.constant 7 : i32
      %dma_start3A_455 = arith.constant 0 : i32
      %dma_start3A_456 = arith.constant 0 : i32
      %dma_start3A_457 = tpu.memref_slice %arg9[%dma_start3A_453, %dma_start3A_455, %dma_start3A_456] : memref<8x128x16xf32, #tpu.memory_space<vmem>> -> memref<1x128x16xf32, #tpu.memory_space<vmem>>
      %dma_start3A_458 = tpu.memref_squeeze %dma_start3A_457 : memref<1x128x16xf32, #tpu.memory_space<vmem>> -> memref<128x16xf32, #tpu.memory_space<vmem>>
      %dma_start3A_459 = arith.constant 0 : i32
      %dma_start3A_460 = tpu.memref_slice %arg8[%add3A_438, %dma_start3A_459] : memref<80x128xi32, #tpu.memory_space<vmem>> -> memref<1x128xi32, #tpu.memory_space<vmem>>
      %dma_start3A_461 = tpu.memref_squeeze %dma_start3A_460 : memref<1x128xi32, #tpu.memory_space<vmem>> -> memref<128xi32, #tpu.memory_space<vmem>>
      %dma_start3A_462 = arith.constant 0 : i32
      %dma_start3A_463 = arith.constant 0 : i32
      %dma_start3A_464 = tpu.memref_slice %arg10[%dma_start3A_462, %dma_start3A_463] : memref<10240x16xf32, #tpu.memory_space<vmem_shared>> -> memref<10240x16xf32, #tpu.memory_space<vmem_shared>>
      %dma_start3A_465 = tpu.memref_slice %arg13[%dma_start3A_454] : memref<8x!tpu.dma_semaphore, #tpu.memory_space<semaphore_mem>> -> memref<1x!tpu.dma_semaphore, #tpu.memory_space<semaphore_mem>>
      %dma_start3A_466 = tpu.memref_squeeze %dma_start3A_465 : memref<1x!tpu.dma_semaphore, #tpu.memory_space<semaphore_mem>> -> memref<!tpu.dma_semaphore, #tpu.memory_space<semaphore_mem>>
      tpu.enqueue_indirect_dma source(%dma_start3A_458 : memref<128x16xf32, #tpu.memory_space<vmem>>) target(%dma_start3A_464 : memref<10240x16xf32, #tpu.memory_space<vmem_shared>>) offsets(%dma_start3A_461 : memref<128xi32, #tpu.memory_space<vmem>>) semaphore(%dma_start3A_466 : memref<!tpu.dma_semaphore, #tpu.memory_space<semaphore_mem>>) {add = true}
      %ge3A_467 = arith.constant 4 : i32
      %ge3A_468 = arith.cmpi sge, %add3A_438, %ge3A_467 : i32
      %convert_element_type3A_469 = arith.extui %ge3A_468 : i1 to i32
      %cond3A_470 = arith.constant 0 : i32
      %cond3A_471 = arith.cmpi ne, %convert_element_type3A_469, %cond3A_470 : i32
      scf.if %cond3A_471 {
        %sub3A = arith.constant 4 : i32
        %sub3A_479 = arith.subi %add3A_438, %sub3A : i32
        %dma_wait3A_480 = arith.constant 3 : i32
        %dma_wait3A_481 = arith.constant 3 : i32
        %dma_wait3A_482 = arith.constant 0 : i32
        %dma_wait3A_483 = arith.constant 0 : i32
        %dma_wait3A_484 = tpu.memref_slice %arg9[%dma_wait3A_480, %dma_wait3A_482, %dma_wait3A_483] : memref<8x128x16xf32, #tpu.memory_space<vmem>> -> memref<1x128x16xf32, #tpu.memory_space<vmem>>
        %dma_wait3A_485 = tpu.memref_squeeze %dma_wait3A_484 : memref<1x128x16xf32, #tpu.memory_space<vmem>> -> memref<128x16xf32, #tpu.memory_space<vmem>>
        %dma_wait3A_486 = arith.constant 0 : i32
        %dma_wait3A_487 = tpu.memref_slice %arg8[%sub3A_479, %dma_wait3A_486] : memref<80x128xi32, #tpu.memory_space<vmem>> -> memref<1x128xi32, #tpu.memory_space<vmem>>
        %dma_wait3A_488 = tpu.memref_squeeze %dma_wait3A_487 : memref<1x128xi32, #tpu.memory_space<vmem>> -> memref<128xi32, #tpu.memory_space<vmem>>
        %dma_wait3A_489 = arith.constant 0 : i32
        %dma_wait3A_490 = arith.constant 0 : i32
        %dma_wait3A_491 = tpu.memref_slice %arg10[%dma_wait3A_489, %dma_wait3A_490] : memref<10240x16xf32, #tpu.memory_space<vmem_shared>> -> memref<10240x16xf32, #tpu.memory_space<vmem_shared>>
        %dma_wait3A_492 = tpu.memref_slice %arg13[%dma_wait3A_481] : memref<8x!tpu.dma_semaphore, #tpu.memory_space<semaphore_mem>> -> memref<1x!tpu.dma_semaphore, #tpu.memory_space<semaphore_mem>>
        %dma_wait3A_493 = tpu.memref_squeeze %dma_wait3A_492 : memref<1x!tpu.dma_semaphore, #tpu.memory_space<semaphore_mem>> -> memref<!tpu.dma_semaphore, #tpu.memory_space<semaphore_mem>>
        tpu.wait_indirect_dma semaphore(%dma_wait3A_493 : memref<!tpu.dma_semaphore, #tpu.memory_space<semaphore_mem>>) src(%dma_wait3A_485 : memref<128x16xf32, #tpu.memory_space<vmem>>) dst(%dma_wait3A_491 : memref<10240x16xf32, #tpu.memory_space<vmem_shared>>)
      } else {
      }
      %add3A_472 = arith.constant 4 : i32
      %add3A_473 = arith.addi %add3A_438, %add3A_472 : i32
      %lt3A_474 = arith.constant 80 : i32
      %lt3A_475 = arith.cmpi slt, %add3A_473, %lt3A_474 : i32
      %convert_element_type3A_476 = arith.extui %lt3A_475 : i1 to i32
      %cond3A_477 = arith.constant 0 : i32
      %cond3A_478 = arith.cmpi ne, %convert_element_type3A_476, %cond3A_477 : i32
      scf.if %cond3A_478 {
        %add3A_479 = arith.constant 4 : i32
        %add3A_480 = arith.addi %add3A_438, %add3A_479 : i32
        %dma_start3A_481 = arith.constant 3 : i32
        %dma_start3A_482 = arith.constant 3 : i32
        %dma_start3A_483 = arith.constant 0 : i32
        %dma_start3A_484 = arith.constant 0 : i32
        %dma_start3A_485 = tpu.memref_slice %arg9[%dma_start3A_481, %dma_start3A_483, %dma_start3A_484] : memref<8x128x16xf32, #tpu.memory_space<vmem>> -> memref<1x128x16xf32, #tpu.memory_space<vmem>>
        %dma_start3A_486 = tpu.memref_squeeze %dma_start3A_485 : memref<1x128x16xf32, #tpu.memory_space<vmem>> -> memref<128x16xf32, #tpu.memory_space<vmem>>
        %dma_start3A_487 = arith.constant 0 : i32
        %dma_start3A_488 = tpu.memref_slice %arg7[%add3A_480, %dma_start3A_487] : memref<80x128xi32, #tpu.memory_space<vmem>> -> memref<1x128xi32, #tpu.memory_space<vmem>>
        %dma_start3A_489 = tpu.memref_squeeze %dma_start3A_488 : memref<1x128xi32, #tpu.memory_space<vmem>> -> memref<128xi32, #tpu.memory_space<vmem>>
        %dma_start3A_490 = arith.constant 0 : i32
        %dma_start3A_491 = arith.constant 0 : i32
        %dma_start3A_492 = tpu.memref_slice %arg11[%dma_start3A_490, %dma_start3A_491] : memref<10240x16xf32, #tpu.memory_space<vmem_shared>> -> memref<10240x16xf32, #tpu.memory_space<vmem_shared>>
        %dma_start3A_493 = tpu.memref_slice %arg12[%dma_start3A_482] : memref<8x!tpu.dma_semaphore, #tpu.memory_space<semaphore_mem>> -> memref<1x!tpu.dma_semaphore, #tpu.memory_space<semaphore_mem>>
        %dma_start3A_494 = tpu.memref_squeeze %dma_start3A_493 : memref<1x!tpu.dma_semaphore, #tpu.memory_space<semaphore_mem>> -> memref<!tpu.dma_semaphore, #tpu.memory_space<semaphore_mem>>
        tpu.enqueue_indirect_dma source(%dma_start3A_492 : memref<10240x16xf32, #tpu.memory_space<vmem_shared>>) target(%dma_start3A_486 : memref<128x16xf32, #tpu.memory_space<vmem>>) offsets(%dma_start3A_489 : memref<128xi32, #tpu.memory_space<vmem>>) semaphore(%dma_start3A_494 : memref<!tpu.dma_semaphore, #tpu.memory_space<semaphore_mem>>)
      } else {
      }
    }
    %scan3A_66 = arith.constant 10 : i32
    %dma_wait3A = arith.constant 4 : i32
    %dma_wait3A_67 = arith.constant 76 : i32
    %dma_wait3A_68 = arith.constant 4 : i32
    %dma_wait3A_69 = arith.constant 0 : i32
    %dma_wait3A_70 = arith.constant 0 : i32
    %dma_wait3A_71 = tpu.memref_slice %arg9[%dma_wait3A, %dma_wait3A_69, %dma_wait3A_70] : memref<8x128x16xf32, #tpu.memory_space<vmem>> -> memref<1x128x16xf32, #tpu.memory_space<vmem>>
    %dma_wait3A_72 = tpu.memref_squeeze %dma_wait3A_71 : memref<1x128x16xf32, #tpu.memory_space<vmem>> -> memref<128x16xf32, #tpu.memory_space<vmem>>
    %dma_wait3A_73 = arith.constant 0 : i32
    %dma_wait3A_74 = tpu.memref_slice %arg8[%dma_wait3A_67, %dma_wait3A_73] : memref<80x128xi32, #tpu.memory_space<vmem>> -> memref<1x128xi32, #tpu.memory_space<vmem>>
    %dma_wait3A_75 = tpu.memref_squeeze %dma_wait3A_74 : memref<1x128xi32, #tpu.memory_space<vmem>> -> memref<128xi32, #tpu.memory_space<vmem>>
    %dma_wait3A_76 = arith.constant 0 : i32
    %dma_wait3A_77 = arith.constant 0 : i32
    %dma_wait3A_78 = tpu.memref_slice %arg10[%dma_wait3A_76, %dma_wait3A_77] : memref<10240x16xf32, #tpu.memory_space<vmem_shared>> -> memref<10240x16xf32, #tpu.memory_space<vmem_shared>>
    %dma_wait3A_79 = tpu.memref_slice %arg13[%dma_wait3A_68] : memref<8x!tpu.dma_semaphore, #tpu.memory_space<semaphore_mem>> -> memref<1x!tpu.dma_semaphore, #tpu.memory_space<semaphore_mem>>
    %dma_wait3A_80 = tpu.memref_squeeze %dma_wait3A_79 : memref<1x!tpu.dma_semaphore, #tpu.memory_space<semaphore_mem>> -> memref<!tpu.dma_semaphore, #tpu.memory_space<semaphore_mem>>
    tpu.wait_indirect_dma semaphore(%dma_wait3A_80 : memref<!tpu.dma_semaphore, #tpu.memory_space<semaphore_mem>>) src(%dma_wait3A_72 : memref<128x16xf32, #tpu.memory_space<vmem>>) dst(%dma_wait3A_78 : memref<10240x16xf32, #tpu.memory_space<vmem_shared>>)
    %dma_wait3A_81 = arith.constant 5 : i32
    %dma_wait3A_82 = arith.constant 77 : i32
    %dma_wait3A_83 = arith.constant 5 : i32
    %dma_wait3A_84 = arith.constant 0 : i32
    %dma_wait3A_85 = arith.constant 0 : i32
    %dma_wait3A_86 = tpu.memref_slice %arg9[%dma_wait3A_81, %dma_wait3A_84, %dma_wait3A_85] : memref<8x128x16xf32, #tpu.memory_space<vmem>> -> memref<1x128x16xf32, #tpu.memory_space<vmem>>
    %dma_wait3A_87 = tpu.memref_squeeze %dma_wait3A_86 : memref<1x128x16xf32, #tpu.memory_space<vmem>> -> memref<128x16xf32, #tpu.memory_space<vmem>>
    %dma_wait3A_88 = arith.constant 0 : i32
    %dma_wait3A_89 = tpu.memref_slice %arg8[%dma_wait3A_82, %dma_wait3A_88] : memref<80x128xi32, #tpu.memory_space<vmem>> -> memref<1x128xi32, #tpu.memory_space<vmem>>
    %dma_wait3A_90 = tpu.memref_squeeze %dma_wait3A_89 : memref<1x128xi32, #tpu.memory_space<vmem>> -> memref<128xi32, #tpu.memory_space<vmem>>
    %dma_wait3A_91 = arith.constant 0 : i32
    %dma_wait3A_92 = arith.constant 0 : i32
    %dma_wait3A_93 = tpu.memref_slice %arg10[%dma_wait3A_91, %dma_wait3A_92] : memref<10240x16xf32, #tpu.memory_space<vmem_shared>> -> memref<10240x16xf32, #tpu.memory_space<vmem_shared>>
    %dma_wait3A_94 = tpu.memref_slice %arg13[%dma_wait3A_83] : memref<8x!tpu.dma_semaphore, #tpu.memory_space<semaphore_mem>> -> memref<1x!tpu.dma_semaphore, #tpu.memory_space<semaphore_mem>>
    %dma_wait3A_95 = tpu.memref_squeeze %dma_wait3A_94 : memref<1x!tpu.dma_semaphore, #tpu.memory_space<semaphore_mem>> -> memref<!tpu.dma_semaphore, #tpu.memory_space<semaphore_mem>>
    tpu.wait_indirect_dma semaphore(%dma_wait3A_95 : memref<!tpu.dma_semaphore, #tpu.memory_space<semaphore_mem>>) src(%dma_wait3A_87 : memref<128x16xf32, #tpu.memory_space<vmem>>) dst(%dma_wait3A_93 : memref<10240x16xf32, #tpu.memory_space<vmem_shared>>)
    %dma_wait3A_96 = arith.constant 6 : i32
    %dma_wait3A_97 = arith.constant 78 : i32
    %dma_wait3A_98 = arith.constant 6 : i32
    %dma_wait3A_99 = arith.constant 0 : i32
    %dma_wait3A_100 = arith.constant 0 : i32
    %dma_wait3A_101 = tpu.memref_slice %arg9[%dma_wait3A_96, %dma_wait3A_99, %dma_wait3A_100] : memref<8x128x16xf32, #tpu.memory_space<vmem>> -> memref<1x128x16xf32, #tpu.memory_space<vmem>>
    %dma_wait3A_102 = tpu.memref_squeeze %dma_wait3A_101 : memref<1x128x16xf32, #tpu.memory_space<vmem>> -> memref<128x16xf32, #tpu.memory_space<vmem>>
    %dma_wait3A_103 = arith.constant 0 : i32
    %dma_wait3A_104 = tpu.memref_slice %arg8[%dma_wait3A_97, %dma_wait3A_103] : memref<80x128xi32, #tpu.memory_space<vmem>> -> memref<1x128xi32, #tpu.memory_space<vmem>>
    %dma_wait3A_105 = tpu.memref_squeeze %dma_wait3A_104 : memref<1x128xi32, #tpu.memory_space<vmem>> -> memref<128xi32, #tpu.memory_space<vmem>>
    %dma_wait3A_106 = arith.constant 0 : i32
    %dma_wait3A_107 = arith.constant 0 : i32
    %dma_wait3A_108 = tpu.memref_slice %arg10[%dma_wait3A_106, %dma_wait3A_107] : memref<10240x16xf32, #tpu.memory_space<vmem_shared>> -> memref<10240x16xf32, #tpu.memory_space<vmem_shared>>
    %dma_wait3A_109 = tpu.memref_slice %arg13[%dma_wait3A_98] : memref<8x!tpu.dma_semaphore, #tpu.memory_space<semaphore_mem>> -> memref<1x!tpu.dma_semaphore, #tpu.memory_space<semaphore_mem>>
    %dma_wait3A_110 = tpu.memref_squeeze %dma_wait3A_109 : memref<1x!tpu.dma_semaphore, #tpu.memory_space<semaphore_mem>> -> memref<!tpu.dma_semaphore, #tpu.memory_space<semaphore_mem>>
    tpu.wait_indirect_dma semaphore(%dma_wait3A_110 : memref<!tpu.dma_semaphore, #tpu.memory_space<semaphore_mem>>) src(%dma_wait3A_102 : memref<128x16xf32, #tpu.memory_space<vmem>>) dst(%dma_wait3A_108 : memref<10240x16xf32, #tpu.memory_space<vmem_shared>>)
    %dma_wait3A_111 = arith.constant 7 : i32
    %dma_wait3A_112 = arith.constant 79 : i32
    %dma_wait3A_113 = arith.constant 7 : i32
    %dma_wait3A_114 = arith.constant 0 : i32
    %dma_wait3A_115 = arith.constant 0 : i32
    %dma_wait3A_116 = tpu.memref_slice %arg9[%dma_wait3A_111, %dma_wait3A_114, %dma_wait3A_115] : memref<8x128x16xf32, #tpu.memory_space<vmem>> -> memref<1x128x16xf32, #tpu.memory_space<vmem>>
    %dma_wait3A_117 = tpu.memref_squeeze %dma_wait3A_116 : memref<1x128x16xf32, #tpu.memory_space<vmem>> -> memref<128x16xf32, #tpu.memory_space<vmem>>
    %dma_wait3A_118 = arith.constant 0 : i32
    %dma_wait3A_119 = tpu.memref_slice %arg8[%dma_wait3A_112, %dma_wait3A_118] : memref<80x128xi32, #tpu.memory_space<vmem>> -> memref<1x128xi32, #tpu.memory_space<vmem>>
    %dma_wait3A_120 = tpu.memref_squeeze %dma_wait3A_119 : memref<1x128xi32, #tpu.memory_space<vmem>> -> memref<128xi32, #tpu.memory_space<vmem>>
    %dma_wait3A_121 = arith.constant 0 : i32
    %dma_wait3A_122 = arith.constant 0 : i32
    %dma_wait3A_123 = tpu.memref_slice %arg10[%dma_wait3A_121, %dma_wait3A_122] : memref<10240x16xf32, #tpu.memory_space<vmem_shared>> -> memref<10240x16xf32, #tpu.memory_space<vmem_shared>>
    %dma_wait3A_124 = tpu.memref_slice %arg13[%dma_wait3A_113] : memref<8x!tpu.dma_semaphore, #tpu.memory_space<semaphore_mem>> -> memref<1x!tpu.dma_semaphore, #tpu.memory_space<semaphore_mem>>
    %dma_wait3A_125 = tpu.memref_squeeze %dma_wait3A_124 : memref<1x!tpu.dma_semaphore, #tpu.memory_space<semaphore_mem>> -> memref<!tpu.dma_semaphore, #tpu.memory_space<semaphore_mem>>
    tpu.wait_indirect_dma semaphore(%dma_wait3A_125 : memref<!tpu.dma_semaphore, #tpu.memory_space<semaphore_mem>>) src(%dma_wait3A_117 : memref<128x16xf32, #tpu.memory_space<vmem>>) dst(%dma_wait3A_123 : memref<10240x16xf32, #tpu.memory_space<vmem_shared>>)
    %barrier3A_126 = arith.constant 0 : index
    tpu.barrier barrier_id(%barrier3A_126)
    %mul3A_127 = arith.constant 10240 : i32
    %mul3A_128 = arith.muli %arg0, %mul3A_127 : i32
    %add3A_129 = arith.addi %mul3A_128, %mul3A_2 : i32
    "tpu.region"() ({
      %run_scoped3A = tpu.sem_alloc : memref<!tpu.dma_semaphore, #tpu.memory_space<semaphore_mem>>
      %dma_start3A_130 = arith.constant 0 : i32
      %dma_start3A_131 = tpu.memref_slice %arg6[%add3A_129, %dma_start3A_130] : memref<20480x16xf32, #tpu.memory_space<hbm>> -> memref<640x16xf32, #tpu.memory_space<hbm>>
      %dma_start3A_132 = arith.constant 0 : i32
      %dma_start3A_133 = tpu.memref_slice %arg10[%mul3A_2, %dma_start3A_132] : memref<10240x16xf32, #tpu.memory_space<vmem_shared>> -> memref<640x16xf32, #tpu.memory_space<vmem_shared>>
      tpu.enqueue_dma source(%dma_start3A_133 : memref<640x16xf32, #tpu.memory_space<vmem_shared>>) target(%dma_start3A_131 : memref<640x16xf32, #tpu.memory_space<hbm>>) target_semaphore(%run_scoped3A : memref<!tpu.dma_semaphore, #tpu.memory_space<semaphore_mem>>)
      %dma_wait3A_134 = arith.constant 0 : i32
      %dma_wait3A_135 = tpu.memref_slice %arg6[%add3A_129, %dma_wait3A_134] : memref<20480x16xf32, #tpu.memory_space<hbm>> -> memref<640x16xf32, #tpu.memory_space<hbm>>
      %dma_wait3A_136 = arith.constant 0 : i32
      %dma_wait3A_137 = tpu.memref_slice %arg10[%mul3A_2, %dma_wait3A_136] : memref<10240x16xf32, #tpu.memory_space<vmem_shared>> -> memref<640x16xf32, #tpu.memory_space<vmem_shared>>
      tpu.wait_dma2 semaphore(%run_scoped3A : memref<!tpu.dma_semaphore, #tpu.memory_space<semaphore_mem>>) src(%dma_wait3A_137 : memref<640x16xf32, #tpu.memory_space<vmem_shared>>) dst(%dma_wait3A_135 : memref<640x16xf32, #tpu.memory_space<hbm>>)
      tpu.yield
    }) : () -> ()
    return
  }
}

module attributes {stable_mosaic.version = 14 : i64} {
  func.func @_prep1_body(%arg0: memref<10000x128xf32, #tpu.memory_space<vmem>>, %arg1: memref<128x16xf32, #tpu.memory_space<vmem>>, %arg2: memref<20480x1xf32, #tpu.memory_space<vmem>>, %arg3: memref<10240x16xf32, #tpu.memory_space<vmem>>, %arg4: memref<10000x1xf32, #tpu.memory_space<vmem>>) attributes {dimension_semantics = [], scalar_prefetch = 0 : i64, scratch_operands = 0 : i64, tpu.core_type = #tpu.core_type<tc>} {
    %get3A = arith.constant 0 : index
    %get3A_0 = arith.constant 0 : index
    %get3A_1 = vector.load %arg2[%get3A, %get3A_0] : memref<20480x1xf32, #tpu.memory_space<vmem>>, vector<10000x1xf32>
    %get3A_2 = arith.constant 10240 : index
    %get3A_3 = arith.constant 0 : index
    %get3A_4 = vector.load %arg2[%get3A_2, %get3A_3] : memref<20480x1xf32, #tpu.memory_space<vmem>>, vector<10000x1xf32>
    %add3A = arith.addf %get3A_1, %get3A_4 : vector<10000x1xf32>
    %add3A_5 = arith.constant 1.000000e+00 : f32
    %add3A_6 = vector.broadcast %add3A_5 : f32 to vector<10000x1xf32>
    %add3A_7 = arith.addf %add3A, %add3A_6 : vector<10000x1xf32>
    %rsqrt3A = math.rsqrt %add3A_7 : vector<10000x1xf32>
    %get3A_8 = arith.constant 0 : index
    %get3A_9 = arith.constant 0 : index
    %get3A_10 = vector.load %arg0[%get3A_8, %get3A_9] : memref<10000x128xf32, #tpu.memory_space<vmem>>, vector<10000x128xf32>
    %get3A_11 = arith.constant 0 : index
    %get3A_12 = arith.constant 0 : index
    %get3A_13 = vector.load %arg1[%get3A_11, %get3A_12] : memref<128x16xf32, #tpu.memory_space<vmem>>, vector<128x16xf32>
    %dot_general3A = arith.constant dense<0.000000e+00> : vector<10000x16xf32>
    %dot_general3A_14 = tpu.matmul %get3A_10, %get3A_13, %dot_general3A {dimension_numbers = #tpu.dot_dimension_numbers<[1], [0], [0], [1], [0, 0, 1, 1], [], []>, transpose_lhs_hint = false} : vector<10000x128xf32>, vector<128x16xf32>, vector<10000x16xf32> -> vector<10000x16xf32>
    %mul3A = vector.broadcast %rsqrt3A : vector<10000x1xf32> to vector<10000x16xf32>
    %mul3A_15 = arith.mulf %dot_general3A_14, %mul3A : vector<10000x16xf32>
    %swap3A = arith.constant 0 : index
    %swap3A_16 = arith.constant 0 : index
    %swap3A_17 = vector.load %arg3[%swap3A, %swap3A_16] : memref<10240x16xf32, #tpu.memory_space<vmem>>, vector<10000x16xf32>
    tpu.vector_store %arg3[%swap3A, %swap3A_16], %mul3A_15 {strides = array<i32>} : memref<10240x16xf32, #tpu.memory_space<vmem>>, vector<10000x16xf32>,
    %swap3A_18 = arith.constant 0 : index
    %swap3A_19 = arith.constant 0 : index
    %swap3A_20 = vector.load %arg4[%swap3A_18, %swap3A_19] : memref<10000x1xf32, #tpu.memory_space<vmem>>, vector<10000x1xf32>
    tpu.vector_store %arg4[%swap3A_18, %swap3A_19], %rsqrt3A {strides = array<i32>} : memref<10000x1xf32, #tpu.memory_space<vmem>>, vector<10000x1xf32>,
    return
  }
}

module attributes {stable_mosaic.version = 14 : i64} {
  func.func @_prep2_body(%arg0: memref<20480x16xf32, #tpu.memory_space<vmem>>, %arg1: memref<10240x16xf32, #tpu.memory_space<vmem>>, %arg2: memref<10000x1xf32, #tpu.memory_space<vmem>>, %arg3: memref<16x16xf32, #tpu.memory_space<vmem>>, %arg4: memref<1x16xf32, #tpu.memory_space<vmem>>, %arg5: memref<10240x16xf32, #tpu.memory_space<vmem>>) attributes {dimension_semantics = [], scalar_prefetch = 0 : i64, scratch_operands = 0 : i64, tpu.core_type = #tpu.core_type<tc>} {
    %get3A = arith.constant 0 : index
    %get3A_0 = arith.constant 0 : index
    %get3A_1 = vector.load %arg2[%get3A, %get3A_0] : memref<10000x1xf32, #tpu.memory_space<vmem>>, vector<10000x1xf32>
    %get3A_2 = arith.constant 0 : index
    %get3A_3 = arith.constant 0 : index
    %get3A_4 = vector.load %arg0[%get3A_2, %get3A_3] : memref<20480x16xf32, #tpu.memory_space<vmem>>, vector<10000x16xf32>
    %get3A_5 = arith.constant 10240 : index
    %get3A_6 = arith.constant 0 : index
    %get3A_7 = vector.load %arg0[%get3A_5, %get3A_6] : memref<20480x16xf32, #tpu.memory_space<vmem>>, vector<10000x16xf32>
    %add3A = arith.addf %get3A_4, %get3A_7 : vector<10000x16xf32>
    %get3A_8 = arith.constant 0 : index
    %get3A_9 = arith.constant 0 : index
    %get3A_10 = vector.load %arg1[%get3A_8, %get3A_9] : memref<10240x16xf32, #tpu.memory_space<vmem>>, vector<10000x16xf32>
    %add3A_11 = arith.addf %add3A, %get3A_10 : vector<10000x16xf32>
    %mul3A = vector.broadcast %get3A_1 : vector<10000x1xf32> to vector<10000x16xf32>
    %mul3A_12 = arith.mulf %add3A_11, %mul3A : vector<10000x16xf32>
    %get3A_13 = arith.constant 0 : index
    %get3A_14 = arith.constant 0 : index
    %get3A_15 = vector.load %arg4[%get3A_13, %get3A_14] : memref<1x16xf32, #tpu.memory_space<vmem>>, vector<1x16xf32>
    %add3A_16 = vector.broadcast %get3A_15 : vector<1x16xf32> to vector<10000x16xf32>
    %add3A_17 = arith.addf %mul3A_12, %add3A_16 : vector<10000x16xf32>
    %max3A = arith.constant 0.000000e+00 : f32
    %max3A_18 = vector.broadcast %max3A : f32 to vector<10000x16xf32>
    %max3A_19 = arith.maximumf %add3A_17, %max3A_18 : vector<10000x16xf32>
    %get3A_20 = arith.constant 0 : index
    %get3A_21 = arith.constant 0 : index
    %get3A_22 = vector.load %arg3[%get3A_20, %get3A_21] : memref<16x16xf32, #tpu.memory_space<vmem>>, vector<16x16xf32>
    %dot_general3A = arith.constant dense<0.000000e+00> : vector<10000x16xf32>
    %dot_general3A_23 = tpu.matmul %max3A_19, %get3A_22, %dot_general3A {dimension_numbers = #tpu.dot_dimension_numbers<[1], [0], [0], [1], [0, 0, 1, 1], [], []>, transpose_lhs_hint = false} : vector<10000x16xf32>, vector<16x16xf32>, vector<10000x16xf32> -> vector<10000x16xf32>
    %mul3A_24 = vector.broadcast %get3A_1 : vector<10000x1xf32> to vector<10000x16xf32>
    %mul3A_25 = arith.mulf %dot_general3A_23, %mul3A_24 : vector<10000x16xf32>
    %swap3A = arith.constant 0 : index
    %swap3A_26 = arith.constant 0 : index
    %swap3A_27 = vector.load %arg5[%swap3A, %swap3A_26] : memref<10240x16xf32, #tpu.memory_space<vmem>>, vector<10000x16xf32>
    tpu.vector_store %arg5[%swap3A, %swap3A_26], %mul3A_25 {strides = array<i32>} : memref<10240x16xf32, #tpu.memory_space<vmem>>, vector<10000x16xf32>,
    return
  }
}

module attributes {stable_mosaic.version = 14 : i64} {
  func.func @_final_body(%arg0: memref<20480x16xf32, #tpu.memory_space<vmem>>, %arg1: memref<10240x16xf32, #tpu.memory_space<vmem>>, %arg2: memref<10000x1xf32, #tpu.memory_space<vmem>>, %arg3: memref<1x16xf32, #tpu.memory_space<vmem>>, %arg4: memref<10000x1xi32, #tpu.memory_space<vmem>>, %arg5: memref<4x1xf32, #tpu.memory_space<vmem>>, %arg6: memref<1x1xf32, #tpu.memory_space<vmem>>, %arg7: memref<4x1xf32, #tpu.memory_space<vmem>>) attributes {dimension_semantics = [], scalar_prefetch = 0 : i64, scratch_operands = 0 : i64, tpu.core_type = #tpu.core_type<tc>} {
    %get3A = arith.constant 0 : index
    %get3A_0 = arith.constant 0 : index
    %get3A_1 = vector.load %arg2[%get3A, %get3A_0] : memref<10000x1xf32, #tpu.memory_space<vmem>>, vector<10000x1xf32>
    %get3A_2 = arith.constant 0 : index
    %get3A_3 = arith.constant 0 : index
    %get3A_4 = vector.load %arg0[%get3A_2, %get3A_3] : memref<20480x16xf32, #tpu.memory_space<vmem>>, vector<10000x16xf32>
    %get3A_5 = arith.constant 10240 : index
    %get3A_6 = arith.constant 0 : index
    %get3A_7 = vector.load %arg0[%get3A_5, %get3A_6] : memref<20480x16xf32, #tpu.memory_space<vmem>>, vector<10000x16xf32>
    %add3A = arith.addf %get3A_4, %get3A_7 : vector<10000x16xf32>
    %get3A_8 = arith.constant 0 : index
    %get3A_9 = arith.constant 0 : index
    %get3A_10 = vector.load %arg1[%get3A_8, %get3A_9] : memref<10240x16xf32, #tpu.memory_space<vmem>>, vector<10000x16xf32>
    %add3A_11 = arith.addf %add3A, %get3A_10 : vector<10000x16xf32>
    %mul3A = vector.broadcast %get3A_1 : vector<10000x1xf32> to vector<10000x16xf32>
    %mul3A_12 = arith.mulf %add3A_11, %mul3A : vector<10000x16xf32>
    %get3A_13 = arith.constant 0 : index
    %get3A_14 = arith.constant 0 : index
    %get3A_15 = vector.load %arg3[%get3A_13, %get3A_14] : memref<1x16xf32, #tpu.memory_space<vmem>>, vector<1x16xf32>
    %add3A_16 = vector.broadcast %get3A_15 : vector<1x16xf32> to vector<10000x16xf32>
    %add3A_17 = arith.addf %mul3A_12, %add3A_16 : vector<10000x16xf32>
    %max3A = arith.constant 0.000000e+00 : f32
    %max3A_18 = vector.broadcast %max3A : f32 to vector<10000x16xf32>
    %max3A_19 = arith.maximumf %add3A_17, %max3A_18 : vector<10000x16xf32>
    %slice3A = vector.extract_strided_slice %max3A_19 {offsets = [0, 0], sizes = [10000, 4], strides = [1, 1]} : vector<10000x16xf32> to vector<10000x4xf32>
    %iota3A = tpu.iota {dimensions = array<i32: 1>} : vector<10000x4xi32>
    %get3A_20 = arith.constant 0 : index
    %get3A_21 = arith.constant 0 : index
    %get3A_22 = vector.load %arg4[%get3A_20, %get3A_21] : memref<10000x1xi32, #tpu.memory_space<vmem>>, vector<10000x1xi32>
    %eq3A = vector.broadcast %get3A_22 : vector<10000x1xi32> to vector<10000x4xi32>
    %eq3A_23 = arith.cmpi eq, %eq3A, %iota3A : vector<10000x4xi32>
    %convert_element_type3A = arith.extui %eq3A_23 : vector<10000x4xi1> to vector<10000x4xi32>
    %convert_element_type3A_24 = arith.sitofp %convert_element_type3A : vector<10000x4xi32> to vector<10000x4xf32>
    %dot_general3A = arith.constant dense<0.000000e+00> : vector<4x4xf32>
    %dot_general3A_25 = tpu.matmul %convert_element_type3A_24, %slice3A, %dot_general3A {dimension_numbers = #tpu.dot_dimension_numbers<[0], [0], [1], [1], [0, 1, 1, 1], [], []>, transpose_lhs_hint = false} : vector<10000x4xf32>, vector<10000x4xf32>, vector<4x4xf32> -> vector<4x4xf32>
    %get3A_26 = arith.constant 0 : index
    %get3A_27 = arith.constant 0 : index
    %get3A_28 = vector.load %arg5[%get3A_26, %get3A_27] : memref<4x1xf32, #tpu.memory_space<vmem>>, vector<4x1xf32>
    %dot_general3A_29 = arith.constant dense<0.000000e+00> : vector<4x1xf32>
    %dot_general3A_30 = tpu.matmul %dot_general3A_25, %get3A_28, %dot_general3A_29 {dimension_numbers = #tpu.dot_dimension_numbers<[1], [0], [0], [1], [0, 0, 1, 1], [], []>, transpose_lhs_hint = false} : vector<4x4xf32>, vector<4x1xf32>, vector<4x1xf32> -> vector<4x1xf32>
    %get3A_31 = arith.constant 0 : index
    %get3A_32 = arith.constant 0 : index
    %get3A_33 = vector.load %arg6[%get3A_31, %get3A_32] : memref<1x1xf32, #tpu.memory_space<vmem>>, vector<1x1xf32>
    %add3A_34 = vector.broadcast %get3A_33 : vector<1x1xf32> to vector<4x1xf32>
    %add3A_35 = arith.addf %dot_general3A_30, %add3A_34 : vector<4x1xf32>
    %logistic3A = arith.negf %add3A_35 : vector<4x1xf32>
    %logistic3A_36 = math.exp %logistic3A : vector<4x1xf32>
    %logistic3A_37 = arith.constant 1.000000e+00 : f32
    %logistic3A_38 = vector.broadcast %logistic3A_37 : f32 to vector<4x1xf32>
    %logistic3A_39 = arith.addf %logistic3A_38, %logistic3A_36 : vector<4x1xf32>
    %logistic3A_40 = arith.divf %logistic3A_38, %logistic3A_39 : vector<4x1xf32>
    %swap3A = arith.constant 0 : index
    %swap3A_41 = arith.constant 0 : index
    %swap3A_42 = vector.load %arg7[%swap3A, %swap3A_41] : memref<4x1xf32, #tpu.memory_space<vmem>>, vector<4x1xf32>
    tpu.vector_store %arg7[%swap3A, %swap3A_41], %logistic3A_40 {strides = array<i32>} : memref<4x1xf32, #tpu.memory_space<vmem>>, vector<4x1xf32>,
    return
  }
}

</mosaic_0001>

<sc_bundles>
// kernel: kernel.11.cloned.1.call-start
scs
__scs_entry_jumppad:
0x0: {  	(pc) =	sbr.rel $0x88, $3  }
0x1: {  	(tag) =	ssettag $0x0;
	lr =	simm.s32 $0x1  }
0x2: {  	[smem:$0x3F98] =	sst lr;
	_ =	strace $0xD0000000  }
0x3: {  	_ = 	snop  }
0x4: {  	_ = 	snop  }
0x5: {  	_ = 	snop  }
0x6: {  	_ = 	snop  }
0x7: {  	_ = 	snop  }
__scs_overlays_trampoline_lowered:
0x8: {  	[smem:$0x3FA7] =	sst s0  }
0x9: {  	[smem:$0x3FA8] =	sst s1  }
0xa: {  	[smem:$0x3FA9] =	sst s2  }
0xb: {  	[smem:$0x3FAA] =	sst s3  }
0xc: {  	[smem:$0x3FAB] =	sst s4  }
0xd: {  	[smem:$0x3FAC] =	sst s5  }
0xe: {  	[smem:$0x3FAD] =	sst s6  }
0xf: {  	[smem:$0x3FAE] =	sst s7  }
0x10: {  	[smem:$0x3FAF] =	sst s8  }
0x11: {  	[smem:$0x3FB0] =	sst s9;
	s0 =	simm.s32 @!p0 $0x0  }
0x12: {  	s1 =	sld [smem:$0x3F96];
	s0 =	simm.s32 @p0 $0x1  }
0x13: {  	[smem:$0x3FB1] =	sst s0;
	s0 =	simm.s32 @!p1 $0x0  }
0x14: {  	s2 =	sld [smem:$0x3F95];
	s0 =	simm.s32 @p1 $0x1  }
0x15: {  	[smem:$0x3FB2] =	sst s0;
	s0 =	simm.s32 @!p2 $0x0  }
0x16: {  	s3 =	sld [smem:$0x3FDB];
	s0 =	simm.s32 @p2 $0x1  }
0x17: {  	s4 =	simm.s32 $0x1BF5;
	[smem:$0x3FB4] =	sst s0  }
0x18: {  	s0 =	sld [smem:$0x3F97];
	_ =	swait.ge [sflag:s4], $0x0  }
0x19: {  	s7 =	sld [smem:$0x3F98]  }
0x1a: {  	s8 =	sadd.s32 $0xFFFFE003, lr  }
0x1b: {  	s9 =	sadd.s32 $0xFFFFFEF7, lr;
	s5 =	simm.s32 $0xFFFFFFFF;
	p2 =	slt.u32 s8, $0xFFFFF086  }
0x1c: {  	p1 =	slt.u32 s9, $0xF7A;
	s5 =	simm.s32 @!p2 $0x0  }
0x1d: {  	s5 =	simm.s32 @p1 $0x1;
	p0 =	seq.s32 s7, s2  }
0x1e: {  	s7 =	smul.u32 @!p0 $0xF7A, s2;
	p2 =	seq.s32 @!p0 s5, $0x0  }
0x1f: {  	s9 =	smul.u32 $0xF7A, s1;
	s8 =	simm.s32 @!p0 $0x1BF5;
	p2 =	por !p2, p0  }
0x20: {  	[sflag:s8] =	ssyncset.s32 @!p0 $0xFFFFF086;
	s6 =	sadd.s32 @!p0 s3, s7;
	s7 =	simm.s32 @!p0 $0x108  }
0x21: {  	s3 =	sadd.s32 s3, s9;
	s6 =	sadd.s32 @!p0 $0x88, s6;
	s7 =	simm.s32 @p2 $0x1082  }
0x22: {  	[simem:s7], [sflag:s8] =	dma.local @!p0 [hbm:s6], $0xF7A  }
0x23: {  	s9 =	sor.u32 $0xD0000000, s2;
	s6 =	simm.s32 $0x108;
	_ =	swait.ge @!p0 [sflag:s8], $0x0  }
0x24: {  	s3 =	sadd.s32 $0x88, s3;
	s6 =	simm.s32 @!p1 $0x1082;
	[sflag:s4] =	ssyncset.s32 $0xFFFFF086  }
0x25: {  	[simem:s6], [sflag:s4] =	dma.local [hbm:s3], $0xF7A  }
0x26: {  	[smem:$0x3F98] =	sst s1;
	(tag) =	ssettag s2;
	_ =	strace s9  }
0x27: {  	s1 =	sld [smem:$0x3FA8]  }
0x28: {  	s2 =	sld [smem:$0x3FA9]  }
0x29: {  	s4 =	sld [smem:$0x3FAB]  }
0x2a: {  	p0 =	seq.s32 s5, $0x0;
	s5 =	sld [smem:$0x3FAC]  }
0x2b: {  	s6 =	sld [smem:$0x3FAD]  }
0x2c: {  	s7 =	sld [smem:$0x3FAE]  }
0x2d: {  	s3 =	simm.s32 $0x108;
	s8 =	sld [smem:$0x3FAF]  }
0x2e: {  	s3 =	simm.s32 @!p0 $0x1082;
	s9 =	sld [smem:$0x3FB0]  }
0x2f: {  	lr =	sadd.s32 s0, s3;
	s0 =	sld [smem:$0x3FA7]  }
0x30: {  	s3 =	sld [smem:$0x3FAA]  }
0x31: {  	[smem:$0x3FB3] =	sst s10  }
0x32: {  	s10 =	sld [smem:$0x3FB1];
	_ =	sdelay $0x3  }
0x33: {  	p0 =	seq.s32 s10, $0x1;
	s10 =	sld [smem:$0x3FB3];
	_ =	sdelay $0x3  }
0x34: {  	[smem:$0x3FB3] =	sst s10  }
0x35: {  	s10 =	sld [smem:$0x3FB2];
	_ =	sdelay $0x3  }
0x36: {  	p1 =	seq.s32 s10, $0x1;
	s10 =	sld [smem:$0x3FB3];
	_ =	sdelay $0x3  }
0x37: {  	[smem:$0x3FB3] =	sst s10  }
0x38: {  	s10 =	sld [smem:$0x3FB4]  }
0x39: {  	_ = 	snop;
	(pc) =	sbr.ind lr, $3  }
0x3a: {  	_ = 	snop  }
0x3b: {  	_ = 	snop  }
0x3c: {  	p2 =	seq.s32 s10, $0x1;
	s10 =	sld [smem:$0x3FB3]  }
0x3d: {  	_ =	shalt  }
0x3e: {  	_ =	shalt  }
0x3f: {  	_ =	shalt  }
0x40: {  	_ =	shalt  }
0x41: {  	_ =	shalt  }
0x42: {  	_ =	shalt  }
0x43: {  	_ =	shalt  }
0x44: {  	_ =	shalt  }
0x45: {  	_ =	shalt  }
0x46: {  	_ =	shalt  }
0x47: {  	_ =	shalt  }
0x48: {  	_ =	shalt  }
0x49: {  	_ =	shalt  }
0x4a: {  	_ =	shalt  }
0x4b: {  	_ =	shalt  }
0x4c: {  	_ =	shalt  }
0x4d: {  	_ =	shalt  }
0x4e: {  	_ =	shalt  }
0x4f: {  	_ =	shalt  }
0x50: {  	_ =	shalt  }
0x51: {  	_ =	shalt  }
0x52: {  	_ =	shalt  }
0x53: {  	_ =	shalt  }
0x54: {  	_ =	shalt  }
0x55: {  	_ =	shalt  }
0x56: {  	_ =	shalt  }
0x57: {  	_ =	shalt  }
0x58: {  	_ =	shalt  }
0x59: {  	_ =	shalt  }
0x5a: {  	_ =	shalt  }
0x5b: {  	_ =	shalt  }
0x5c: {  	_ =	shalt  }
0x5d: {  	_ =	shalt  }
0x5e: {  	_ =	shalt  }
0x5f: {  	_ =	shalt  }
0x60: {  	_ =	shalt  }
0x61: {  	_ =	shalt  }
0x62: {  	_ =	shalt  }
0x63: {  	_ =	shalt  }
0x64: {  	_ =	shalt  }
0x65: {  	_ =	shalt  }
0x66: {  	_ =	shalt  }
0x67: {  	_ =	shalt  }
0x68: {  	_ =	shalt  }
0x69: {  	_ =	shalt  }
0x6a: {  	_ =	shalt  }
0x6b: {  	_ =	shalt  }
0x6c: {  	_ =	shalt  }
0x6d: {  	_ =	shalt  }
0x6e: {  	_ =	shalt  }
0x6f: {  	_ =	shalt  }
0x70: {  	_ =	shalt  }
0x71: {  	_ =	shalt  }
0x72: {  	_ =	shalt  }
0x73: {  	_ =	shalt  }
0x74: {  	_ =	shalt  }
0x75: {  	_ =	shalt  }
0x76: {  	_ =	shalt  }
0x77: {  	_ =	shalt  }
0x78: {  	_ =	shalt  }
0x79: {  	_ =	shalt  }
0x7a: {  	_ =	shalt  }
0x7b: {  	_ =	shalt  }
0x7c: {  	_ =	shalt  }
0x7d: {  	_ =	shalt  }
0x7e: {  	_ =	shalt  }
0x7f: {  	_ =	shalt  }
0x80: {  	_ =	shalt  }
0x81: {  	_ =	shalt  }
0x82: {  	_ =	shalt  }
0x83: {  	_ =	shalt  }
0x84: {  	_ =	shalt  }
0x85: {  	_ =	shalt  }
0x86: {  	_ =	shalt  }
0x87: {  	_ =	shalt  }
.Lfunc_end0:
.L_simem_size_0:
called_computation.1_lowered:
.L_overlay_start_0:
0x88: {  	s2 =	sld [smem:$0x3FD9]  }
0x89: {  	s3 =	sld [smem:$0x3FFE];
	_ =	sdelay $0x1  }
0x8a: {  	s1 =	srdreg.scid  }
0x8b: {  	s0 =	sand.u32 $0x1, s1  }
0x8c: {  	s16 =	sshll.u32 s0, $0xA;
	s2 =	sadd.s32 s3, s2  }
0x8d: {  	s2 =	sadd.s32 s2, s16  }
0x8e: {  	[smem:$0x3FBF] =	sst s2  }
0x8f: {  	_ = 	snop  }
0x90: {  	(tm) =	ssettm $0x1  }
0x91: {  	s17 =	sld [smem:$0x3FFB];
	_ =	sdelay $0x3  }
0x92: {  	_ =	strace s17  }
0x93: {  	s2 =	sld [smem:$0x3FFC];
	_ =	sdelay $0x3  }
0x94: {  	_ =	strace s2  }
0x95: {  	s2 =	sld [smem:$0x3FFD];
	_ =	sdelay $0x3  }
0x96: {  	_ =	strace s2  }
0x97: {  	_ =	strace $0x8FFFFFFF  }
0x98: {  	s18 =	sld [smem:$0x3FDB];
	_ =	sdelay $0x1  }
0x99: {  	s19 =	simm.s32 $_scs_section_size  }
0x9a: {  	s4 =	simm.s32 $_size__tile_overlayer_lowered;
	s5 =	simm.s32 $_tile_overlayer_lowered  }
0x9b: {  	s22 =	simm.s32 $0x1BFF;
	s21 =	sshll.u32 s5, $0x1;
	s2 =	sadd.s32 s19, s18  }
0x9c: {  	s6 =	simm.s32 $0x0;
	s20 =	sshll.u32 s4, $0x1;
	s4 =	sadd.s32 s21, s2  }
0x9d: {  	[timem:s6], [sflag:s22] =	dma.local [hbm:s4], s20  }
0x9e: {  	_ =	swait.ge [sflag:s22], s20  }
0x9f: {  	s3 =	ssub.s32 $0x0, s20;
	[sflag:s22] =	ssyncset.done $0x0  }
0xa0: {  	[sflag:s22] =	ssyncadd.s32 s3;
	_ =	sdelay $0x1  }
0xa1: {  	s23 =	simm.s32 $0x1B8B  }
0xa2: {  	_ =	swait.ge [sflag:s23], $0x1  }
0xa3: {  	[sflag:s23] =	ssyncset.done $0x0  }
0xa4: {  	s25 =	simm.s32 $0x1B8E;
	s24 =	sld [smem:$0x3FFE];
	[sflag:s23] =	ssyncadd.s32 $0xFFFFFFFF  }
0xa5: {  	s26 =	simm.s32 $execute0_lowered;
	[smem:$0x3FD2] =	sst s25  }
0xa6: {  	s4 =	sshll.u32 s26, $0x1;
	_ =	strace $0x80000049;
	[dreg:$0x1] =	wrdreg $0xFFFFFFFF  }
0xa7: {  	s28 =	simm.s32 $_size_execute0_lowered;
	s2 =	sadd.s32 s2, s4;
	[dreg:$0x0] =	wrdreg $0x0  }
0xa8: {  	s4 =	sshll.u32 s28, $0x1;
	[dreg:$0x2] =	wrdreg s2  }
0xa9: {  	[dreg:$0x3] =	wrdreg s4  }
0xaa: {  	[dreg:$0x4] =	wrdreg $0xC0  }
0xab: {  	_ =	task [dreg:s6], $0x5FFFF  }
0xac: {  	[dreg:$0x1] =	wrdreg $0xFFFFFFFF  }
0xad: {  	[dreg:$0x0] =	wrdreg $0x60  }
0xae: {  	[dreg:$0x2] =	wrdreg s24  }
0xaf: {  	[dreg:$0x3] =	wrdreg $0x90000  }
0xb0: {  	[dreg:$0x4] =	wrdreg $0xB8000  }
0xb1: {  	[dreg:$0x5] =	wrdreg $0x9  }
0xb2: {  	_ =	task.clear_ibuf [dreg:s6], $0x6FFFF;
	_ =	strace $0x90000049  }
0xb3: {  	s29 =	simm.s32 $0x9;
	_ =	strace $0x8000004B  }
0xb4: {  	_ =	swait.ge [sflag:s29], $0x1  }
0xb5: {  	[sflag:s29] =	ssyncadd.s32 $0xFFFFFFFF  }
0xb6: {  	_ =	strace $0x9000004B  }
0xb7: {  	_ =	sfence  }
0xb8: {  	s30 =	sld [smem:$0x0];
	_ =	sdelay $0x2  }
0xb9: {  	s31 =	sshll.u32 s1, $0xD;
	s1 =	sshrl.u32 s1, $0x2  }
0xba: {  	s3 =	sand.u32 $0x4000, s31;
	s1 =	sadd.s32 s1, s30  }
0xbb: {  	s0 =	sor.u32 s3, s0;
	s1 =	sshll.u32 s1, $0x11  }
0xbc: {  	s0 =	sor.u32 s1, s0  }
0xbd: {  	s0 =	sadd.s32 $0x8F2B, s0  }
0xbe: {  	[sflag:s0] =	ssyncadd.remote.s32 $0x1  }
0xbf: {  	_ =	sfence.sel $0xFFFF  }
0xc0: {  	[dreg:$0x0] =	wrdreg $0xFFFFFFFF;
	(pc) =	sbr.abs _section_cstart, $3  }
0xc1: {  	[dreg:$0x1] =	wrdreg $0xFFFFFFFF  }
0xc2: {  	_ =	task.clear_ibuf [dreg:s6], $0x2FFFF;
	_ =	strace $0x9FFFFFFF  }
0xc3: {  	(tm) =	ssettm $0x7FFFFFFF  }
tec
execute0_lowered:
.L_overlay_start_1:
0x0: {  	(tag) =	ssettag $0x1  }
0x1: {  	s0 =	srdreg.scid;
	s1 =	rddreg [dreg:$0x0]  }
0x2: {  	s9 =	stileid.u32;
	s2 =	rddreg [dreg:$0x1]  }
0x3: {  	s7 =	simm.s32 $0x0;
	s13 =	simm.s32 $0x11;
	s16 =	simm.s32 $0x80  }
0x4: {  	s17 =	simm.s32 $0x5000;
	s18 =	simm.s32 $0x5800;
	s28 =	simm.s32 $0x3  }
0x5: {  	s29 =	simm.s32 $0x8000;
	s30 =	simm.s32 $0x4;
	s31 =	simm.s32 $0x8800  }
0x6: {  	s15 =	simm.s32 $0x7;
	s19 =	simm.s32 $0xB;
	s4 =	smul.u32 $0x2800, s9  }
0x7: {  	s11 =	simm.s32 $0x0;
	s0 =	sand.u32 $0x1, s0;
	s6 =	smul.u32 $0x500, s9  }
0x8: {  	[smem:$0x7FF] =	sst s7;
	s22 =	sshll.u32 s9, $0x6;
	s3 =	sshll.u32 s0, $0x4  }
0x9: {  	s8 =	smul.u32 $0x5000, s0;
	s0 =	ssub.s32 $0x2, s0;
	s5 =	sor.u32 s9, s3  }
0xa: {  	s3 =	rddreg [dreg:$0x2];
	s20 =	sshrl.u32 s4, $0x3;
	_ =	strace $0x8000004A  }
0xb: {  	s21 =	sshrl.u32 s0, $0x1;
	s23 =	sadd.s32 s4, s2;
	s5 =	smul.u32 $0x500, s5  }
0xc: {  	s7 =	sadd.s32 s20, s1;
	s6 =	sadd.s32 s6, s8;
	s0 =	ssub.s32 s0, s21  }
0xd: {  	s4 =	sadd.s32 s4, s3;
	s12 =	sshrl.u32 s23, $0x3;
	s20 =	simm.s32 $0x6000  }
0xe: {  	s23 =	simm.s32 $0x1;
	s21 =	simm.s32 $0x8;
	s24 =	sadd.s32 $0x1BA00, s7  }
0xf: {  	s7 =	sadd.s32 $0x16A00, s7;
	s0 =	smax.u32 s0, $0x1;
	[dreg:$0x4] =	wrdreg s24  }
0x10: {  	s26 =	sshrl.u32 s4, $0x3;
	s5 =	sadd.s32 s5, s1;
	[dreg:$0x5] =	wrdreg s7  }
0x11: {  	s1 =	sadd.s32 s6, s1;
	s6 =	sor.u32 $0x1C11, s22;
	[dreg:$0x9] =	wrdreg s0  }
.Ltmp0:
0x12: {  	[dreg:$0xa] =	wrdreg s26;
	s25 =	sadd.s32 $0xCA00, s5;
	(pc) =	sbr.rel .LBB2_1-.Ltmp0, $4  }
0x13: {  	s22 =	simm.s32 $0x6800;
	s5 =	sadd.s32 $0x1A00, s5;
	[dreg:$0x6] =	wrdreg s25  }
0x14: {  	s24 =	simm.s32 $0x7000;
	s1 =	sadd.s32 $0x20A00, s1;
	[dreg:$0x7] =	wrdreg s5  }
0x15: {  	s26 =	simm.s32 $0x7800;
	s0 =	simm.s32 $0x9;
	[dreg:$0x8] =	wrdreg s1  }
0x16: {  	s25 =	simm.s32 $0x2;
	s1 =	simm.s32 $0x5;
	s5 =	simm.s32 $0xC  }
.LBB2_4:
0x17: {  	_ =	swait.ge [sflag:s21], $0x800  }
0x18: {  	[sflag:s21] =	ssyncset.done $0x0  }
0x19: {  	[sflag:s21] =	ssyncadd.s32 $0xFFFFF800  }
0x1a: {  	[spmem:s2] =	stream.indirect.scatter.add.f32 [tilespmem:s31], [sflag:$0x10], $0x10, s7, s16, $0xb8;
	[tilespmem:$0xE000] =	vst v63  }
0x1b: {  	_ =	swait.ge [sflag:s5], $0x800  }
0x1c: {  	[sflag:s5] =	ssyncset.done $0x0  }
0x1d: {  	s4 =	simm.s32 $0xD;
	[sflag:s5] =	ssyncadd.s32 $0xFFFFF800  }
0x1e: {  	_ =	swait.ge [sflag:s4], $0x800  }
0x1f: {  	[sflag:s4] =	ssyncset.done $0x0  }
0x20: {  	s7 =	simm.s32 $0xE;
	[sflag:s4] =	ssyncadd.s32 $0xFFFFF800  }
0x21: {  	_ =	swait.ge [sflag:s7], $0x800  }
0x22: {  	[sflag:s7] =	ssyncset.done $0x0  }
0x23: {  	s8 =	simm.s32 $0xF;
	[sflag:s7] =	ssyncadd.s32 $0xFFFFF800  }
0x24: {  	_ =	swait.ge [sflag:s8], $0x800  }
0x25: {  	[sflag:s8] =	ssyncset.done $0x0  }
0x26: {  	s9 =	simm.s32 $0x10;
	[sflag:s8] =	ssyncadd.s32 $0xFFFFF800  }
0x27: {  	_ =	swait.ge [sflag:s9], $0x800  }
0x28: {  	[sflag:s9] =	ssyncset.done $0x0  }
0x29: {  	[sflag:s9] =	ssyncadd.s32 $0xFFFFF800  }
0x2a: {  	[bflag:$0x0] =	sbarrier.arrive $0xFFFF  }
0x2b: {  	s10 =	rddreg [dreg:$0x8]  }
0x2c: {  	[hbm:s10], [sflag:s6] =	dma.local [spmem:s12], $0x500  }
0x2d: {  	_ =	swait.ge [sflag:s13], $0x500  }
0x2e: {  	s11 =	sadd.s32 $0x1, s11;
	s14 =	rddreg [dreg:$0x9]  }
0x2f: {  	p0 =	sne.s32 s11, s14  }
.Ltmp1:
0x30: {  	_ = 	snop;
	(pc) =	sbr.rel @!p0 .LBB2_5-.Ltmp1, $3  }
0x31: {  	_ =	sdelay $0x1  }
0x32: {  	[sflag:s13] =	ssyncset.done $0x0  }
0x33: {  	[sflag:s13] =	ssyncadd.s32 $0xFFFFFB00  }
.LBB2_1:
0x34: {  	s4 =	rddreg [dreg:$0x4]  }
0x35: {  	[spmem:s12], [sflag:s6] =	dma.local [hbm:s4], $0x500  }
0x36: {  	_ =	swait.ge [sflag:s13], $0x500  }
0x37: {  	[sflag:s13] =	ssyncset.done $0x0;
	s10 =	rddreg [dreg:$0x5]  }
0x38: {  	s7 =	rddreg [dreg:$0xa];
	[sflag:s13] =	ssyncadd.s32 $0xFFFFFB00  }
0x39: {  	[spmem:s7], [sflag:s6] =	dma.local [hbm:s10], $0x500  }
0x3a: {  	_ =	swait.ge [sflag:s13], $0x500  }
0x3b: {  	[sflag:s13] =	ssyncset.done $0x0  }
0x3c: {  	s14 =	simm.s32 $0x0;
	s8 =	rddreg [dreg:$0x6];
	[sflag:s13] =	ssyncadd.s32 $0xFFFFFB00  }
0x3d: {  	[tilespmem:s14], [sflag:$0x11] =	stream.linear.gather [hbm4b:s8+s14], $0x2800, $0x38;
	[tilespmem:$0xE000] =	vst v63  }
0x3e: {  	_ =	swait.ge [sflag:s13], $0x2800  }
0x3f: {  	[sflag:s13] =	ssyncset.done $0x0  }
0x40: {  	s8 =	simm.s32 $0x2800;
	s9 =	rddreg [dreg:$0x7];
	[sflag:s13] =	ssyncadd.s32 $0xFFFFD800  }
0x41: {  	[tilespmem:s8], [sflag:$0x11] =	stream.linear.gather [hbm4b:s9+s14], $0x2800, $0x38;
	[tilespmem:$0xE000] =	vst v63  }
0x42: {  	_ =	swait.ge [sflag:s13], $0x2800  }
0x43: {  	[sflag:s13] =	ssyncset.done $0x0  }
0x44: {  	[sflag:s13] =	ssyncadd.s32 $0xFFFFD800  }
0x45: {  	[bflag:$0x0] =	sbarrier.arrive $0xFFFF  }
0x46: {  	[tilespmem:s17], [sflag:$0x1] =	stream.indirect.gather [spmem:s3], $0x10, s14, s16, $0xb8;
	[tilespmem:$0xE000] =	vst v63  }
0x47: {  	_ = 	snop  }
0x48: {  	[tilespmem:s18], [sflag:$0x2] =	stream.indirect.gather [spmem:s3], $0x10, s16, s16, $0xb8;
	[tilespmem:$0xE000] =	vst v63  }
0x49: {  	s10 =	simm.s32 $0x100  }
0x4a: {  	[tilespmem:s20], [sflag:$0x3] =	stream.indirect.gather [spmem:s3], $0x10, s10, s16, $0xb8;
	[tilespmem:$0xE000] =	vst v63  }
0x4b: {  	s14 =	simm.s32 $0x180  }
0x4c: {  	[tilespmem:s22], [sflag:$0x4] =	stream.indirect.gather [spmem:s3], $0x10, s14, s16, $0xb8;
	[tilespmem:$0xE000] =	vst v63  }
0x4d: {  	s14 =	simm.s32 $0x0  }
.LBB2_2:
0x4e: {  	_ =	swait.ge [sflag:s23], $0x800  }
0x4f: {  	s4 =	sshra.s32 s14, $0x2;
	[sflag:s23] =	ssyncset.done $0x0  }
0x50: {  	p0 =	seq.s32 s14, $0x0;
	s7 =	sadd.s32 $0x2800, s4;
	[sflag:s23] =	ssyncadd.s32 $0xFFFFF800  }
0x51: {  	[spmem:s2] =	stream.indirect.scatter.add.f32 [tilespmem:s17], [sflag:$0x9], $0x10, s7, s16, $0xb8;
	[tilespmem:$0xE000] =	vst v63  }
0x52: {  	s7 =	simm.s32 @!p0 $0xD  }
0x53: {  	_ =	swait.ge @!p0 [sflag:s7], $0x800  }
0x54: {  	[sflag:s7] =	ssyncset.done @!p0 $0x0  }
0x55: {  	s8 =	sadd.s32 $0x200, s4;
	[sflag:s7] =	ssyncadd.s32 @!p0 $0xFFFFF800  }
0x56: {  	[tilespmem:s24], [sflag:$0x5] =	stream.indirect.gather [spmem:s3], $0x10, s8, s16, $0xb8;
	[tilespmem:$0xE000] =	vst v63  }
0x57: {  	_ =	swait.ge [sflag:s25], $0x800  }
0x58: {  	[sflag:s25] =	ssyncset.done $0x0  }
0x59: {  	s9 =	sadd.s32 $0x2880, s4;
	s7 =	simm.s32 @!p0 $0xE;
	[sflag:s25] =	ssyncadd.s32 $0xFFFFF800  }
0x5a: {  	[spmem:s2] =	stream.indirect.scatter.add.f32 [tilespmem:s18], [sflag:$0xA], $0x10, s9, s16, $0xb8;
	[tilespmem:$0xE000] =	vst v63  }
0x5b: {  	_ =	swait.ge @!p0 [sflag:s7], $0x800  }
0x5c: {  	[sflag:s7] =	ssyncset.done @!p0 $0x0  }
0x5d: {  	s10 =	sadd.s32 $0x280, s4;
	[sflag:s7] =	ssyncadd.s32 @!p0 $0xFFFFF800  }
0x5e: {  	[tilespmem:s26], [sflag:$0x6] =	stream.indirect.gather [spmem:s3], $0x10, s10, s16, $0xb8;
	[tilespmem:$0xE000] =	vst v63  }
0x5f: {  	_ =	swait.ge [sflag:s28], $0x800  }
0x60: {  	[sflag:s28] =	ssyncset.done $0x0  }
0x61: {  	s8 =	sadd.s32 $0x2900, s4;
	s7 =	simm.s32 @!p0 $0xF;
	[sflag:s28] =	ssyncadd.s32 $0xFFFFF800  }
0x62: {  	[spmem:s2] =	stream.indirect.scatter.add.f32 [tilespmem:s20], [sflag:$0xB], $0x10, s8, s16, $0xb8;
	[tilespmem:$0xE000] =	vst v63  }
0x63: {  	_ =	swait.ge @!p0 [sflag:s7], $0x800  }
0x64: {  	[sflag:s7] =	ssyncset.done @!p0 $0x0  }
0x65: {  	s9 =	sadd.s32 $0x300, s4;
	[sflag:s7] =	ssyncadd.s32 @!p0 $0xFFFFF800  }
0x66: {  	[tilespmem:s29], [sflag:$0x7] =	stream.indirect.gather [spmem:s3], $0x10, s9, s16, $0xb8;
	[tilespmem:$0xE000] =	vst v63  }
0x67: {  	_ =	swait.ge [sflag:s30], $0x800  }
0x68: {  	[sflag:s30] =	ssyncset.done $0x0  }
0x69: {  	s10 =	sadd.s32 $0x2980, s4;
	s7 =	simm.s32 @!p0 $0x10;
	[sflag:s30] =	ssyncadd.s32 $0xFFFFF800  }
0x6a: {  	[spmem:s2] =	stream.indirect.scatter.add.f32 [tilespmem:s22], [sflag:$0xC], $0x10, s10, s16, $0xb8;
	[tilespmem:$0xE000] =	vst v63  }
0x6b: {  	_ =	swait.ge @!p0 [sflag:s7], $0x800  }
0x6c: {  	[sflag:s7] =	ssyncset.done @!p0 $0x0  }
0x6d: {  	s8 =	sadd.s32 $0x380, s4;
	[sflag:s7] =	ssyncadd.s32 @!p0 $0xFFFFF800  }
0x6e: {  	[tilespmem:s31], [sflag:$0x8] =	stream.indirect.gather [spmem:s3], $0x10, s8, s16, $0xb8;
	[tilespmem:$0xE000] =	vst v63  }
0x6f: {  	_ =	swait.ge [sflag:s1], $0x800  }
0x70: {  	[sflag:s1] =	ssyncset.done $0x0  }
0x71: {  	s9 =	sadd.s32 $0x2A00, s4;
	[sflag:s1] =	ssyncadd.s32 $0xFFFFF800  }
0x72: {  	[spmem:s2] =	stream.indirect.scatter.add.f32 [tilespmem:s24], [sflag:$0xD], $0x10, s9, s16, $0xb8;
	[tilespmem:$0xE000] =	vst v63  }
0x73: {  	_ =	swait.ge [sflag:s0], $0x800  }
0x74: {  	p0 =	seq.s32 s14, $0x9000;
	[sflag:s0] =	ssyncset.done $0x0  }
0x75: {  	s7 =	simm.s32 @p0 $0x6;
	[sflag:s0] =	ssyncadd.s32 $0xFFFFF800  }
0x76: {  	_ =	swait.ge @p0 [sflag:s7], $0x800  }
0x77: {  	[sflag:s7] =	ssyncset.done @p0 $0x0  }
0x78: {  	[sflag:s7] =	ssyncadd.s32 @p0 $0xFFFFF800;
	s7 =	sshra.s32 @p0 s14, $0x2  }
0x79: {  	s8 =	simm.s32 @p0 $0x80;
	s9 =	simm.s32 @p0 $0x7800;
	s7 =	sadd.s32 @p0 $0x2A80, s7  }
0x7a: {  	[spmem:s2] =	stream.indirect.scatter.add.f32 @p0 [tilespmem:s9], [sflag:$0xE], $0x10, s7, s8, $0xb8;
	[tilespmem:$0xE000] =	vst v63  }
0x7b: {  	s7 =	simm.s32 @p0 $0xA  }
0x7c: {  	_ =	swait.ge @p0 [sflag:s7], $0x800  }
0x7d: {  	[sflag:s7] =	ssyncset.done @p0 $0x0  }
0x7e: {  	[sflag:s7] =	ssyncadd.s32 @p0 $0xFFFFF800;
	s7 =	sshra.s32 @!p0 s14, $0x2  }
0x7f: {  	s10 =	simm.s32 @!p0 $0x5000;
	s9 =	simm.s32 @!p0 $0x80;
	s8 =	sadd.s32 @!p0 $0x400, s7  }
0x80: {  	[tilespmem:s10], [sflag:$0x1] =	stream.indirect.gather @!p0 [spmem:s3], $0x10, s8, s9, $0xb8;
	[tilespmem:$0xE000] =	vst v63  }
0x81: {  	s8 =	simm.s32 @!p0 $0x6  }
0x82: {  	_ =	swait.ge @!p0 [sflag:s8], $0x800  }
0x83: {  	[sflag:s8] =	ssyncset.done @!p0 $0x0  }
0x84: {  	s10 =	simm.s32 @!p0 $0x7800;
	[sflag:s8] =	ssyncadd.s32 @!p0 $0xFFFFF800;
	s8 =	sadd.s32 @!p0 $0x2A80, s7  }
0x85: {  	[spmem:s2] =	stream.indirect.scatter.add.f32 @!p0 [tilespmem:s10], [sflag:$0xE], $0x10, s8, s9, $0xb8;
	[tilespmem:$0xE000] =	vst v63  }
0x86: {  	s8 =	simm.s32 @!p0 $0xA  }
0x87: {  	_ =	swait.ge @!p0 [sflag:s8], $0x800  }
0x88: {  	[sflag:s8] =	ssyncset.done @!p0 $0x0  }
0x89: {  	s7 =	sadd.s32 @!p0 $0x480, s7;
	[sflag:s8] =	ssyncadd.s32 @!p0 $0xFFFFF800;
	s8 =	simm.s32 @!p0 $0x5800  }
0x8a: {  	[tilespmem:s8], [sflag:$0x2] =	stream.indirect.gather @!p0 [spmem:s3], $0x10, s7, s9, $0xb8;
	[tilespmem:$0xE000] =	vst v63  }
0x8b: {  	_ =	swait.ge [sflag:s15], $0x800  }
0x8c: {  	[sflag:s15] =	ssyncset.done $0x0  }
.Ltmp2:
0x8d: {  	s10 =	sadd.s32 $0x2B00, s4;
	[sflag:s15] =	ssyncadd.s32 $0xFFFFF800;
	(pc) =	sbr.rel @p0 .LBB2_4-.Ltmp2, $4  }
0x8e: {  	[spmem:s2] =	stream.indirect.scatter.add.f32 [tilespmem:s29], [sflag:$0xF], $0x10, s10, s16, $0xb8;
	[tilespmem:$0xE000] =	vst v63  }
0x8f: {  	_ =	swait.ge [sflag:s19], $0x800  }
0x90: {  	[sflag:s19] =	ssyncset.done $0x0  }
0x91: {  	s7 =	sadd.s32 $0x2B80, s4;
	[sflag:s19] =	ssyncadd.s32 $0xFFFFF800  }
0x92: {  	s8 =	sadd.s32 $0x500, s4  }
0x93: {  	[tilespmem:s20], [sflag:$0x3] =	stream.indirect.gather [spmem:s3], $0x10, s8, s16, $0xb8;
	[tilespmem:$0xE000] =	vst v63  }
0x94: {  	_ =	swait.ge [sflag:s21], $0x800  }
0x95: {  	[sflag:s21] =	ssyncset.done $0x0  }
0x96: {  	[sflag:s21] =	ssyncadd.s32 $0xFFFFF800  }
0x97: {  	[spmem:s2] =	stream.indirect.scatter.add.f32 [tilespmem:s31], [sflag:$0x10], $0x10, s7, s16, $0xb8;
	[tilespmem:$0xE000] =	vst v63  }
.Ltmp3:
0x98: {  	_ = 	snop;
	(pc) =	sbr.rel .LBB2_2-.Ltmp3, $4  }
0x99: {  	_ =	swait.ge [sflag:s5], $0x800  }
0x9a: {  	[sflag:s5] =	ssyncset.done $0x0  }
0x9b: {  	s10 =	sadd.s32 $0x580, s4;
	s14 =	sadd.s32 $0x1000, s14;
	[sflag:s5] =	ssyncadd.s32 $0xFFFFF800  }
0x9c: {  	[tilespmem:s22], [sflag:$0x4] =	stream.indirect.gather [spmem:s3], $0x10, s10, s16, $0xb8;
	[tilespmem:$0xE000] =	vst v63  }
.LBB2_5:
0x9d: {  	_ =	sfence.sel $0x180000  }
0x9e: {  	[bflag:$0x0] =	sbarrier.arrive $0xFFFF  }
0x9f: {  	_ =	strace $0x9000004A  }
0xa0: {  	s0 =	stileid.u32;
	[bflag:$0x2] =	sbarrier.arrive $0xFFFF  }
0xa1: {  	p0 =	sne.s32 s0, $0x0;
	s0 =	rddreg [dreg:$0x3]  }
0xa2: {  	s0 =	sadd.s32 @!p0 $0x100000, s0  }
0xa3: {  	[sflag:s0] =	ssyncadd.tile.s32 @!p0 $0x1;
	_ =	shalt  }
.Lfunc_end2:
_tile_overlayer_lowered:
.L_overlay_start_2:
0xa4: {  	(tag) =	ssettag $0x2  }
0xa5: {  	s0 =	rddreg [dreg:$0x0];
	s2 =	stileid.u32  }
0xa6: {  	s1 =	rddreg [dreg:$0x1];
	p0 =	sne.s32 s2, $0x0  }
0xa7: {  	s3 =	rddreg [dreg:$0x2];
	[bflag:$0x3] =	sbarrier.arrive $0xFFFF;
	s2 =	simm.s32 @!p0 $0x1C11  }
0xa8: {  	[timem:s3], [sflag:s2] =	dma.local @!p0 [hbm:s0], s1  }
0xa9: {  	s0 =	simm.s32 @!p0 $0x11  }
0xaa: {  	_ =	swait.ge @!p0 [sflag:s0], s1  }
0xab: {  	s1 =	ssub.s32 @!p0 $0x0, s1;
	[sflag:s0] =	ssyncset.done @!p0 $0x0  }
0xac: {  	[sflag:s0] =	ssyncadd.s32 @!p0 s1  }
0xad: {  	[bflag:$0x3] =	sbarrier.arrive $0xFFFF  }
0xae: {  	_ =	shalt  }

// kernel: kernel.14.cloned.1.call-start
scs
__scs_entry_jumppad:
0x0: {  	(pc) =	sbr.rel $0x88, $3  }
0x1: {  	(tag) =	ssettag $0x0;
	lr =	simm.s32 $0x1  }
0x2: {  	[smem:$0x3F98] =	sst lr;
	_ =	strace $0xD0000000  }
0x3: {  	_ = 	snop  }
0x4: {  	_ = 	snop  }
0x5: {  	_ = 	snop  }
0x6: {  	_ = 	snop  }
0x7: {  	_ = 	snop  }
__scs_overlays_trampoline_lowered:
0x8: {  	[smem:$0x3FA7] =	sst s0  }
0x9: {  	[smem:$0x3FA8] =	sst s1  }
0xa: {  	[smem:$0x3FA9] =	sst s2  }
0xb: {  	[smem:$0x3FAA] =	sst s3  }
0xc: {  	[smem:$0x3FAB] =	sst s4  }
0xd: {  	[smem:$0x3FAC] =	sst s5  }
0xe: {  	[smem:$0x3FAD] =	sst s6  }
0xf: {  	[smem:$0x3FAE] =	sst s7  }
0x10: {  	[smem:$0x3FAF] =	sst s8  }
0x11: {  	[smem:$0x3FB0] =	sst s9;
	s0 =	simm.s32 @!p0 $0x0  }
0x12: {  	s1 =	sld [smem:$0x3F96];
	s0 =	simm.s32 @p0 $0x1  }
0x13: {  	[smem:$0x3FB1] =	sst s0;
	s0 =	simm.s32 @!p1 $0x0  }
0x14: {  	s2 =	sld [smem:$0x3F95];
	s0 =	simm.s32 @p1 $0x1  }
0x15: {  	[smem:$0x3FB2] =	sst s0;
	s0 =	simm.s32 @!p2 $0x0  }
0x16: {  	s3 =	sld [smem:$0x3FDB];
	s0 =	simm.s32 @p2 $0x1  }
0x17: {  	s4 =	simm.s32 $0x1BF5;
	[smem:$0x3FB4] =	sst s0  }
0x18: {  	s0 =	sld [smem:$0x3F97];
	_ =	swait.ge [sflag:s4], $0x0  }
0x19: {  	s7 =	sld [smem:$0x3F98]  }
0x1a: {  	s8 =	sadd.s32 $0xFFFFE003, lr  }
0x1b: {  	s9 =	sadd.s32 $0xFFFFFEF7, lr;
	s5 =	simm.s32 $0xFFFFFFFF;
	p2 =	slt.u32 s8, $0xFFFFF086  }
0x1c: {  	p1 =	slt.u32 s9, $0xF7A;
	s5 =	simm.s32 @!p2 $0x0  }
0x1d: {  	s5 =	simm.s32 @p1 $0x1;
	p0 =	seq.s32 s7, s2  }
0x1e: {  	s7 =	smul.u32 @!p0 $0xF7A, s2;
	p2 =	seq.s32 @!p0 s5, $0x0  }
0x1f: {  	s9 =	smul.u32 $0xF7A, s1;
	s8 =	simm.s32 @!p0 $0x1BF5;
	p2 =	por !p2, p0  }
0x20: {  	[sflag:s8] =	ssyncset.s32 @!p0 $0xFFFFF086;
	s6 =	sadd.s32 @!p0 s3, s7;
	s7 =	simm.s32 @!p0 $0x108  }
0x21: {  	s3 =	sadd.s32 s3, s9;
	s6 =	sadd.s32 @!p0 $0x88, s6;
	s7 =	simm.s32 @p2 $0x1082  }
0x22: {  	[simem:s7], [sflag:s8] =	dma.local @!p0 [hbm:s6], $0xF7A  }
0x23: {  	s9 =	sor.u32 $0xD0000000, s2;
	s6 =	simm.s32 $0x108;
	_ =	swait.ge @!p0 [sflag:s8], $0x0  }
0x24: {  	s3 =	sadd.s32 $0x88, s3;
	s6 =	simm.s32 @!p1 $0x1082;
	[sflag:s4] =	ssyncset.s32 $0xFFFFF086  }
0x25: {  	[simem:s6], [sflag:s4] =	dma.local [hbm:s3], $0xF7A  }
0x26: {  	[smem:$0x3F98] =	sst s1;
	(tag) =	ssettag s2;
	_ =	strace s9  }
0x27: {  	s1 =	sld [smem:$0x3FA8]  }
0x28: {  	s2 =	sld [smem:$0x3FA9]  }
0x29: {  	s4 =	sld [smem:$0x3FAB]  }
0x2a: {  	p0 =	seq.s32 s5, $0x0;
	s5 =	sld [smem:$0x3FAC]  }
0x2b: {  	s6 =	sld [smem:$0x3FAD]  }
0x2c: {  	s7 =	sld [smem:$0x3FAE]  }
0x2d: {  	s3 =	simm.s32 $0x108;
	s8 =	sld [smem:$0x3FAF]  }
0x2e: {  	s3 =	simm.s32 @!p0 $0x1082;
	s9 =	sld [smem:$0x3FB0]  }
0x2f: {  	lr =	sadd.s32 s0, s3;
	s0 =	sld [smem:$0x3FA7]  }
0x30: {  	s3 =	sld [smem:$0x3FAA]  }
0x31: {  	[smem:$0x3FB3] =	sst s10  }
0x32: {  	s10 =	sld [smem:$0x3FB1];
	_ =	sdelay $0x3  }
0x33: {  	p0 =	seq.s32 s10, $0x1;
	s10 =	sld [smem:$0x3FB3];
	_ =	sdelay $0x3  }
0x34: {  	[smem:$0x3FB3] =	sst s10  }
0x35: {  	s10 =	sld [smem:$0x3FB2];
	_ =	sdelay $0x3  }
0x36: {  	p1 =	seq.s32 s10, $0x1;
	s10 =	sld [smem:$0x3FB3];
	_ =	sdelay $0x3  }
0x37: {  	[smem:$0x3FB3] =	sst s10  }
0x38: {  	s10 =	sld [smem:$0x3FB4]  }
0x39: {  	_ = 	snop;
	(pc) =	sbr.ind lr, $3  }
0x3a: {  	_ = 	snop  }
0x3b: {  	_ = 	snop  }
0x3c: {  	p2 =	seq.s32 s10, $0x1;
	s10 =	sld [smem:$0x3FB3]  }
0x3d: {  	_ =	shalt  }
0x3e: {  	_ =	shalt  }
0x3f: {  	_ =	shalt  }
0x40: {  	_ =	shalt  }
0x41: {  	_ =	shalt  }
0x42: {  	_ =	shalt  }
0x43: {  	_ =	shalt  }
0x44: {  	_ =	shalt  }
0x45: {  	_ =	shalt  }
0x46: {  	_ =	shalt  }
0x47: {  	_ =	shalt  }
0x48: {  	_ =	shalt  }
0x49: {  	_ =	shalt  }
0x4a: {  	_ =	shalt  }
0x4b: {  	_ =	shalt  }
0x4c: {  	_ =	shalt  }
0x4d: {  	_ =	shalt  }
0x4e: {  	_ =	shalt  }
0x4f: {  	_ =	shalt  }
0x50: {  	_ =	shalt  }
0x51: {  	_ =	shalt  }
0x52: {  	_ =	shalt  }
0x53: {  	_ =	shalt  }
0x54: {  	_ =	shalt  }
0x55: {  	_ =	shalt  }
0x56: {  	_ =	shalt  }
0x57: {  	_ =	shalt  }
0x58: {  	_ =	shalt  }
0x59: {  	_ =	shalt  }
0x5a: {  	_ =	shalt  }
0x5b: {  	_ =	shalt  }
0x5c: {  	_ =	shalt  }
0x5d: {  	_ =	shalt  }
0x5e: {  	_ =	shalt  }
0x5f: {  	_ =	shalt  }
0x60: {  	_ =	shalt  }
0x61: {  	_ =	shalt  }
0x62: {  	_ =	shalt  }
0x63: {  	_ =	shalt  }
0x64: {  	_ =	shalt  }
0x65: {  	_ =	shalt  }
0x66: {  	_ =	shalt  }
0x67: {  	_ =	shalt  }
0x68: {  	_ =	shalt  }
0x69: {  	_ =	shalt  }
0x6a: {  	_ =	shalt  }
0x6b: {  	_ =	shalt  }
0x6c: {  	_ =	shalt  }
0x6d: {  	_ =	shalt  }
0x6e: {  	_ =	shalt  }
0x6f: {  	_ =	shalt  }
0x70: {  	_ =	shalt  }
0x71: {  	_ =	shalt  }
0x72: {  	_ =	shalt  }
0x73: {  	_ =	shalt  }
0x74: {  	_ =	shalt  }
0x75: {  	_ =	shalt  }
0x76: {  	_ =	shalt  }
0x77: {  	_ =	shalt  }
0x78: {  	_ =	shalt  }
0x79: {  	_ =	shalt  }
0x7a: {  	_ =	shalt  }
0x7b: {  	_ =	shalt  }
0x7c: {  	_ =	shalt  }
0x7d: {  	_ =	shalt  }
0x7e: {  	_ =	shalt  }
0x7f: {  	_ =	shalt  }
0x80: {  	_ =	shalt  }
0x81: {  	_ =	shalt  }
0x82: {  	_ =	shalt  }
0x83: {  	_ =	shalt  }
0x84: {  	_ =	shalt  }
0x85: {  	_ =	shalt  }
0x86: {  	_ =	shalt  }
0x87: {  	_ =	shalt  }
.Lfunc_end0:
.L_simem_size_0:
called_computation.2_lowered:
.L_overlay_start_0:
0x88: {  	s2 =	sld [smem:$0x3FD9]  }
0x89: {  	s3 =	sld [smem:$0x3FFE];
	_ =	sdelay $0x1  }
0x8a: {  	s1 =	srdreg.scid  }
0x8b: {  	s0 =	sand.u32 $0x1, s1  }
0x8c: {  	s16 =	sshll.u32 s0, $0xA;
	s2 =	sadd.s32 s3, s2  }
0x8d: {  	s2 =	sadd.s32 s2, s16  }
0x8e: {  	[smem:$0x3FBF] =	sst s2  }
0x8f: {  	_ = 	snop  }
0x90: {  	(tm) =	ssettm $0x1  }
0x91: {  	s17 =	sld [smem:$0x3FFB];
	_ =	sdelay $0x3  }
0x92: {  	_ =	strace s17  }
0x93: {  	s2 =	sld [smem:$0x3FFC];
	_ =	sdelay $0x3  }
0x94: {  	_ =	strace s2  }
0x95: {  	s2 =	sld [smem:$0x3FFD];
	_ =	sdelay $0x3  }
0x96: {  	_ =	strace s2  }
0x97: {  	_ =	strace $0x8FFFFFFF  }
0x98: {  	s18 =	sld [smem:$0x3FDB];
	_ =	sdelay $0x1  }
0x99: {  	s19 =	simm.s32 $_scs_section_size  }
0x9a: {  	s4 =	simm.s32 $_size__tile_overlayer_lowered;
	s5 =	simm.s32 $_tile_overlayer_lowered  }
0x9b: {  	s22 =	simm.s32 $0x1BFF;
	s21 =	sshll.u32 s5, $0x1;
	s2 =	sadd.s32 s19, s18  }
0x9c: {  	s6 =	simm.s32 $0x0;
	s20 =	sshll.u32 s4, $0x1;
	s4 =	sadd.s32 s21, s2  }
0x9d: {  	[timem:s6], [sflag:s22] =	dma.local [hbm:s4], s20  }
0x9e: {  	_ =	swait.ge [sflag:s22], s20  }
0x9f: {  	s3 =	ssub.s32 $0x0, s20;
	[sflag:s22] =	ssyncset.done $0x0  }
0xa0: {  	[sflag:s22] =	ssyncadd.s32 s3;
	_ =	sdelay $0x1  }
0xa1: {  	s23 =	simm.s32 $0x1B8B  }
0xa2: {  	_ =	swait.ge [sflag:s23], $0x1  }
0xa3: {  	[sflag:s23] =	ssyncset.done $0x0  }
0xa4: {  	s25 =	simm.s32 $0x1B8E;
	s24 =	sld [smem:$0x3FFE];
	[sflag:s23] =	ssyncadd.s32 $0xFFFFFFFF  }
0xa5: {  	s26 =	simm.s32 $execute0_lowered;
	[smem:$0x3FD2] =	sst s25  }
0xa6: {  	s4 =	sshll.u32 s26, $0x1;
	_ =	strace $0x8000004C;
	[dreg:$0x1] =	wrdreg $0xFFFFFFFF  }
0xa7: {  	s28 =	simm.s32 $_size_execute0_lowered;
	s2 =	sadd.s32 s2, s4;
	[dreg:$0x0] =	wrdreg $0x0  }
0xa8: {  	s4 =	sshll.u32 s28, $0x1;
	[dreg:$0x2] =	wrdreg s2  }
0xa9: {  	[dreg:$0x3] =	wrdreg s4  }
0xaa: {  	[dreg:$0x4] =	wrdreg $0xC0  }
0xab: {  	_ =	task [dreg:s6], $0x5FFFF  }
0xac: {  	[dreg:$0x1] =	wrdreg $0xFFFFFFFF  }
0xad: {  	[dreg:$0x0] =	wrdreg $0x60  }
0xae: {  	[dreg:$0x2] =	wrdreg s24  }
0xaf: {  	[dreg:$0x3] =	wrdreg $0x90000  }
0xb0: {  	[dreg:$0x4] =	wrdreg $0xB8000  }
0xb1: {  	[dreg:$0x5] =	wrdreg $0x9  }
0xb2: {  	_ =	task.clear_ibuf [dreg:s6], $0x6FFFF;
	_ =	strace $0x9000004C  }
0xb3: {  	s29 =	simm.s32 $0x9;
	_ =	strace $0x8000004E  }
0xb4: {  	_ =	swait.ge [sflag:s29], $0x1  }
0xb5: {  	[sflag:s29] =	ssyncadd.s32 $0xFFFFFFFF  }
0xb6: {  	_ =	strace $0x9000004E  }
0xb7: {  	_ =	sfence  }
0xb8: {  	s30 =	sld [smem:$0x0];
	_ =	sdelay $0x2  }
0xb9: {  	s31 =	sshll.u32 s1, $0xD;
	s1 =	sshrl.u32 s1, $0x2  }
0xba: {  	s3 =	sand.u32 $0x4000, s31;
	s1 =	sadd.s32 s1, s30  }
0xbb: {  	s0 =	sor.u32 s3, s0;
	s1 =	sshll.u32 s1, $0x11  }
0xbc: {  	s0 =	sor.u32 s1, s0  }
0xbd: {  	s0 =	sadd.s32 $0x8F2B, s0  }
0xbe: {  	[sflag:s0] =	ssyncadd.remote.s32 $0x1  }
0xbf: {  	_ =	sfence.sel $0xFFFF  }
0xc0: {  	[dreg:$0x0] =	wrdreg $0xFFFFFFFF;
	(pc) =	sbr.abs _section_cstart, $3  }
0xc1: {  	[dreg:$0x1] =	wrdreg $0xFFFFFFFF  }
0xc2: {  	_ =	task.clear_ibuf [dreg:s6], $0x2FFFF;
	_ =	strace $0x9FFFFFFF  }
0xc3: {  	(tm) =	ssettm $0x7FFFFFFF  }
tec
execute0_lowered:
.L_overlay_start_1:
0x0: {  	(tag) =	ssettag $0x1  }
0x1: {  	s0 =	srdreg.scid;
	s1 =	rddreg [dreg:$0x0]  }
0x2: {  	s9 =	stileid.u32;
	s2 =	rddreg [dreg:$0x1]  }
0x3: {  	s7 =	simm.s32 $0x0;
	s13 =	simm.s32 $0x11;
	s16 =	simm.s32 $0x80  }
0x4: {  	s17 =	simm.s32 $0x5000;
	s18 =	simm.s32 $0x5800;
	s28 =	simm.s32 $0x3  }
0x5: {  	s29 =	simm.s32 $0x8000;
	s30 =	simm.s32 $0x4;
	s31 =	simm.s32 $0x8800  }
0x6: {  	s15 =	simm.s32 $0x7;
	s19 =	simm.s32 $0xB;
	s4 =	smul.u32 $0x2800, s9  }
0x7: {  	s11 =	simm.s32 $0x0;
	s0 =	sand.u32 $0x1, s0;
	s6 =	smul.u32 $0x500, s9  }
0x8: {  	[smem:$0x7FF] =	sst s7;
	s22 =	sshll.u32 s9, $0x6;
	s3 =	sshll.u32 s0, $0x4  }
0x9: {  	s8 =	smul.u32 $0x5000, s0;
	s0 =	ssub.s32 $0x2, s0;
	s5 =	sor.u32 s9, s3  }
0xa: {  	s3 =	rddreg [dreg:$0x2];
	s20 =	sshrl.u32 s4, $0x3;
	_ =	strace $0x8000004D  }
0xb: {  	s21 =	sshrl.u32 s0, $0x1;
	s23 =	sadd.s32 s4, s2;
	s5 =	smul.u32 $0x500, s5  }
0xc: {  	s7 =	sadd.s32 s20, s1;
	s6 =	sadd.s32 s6, s8;
	s0 =	ssub.s32 s0, s21  }
0xd: {  	s4 =	sadd.s32 s4, s3;
	s12 =	sshrl.u32 s23, $0x3;
	s20 =	simm.s32 $0x6000  }
0xe: {  	s23 =	simm.s32 $0x1;
	s21 =	simm.s32 $0x8;
	s24 =	sadd.s32 $0x1BA00, s7  }
0xf: {  	s7 =	sadd.s32 $0x16A00, s7;
	s0 =	smax.u32 s0, $0x1;
	[dreg:$0x4] =	wrdreg s24  }
0x10: {  	s26 =	sshrl.u32 s4, $0x3;
	s5 =	sadd.s32 s5, s1;
	[dreg:$0x5] =	wrdreg s7  }
0x11: {  	s1 =	sadd.s32 s6, s1;
	s6 =	sor.u32 $0x1C11, s22;
	[dreg:$0x9] =	wrdreg s0  }
.Ltmp0:
0x12: {  	[dreg:$0xa] =	wrdreg s26;
	s25 =	sadd.s32 $0xCA00, s5;
	(pc) =	sbr.rel .LBB2_1-.Ltmp0, $4  }
0x13: {  	s22 =	simm.s32 $0x6800;
	s5 =	sadd.s32 $0x1A00, s5;
	[dreg:$0x6] =	wrdreg s25  }
0x14: {  	s24 =	simm.s32 $0x7000;
	s1 =	sadd.s32 $0x20A00, s1;
	[dreg:$0x7] =	wrdreg s5  }
0x15: {  	s26 =	simm.s32 $0x7800;
	s0 =	simm.s32 $0x9;
	[dreg:$0x8] =	wrdreg s1  }
0x16: {  	s25 =	simm.s32 $0x2;
	s1 =	simm.s32 $0x5;
	s5 =	simm.s32 $0xC  }
.LBB2_4:
0x17: {  	_ =	swait.ge [sflag:s21], $0x800  }
0x18: {  	[sflag:s21] =	ssyncset.done $0x0  }
0x19: {  	[sflag:s21] =	ssyncadd.s32 $0xFFFFF800  }
0x1a: {  	[spmem:s2] =	stream.indirect.scatter.add.f32 [tilespmem:s31], [sflag:$0x10], $0x10, s7, s16, $0xb8;
	[tilespmem:$0xE000] =	vst v63  }
0x1b: {  	_ =	swait.ge [sflag:s5], $0x800  }
0x1c: {  	[sflag:s5] =	ssyncset.done $0x0  }
0x1d: {  	s4 =	simm.s32 $0xD;
	[sflag:s5] =	ssyncadd.s32 $0xFFFFF800  }
0x1e: {  	_ =	swait.ge [sflag:s4], $0x800  }
0x1f: {  	[sflag:s4] =	ssyncset.done $0x0  }
0x20: {  	s7 =	simm.s32 $0xE;
	[sflag:s4] =	ssyncadd.s32 $0xFFFFF800  }
0x21: {  	_ =	swait.ge [sflag:s7], $0x800  }
0x22: {  	[sflag:s7] =	ssyncset.done $0x0  }
0x23: {  	s8 =	simm.s32 $0xF;
	[sflag:s7] =	ssyncadd.s32 $0xFFFFF800  }
0x24: {  	_ =	swait.ge [sflag:s8], $0x800  }
0x25: {  	[sflag:s8] =	ssyncset.done $0x0  }
0x26: {  	s9 =	simm.s32 $0x10;
	[sflag:s8] =	ssyncadd.s32 $0xFFFFF800  }
0x27: {  	_ =	swait.ge [sflag:s9], $0x800  }
0x28: {  	[sflag:s9] =	ssyncset.done $0x0  }
0x29: {  	[sflag:s9] =	ssyncadd.s32 $0xFFFFF800  }
0x2a: {  	[bflag:$0x0] =	sbarrier.arrive $0xFFFF  }
0x2b: {  	s10 =	rddreg [dreg:$0x8]  }
0x2c: {  	[hbm:s10], [sflag:s6] =	dma.local [spmem:s12], $0x500  }
0x2d: {  	_ =	swait.ge [sflag:s13], $0x500  }
0x2e: {  	s11 =	sadd.s32 $0x1, s11;
	s14 =	rddreg [dreg:$0x9]  }
0x2f: {  	p0 =	sne.s32 s11, s14  }
.Ltmp1:
0x30: {  	_ = 	snop;
	(pc) =	sbr.rel @!p0 .LBB2_5-.Ltmp1, $3  }
0x31: {  	_ =	sdelay $0x1  }
0x32: {  	[sflag:s13] =	ssyncset.done $0x0  }
0x33: {  	[sflag:s13] =	ssyncadd.s32 $0xFFFFFB00  }
.LBB2_1:
0x34: {  	s4 =	rddreg [dreg:$0x4]  }
0x35: {  	[spmem:s12], [sflag:s6] =	dma.local [hbm:s4], $0x500  }
0x36: {  	_ =	swait.ge [sflag:s13], $0x500  }
0x37: {  	[sflag:s13] =	ssyncset.done $0x0;
	s10 =	rddreg [dreg:$0x5]  }
0x38: {  	s7 =	rddreg [dreg:$0xa];
	[sflag:s13] =	ssyncadd.s32 $0xFFFFFB00  }
0x39: {  	[spmem:s7], [sflag:s6] =	dma.local [hbm:s10], $0x500  }
0x3a: {  	_ =	swait.ge [sflag:s13], $0x500  }
0x3b: {  	[sflag:s13] =	ssyncset.done $0x0  }
0x3c: {  	s14 =	simm.s32 $0x0;
	s8 =	rddreg [dreg:$0x6];
	[sflag:s13] =	ssyncadd.s32 $0xFFFFFB00  }
0x3d: {  	[tilespmem:s14], [sflag:$0x11] =	stream.linear.gather [hbm4b:s8+s14], $0x2800, $0x38;
	[tilespmem:$0xE000] =	vst v63  }
0x3e: {  	_ =	swait.ge [sflag:s13], $0x2800  }
0x3f: {  	[sflag:s13] =	ssyncset.done $0x0  }
0x40: {  	s8 =	simm.s32 $0x2800;
	s9 =	rddreg [dreg:$0x7];
	[sflag:s13] =	ssyncadd.s32 $0xFFFFD800  }
0x41: {  	[tilespmem:s8], [sflag:$0x11] =	stream.linear.gather [hbm4b:s9+s14], $0x2800, $0x38;
	[tilespmem:$0xE000] =	vst v63  }
0x42: {  	_ =	swait.ge [sflag:s13], $0x2800  }
0x43: {  	[sflag:s13] =	ssyncset.done $0x0  }
0x44: {  	[sflag:s13] =	ssyncadd.s32 $0xFFFFD800  }
0x45: {  	[bflag:$0x0] =	sbarrier.arrive $0xFFFF  }
0x46: {  	[tilespmem:s17], [sflag:$0x1] =	stream.indirect.gather [spmem:s3], $0x10, s14, s16, $0xb8;
	[tilespmem:$0xE000] =	vst v63  }
0x47: {  	_ = 	snop  }
0x48: {  	[tilespmem:s18], [sflag:$0x2] =	stream.indirect.gather [spmem:s3], $0x10, s16, s16, $0xb8;
	[tilespmem:$0xE000] =	vst v63  }
0x49: {  	s10 =	simm.s32 $0x100  }
0x4a: {  	[tilespmem:s20], [sflag:$0x3] =	stream.indirect.gather [spmem:s3], $0x10, s10, s16, $0xb8;
	[tilespmem:$0xE000] =	vst v63  }
0x4b: {  	s14 =	simm.s32 $0x180  }
0x4c: {  	[tilespmem:s22], [sflag:$0x4] =	stream.indirect.gather [spmem:s3], $0x10, s14, s16, $0xb8;
	[tilespmem:$0xE000] =	vst v63  }
0x4d: {  	s14 =	simm.s32 $0x0  }
.LBB2_2:
0x4e: {  	_ =	swait.ge [sflag:s23], $0x800  }
0x4f: {  	s4 =	sshra.s32 s14, $0x2;
	[sflag:s23] =	ssyncset.done $0x0  }
0x50: {  	p0 =	seq.s32 s14, $0x0;
	s7 =	sadd.s32 $0x2800, s4;
	[sflag:s23] =	ssyncadd.s32 $0xFFFFF800  }
0x51: {  	[spmem:s2] =	stream.indirect.scatter.add.f32 [tilespmem:s17], [sflag:$0x9], $0x10, s7, s16, $0xb8;
	[tilespmem:$0xE000] =	vst v63  }
0x52: {  	s7 =	simm.s32 @!p0 $0xD  }
0x53: {  	_ =	swait.ge @!p0 [sflag:s7], $0x800  }
0x54: {  	[sflag:s7] =	ssyncset.done @!p0 $0x0  }
0x55: {  	s8 =	sadd.s32 $0x200, s4;
	[sflag:s7] =	ssyncadd.s32 @!p0 $0xFFFFF800  }
0x56: {  	[tilespmem:s24], [sflag:$0x5] =	stream.indirect.gather [spmem:s3], $0x10, s8, s16, $0xb8;
	[tilespmem:$0xE000] =	vst v63  }
0x57: {  	_ =	swait.ge [sflag:s25], $0x800  }
0x58: {  	[sflag:s25] =	ssyncset.done $0x0  }
0x59: {  	s9 =	sadd.s32 $0x2880, s4;
	s7 =	simm.s32 @!p0 $0xE;
	[sflag:s25] =	ssyncadd.s32 $0xFFFFF800  }
0x5a: {  	[spmem:s2] =	stream.indirect.scatter.add.f32 [tilespmem:s18], [sflag:$0xA], $0x10, s9, s16, $0xb8;
	[tilespmem:$0xE000] =	vst v63  }
0x5b: {  	_ =	swait.ge @!p0 [sflag:s7], $0x800  }
0x5c: {  	[sflag:s7] =	ssyncset.done @!p0 $0x0  }
0x5d: {  	s10 =	sadd.s32 $0x280, s4;
	[sflag:s7] =	ssyncadd.s32 @!p0 $0xFFFFF800  }
0x5e: {  	[tilespmem:s26], [sflag:$0x6] =	stream.indirect.gather [spmem:s3], $0x10, s10, s16, $0xb8;
	[tilespmem:$0xE000] =	vst v63  }
0x5f: {  	_ =	swait.ge [sflag:s28], $0x800  }
0x60: {  	[sflag:s28] =	ssyncset.done $0x0  }
0x61: {  	s8 =	sadd.s32 $0x2900, s4;
	s7 =	simm.s32 @!p0 $0xF;
	[sflag:s28] =	ssyncadd.s32 $0xFFFFF800  }
0x62: {  	[spmem:s2] =	stream.indirect.scatter.add.f32 [tilespmem:s20], [sflag:$0xB], $0x10, s8, s16, $0xb8;
	[tilespmem:$0xE000] =	vst v63  }
0x63: {  	_ =	swait.ge @!p0 [sflag:s7], $0x800  }
0x64: {  	[sflag:s7] =	ssyncset.done @!p0 $0x0  }
0x65: {  	s9 =	sadd.s32 $0x300, s4;
	[sflag:s7] =	ssyncadd.s32 @!p0 $0xFFFFF800  }
0x66: {  	[tilespmem:s29], [sflag:$0x7] =	stream.indirect.gather [spmem:s3], $0x10, s9, s16, $0xb8;
	[tilespmem:$0xE000] =	vst v63  }
0x67: {  	_ =	swait.ge [sflag:s30], $0x800  }
0x68: {  	[sflag:s30] =	ssyncset.done $0x0  }
0x69: {  	s10 =	sadd.s32 $0x2980, s4;
	s7 =	simm.s32 @!p0 $0x10;
	[sflag:s30] =	ssyncadd.s32 $0xFFFFF800  }
0x6a: {  	[spmem:s2] =	stream.indirect.scatter.add.f32 [tilespmem:s22], [sflag:$0xC], $0x10, s10, s16, $0xb8;
	[tilespmem:$0xE000] =	vst v63  }
0x6b: {  	_ =	swait.ge @!p0 [sflag:s7], $0x800  }
0x6c: {  	[sflag:s7] =	ssyncset.done @!p0 $0x0  }
0x6d: {  	s8 =	sadd.s32 $0x380, s4;
	[sflag:s7] =	ssyncadd.s32 @!p0 $0xFFFFF800  }
0x6e: {  	[tilespmem:s31], [sflag:$0x8] =	stream.indirect.gather [spmem:s3], $0x10, s8, s16, $0xb8;
	[tilespmem:$0xE000] =	vst v63  }
0x6f: {  	_ =	swait.ge [sflag:s1], $0x800  }
0x70: {  	[sflag:s1] =	ssyncset.done $0x0  }
0x71: {  	s9 =	sadd.s32 $0x2A00, s4;
	[sflag:s1] =	ssyncadd.s32 $0xFFFFF800  }
0x72: {  	[spmem:s2] =	stream.indirect.scatter.add.f32 [tilespmem:s24], [sflag:$0xD], $0x10, s9, s16, $0xb8;
	[tilespmem:$0xE000] =	vst v63  }
0x73: {  	_ =	swait.ge [sflag:s0], $0x800  }
0x74: {  	p0 =	seq.s32 s14, $0x9000;
	[sflag:s0] =	ssyncset.done $0x0  }
0x75: {  	s7 =	simm.s32 @p0 $0x6;
	[sflag:s0] =	ssyncadd.s32 $0xFFFFF800  }
0x76: {  	_ =	swait.ge @p0 [sflag:s7], $0x800  }
0x77: {  	[sflag:s7] =	ssyncset.done @p0 $0x0  }
0x78: {  	[sflag:s7] =	ssyncadd.s32 @p0 $0xFFFFF800;
	s7 =	sshra.s32 @p0 s14, $0x2  }
0x79: {  	s8 =	simm.s32 @p0 $0x80;
	s9 =	simm.s32 @p0 $0x7800;
	s7 =	sadd.s32 @p0 $0x2A80, s7  }
0x7a: {  	[spmem:s2] =	stream.indirect.scatter.add.f32 @p0 [tilespmem:s9], [sflag:$0xE], $0x10, s7, s8, $0xb8;
	[tilespmem:$0xE000] =	vst v63  }
0x7b: {  	s7 =	simm.s32 @p0 $0xA  }
0x7c: {  	_ =	swait.ge @p0 [sflag:s7], $0x800  }
0x7d: {  	[sflag:s7] =	ssyncset.done @p0 $0x0  }
0x7e: {  	[sflag:s7] =	ssyncadd.s32 @p0 $0xFFFFF800;
	s7 =	sshra.s32 @!p0 s14, $0x2  }
0x7f: {  	s10 =	simm.s32 @!p0 $0x5000;
	s9 =	simm.s32 @!p0 $0x80;
	s8 =	sadd.s32 @!p0 $0x400, s7  }
0x80: {  	[tilespmem:s10], [sflag:$0x1] =	stream.indirect.gather @!p0 [spmem:s3], $0x10, s8, s9, $0xb8;
	[tilespmem:$0xE000] =	vst v63  }
0x81: {  	s8 =	simm.s32 @!p0 $0x6  }
0x82: {  	_ =	swait.ge @!p0 [sflag:s8], $0x800  }
0x83: {  	[sflag:s8] =	ssyncset.done @!p0 $0x0  }
0x84: {  	s10 =	simm.s32 @!p0 $0x7800;
	[sflag:s8] =	ssyncadd.s32 @!p0 $0xFFFFF800;
	s8 =	sadd.s32 @!p0 $0x2A80, s7  }
0x85: {  	[spmem:s2] =	stream.indirect.scatter.add.f32 @!p0 [tilespmem:s10], [sflag:$0xE], $0x10, s8, s9, $0xb8;
	[tilespmem:$0xE000] =	vst v63  }
0x86: {  	s8 =	simm.s32 @!p0 $0xA  }
0x87: {  	_ =	swait.ge @!p0 [sflag:s8], $0x800  }
0x88: {  	[sflag:s8] =	ssyncset.done @!p0 $0x0  }
0x89: {  	s7 =	sadd.s32 @!p0 $0x480, s7;
	[sflag:s8] =	ssyncadd.s32 @!p0 $0xFFFFF800;
	s8 =	simm.s32 @!p0 $0x5800  }
0x8a: {  	[tilespmem:s8], [sflag:$0x2] =	stream.indirect.gather @!p0 [spmem:s3], $0x10, s7, s9, $0xb8;
	[tilespmem:$0xE000] =	vst v63  }
0x8b: {  	_ =	swait.ge [sflag:s15], $0x800  }
0x8c: {  	[sflag:s15] =	ssyncset.done $0x0  }
.Ltmp2:
0x8d: {  	s10 =	sadd.s32 $0x2B00, s4;
	[sflag:s15] =	ssyncadd.s32 $0xFFFFF800;
	(pc) =	sbr.rel @p0 .LBB2_4-.Ltmp2, $4  }
0x8e: {  	[spmem:s2] =	stream.indirect.scatter.add.f32 [tilespmem:s29], [sflag:$0xF], $0x10, s10, s16, $0xb8;
	[tilespmem:$0xE000] =	vst v63  }
0x8f: {  	_ =	swait.ge [sflag:s19], $0x800  }
0x90: {  	[sflag:s19] =	ssyncset.done $0x0  }
0x91: {  	s7 =	sadd.s32 $0x2B80, s4;
	[sflag:s19] =	ssyncadd.s32 $0xFFFFF800  }
0x92: {  	s8 =	sadd.s32 $0x500, s4  }
0x93: {  	[tilespmem:s20], [sflag:$0x3] =	stream.indirect.gather [spmem:s3], $0x10, s8, s16, $0xb8;
	[tilespmem:$0xE000] =	vst v63  }
0x94: {  	_ =	swait.ge [sflag:s21], $0x800  }
0x95: {  	[sflag:s21] =	ssyncset.done $0x0  }
0x96: {  	[sflag:s21] =	ssyncadd.s32 $0xFFFFF800  }
0x97: {  	[spmem:s2] =	stream.indirect.scatter.add.f32 [tilespmem:s31], [sflag:$0x10], $0x10, s7, s16, $0xb8;
	[tilespmem:$0xE000] =	vst v63  }
.Ltmp3:
0x98: {  	_ = 	snop;
	(pc) =	sbr.rel .LBB2_2-.Ltmp3, $4  }
0x99: {  	_ =	swait.ge [sflag:s5], $0x800  }
0x9a: {  	[sflag:s5] =	ssyncset.done $0x0  }
0x9b: {  	s10 =	sadd.s32 $0x580, s4;
	s14 =	sadd.s32 $0x1000, s14;
	[sflag:s5] =	ssyncadd.s32 $0xFFFFF800  }
0x9c: {  	[tilespmem:s22], [sflag:$0x4] =	stream.indirect.gather [spmem:s3], $0x10, s10, s16, $0xb8;
	[tilespmem:$0xE000] =	vst v63  }
.LBB2_5:
0x9d: {  	_ =	sfence.sel $0x180000  }
0x9e: {  	[bflag:$0x0] =	sbarrier.arrive $0xFFFF  }
0x9f: {  	_ =	strace $0x9000004D  }
0xa0: {  	s0 =	stileid.u32;
	[bflag:$0x2] =	sbarrier.arrive $0xFFFF  }
0xa1: {  	p0 =	sne.s32 s0, $0x0;
	s0 =	rddreg [dreg:$0x3]  }
0xa2: {  	s0 =	sadd.s32 @!p0 $0x100000, s0  }
0xa3: {  	[sflag:s0] =	ssyncadd.tile.s32 @!p0 $0x1;
	_ =	shalt  }
.Lfunc_end2:
_tile_overlayer_lowered:
.L_overlay_start_2:
0xa4: {  	(tag) =	ssettag $0x2  }
0xa5: {  	s0 =	rddreg [dreg:$0x0];
	s2 =	stileid.u32  }
0xa6: {  	s1 =	rddreg [dreg:$0x1];
	p0 =	sne.s32 s2, $0x0  }
0xa7: {  	s3 =	rddreg [dreg:$0x2];
	[bflag:$0x3] =	sbarrier.arrive $0xFFFF;
	s2 =	simm.s32 @!p0 $0x1C11  }
0xa8: {  	[timem:s3], [sflag:s2] =	dma.local @!p0 [hbm:s0], s1  }
0xa9: {  	s0 =	simm.s32 @!p0 $0x11  }
0xaa: {  	_ =	swait.ge @!p0 [sflag:s0], s1  }
0xab: {  	s1 =	ssub.s32 @!p0 $0x0, s1;
	[sflag:s0] =	ssyncset.done @!p0 $0x0  }
0xac: {  	[sflag:s0] =	ssyncadd.s32 @!p0 s1  }
0xad: {  	[bflag:$0x3] =	sbarrier.arrive $0xFFFF  }
0xae: {  	_ =	shalt  }

// kernel: kernel.8.cloned.1.call-start
scs
__scs_entry_jumppad:
0x0: {  	(pc) =	sbr.rel $0x88, $3  }
0x1: {  	(tag) =	ssettag $0x0;
	lr =	simm.s32 $0x1  }
0x2: {  	[smem:$0x3F98] =	sst lr;
	_ =	strace $0xD0000000  }
0x3: {  	_ = 	snop  }
0x4: {  	_ = 	snop  }
0x5: {  	_ = 	snop  }
0x6: {  	_ = 	snop  }
0x7: {  	_ = 	snop  }
__scs_overlays_trampoline_lowered:
0x8: {  	[smem:$0x3FA7] =	sst s0  }
0x9: {  	[smem:$0x3FA8] =	sst s1  }
0xa: {  	[smem:$0x3FA9] =	sst s2  }
0xb: {  	[smem:$0x3FAA] =	sst s3  }
0xc: {  	[smem:$0x3FAB] =	sst s4  }
0xd: {  	[smem:$0x3FAC] =	sst s5  }
0xe: {  	[smem:$0x3FAD] =	sst s6  }
0xf: {  	[smem:$0x3FAE] =	sst s7  }
0x10: {  	[smem:$0x3FAF] =	sst s8  }
0x11: {  	[smem:$0x3FB0] =	sst s9;
	s0 =	simm.s32 @!p0 $0x0  }
0x12: {  	s1 =	sld [smem:$0x3F96];
	s0 =	simm.s32 @p0 $0x1  }
0x13: {  	[smem:$0x3FB1] =	sst s0;
	s0 =	simm.s32 @!p1 $0x0  }
0x14: {  	s2 =	sld [smem:$0x3F95];
	s0 =	simm.s32 @p1 $0x1  }
0x15: {  	[smem:$0x3FB2] =	sst s0;
	s0 =	simm.s32 @!p2 $0x0  }
0x16: {  	s3 =	sld [smem:$0x3FDB];
	s0 =	simm.s32 @p2 $0x1  }
0x17: {  	s4 =	simm.s32 $0x1BF5;
	[smem:$0x3FB4] =	sst s0  }
0x18: {  	s0 =	sld [smem:$0x3F97];
	_ =	swait.ge [sflag:s4], $0x0  }
0x19: {  	s7 =	sld [smem:$0x3F98]  }
0x1a: {  	s8 =	sadd.s32 $0xFFFFE003, lr  }
0x1b: {  	s9 =	sadd.s32 $0xFFFFFEF7, lr;
	s5 =	simm.s32 $0xFFFFFFFF;
	p2 =	slt.u32 s8, $0xFFFFF086  }
0x1c: {  	p1 =	slt.u32 s9, $0xF7A;
	s5 =	simm.s32 @!p2 $0x0  }
0x1d: {  	s5 =	simm.s32 @p1 $0x1;
	p0 =	seq.s32 s7, s2  }
0x1e: {  	s7 =	smul.u32 @!p0 $0xF7A, s2;
	p2 =	seq.s32 @!p0 s5, $0x0  }
0x1f: {  	s9 =	smul.u32 $0xF7A, s1;
	s8 =	simm.s32 @!p0 $0x1BF5;
	p2 =	por !p2, p0  }
0x20: {  	[sflag:s8] =	ssyncset.s32 @!p0 $0xFFFFF086;
	s6 =	sadd.s32 @!p0 s3, s7;
	s7 =	simm.s32 @!p0 $0x108  }
0x21: {  	s3 =	sadd.s32 s3, s9;
	s6 =	sadd.s32 @!p0 $0x88, s6;
	s7 =	simm.s32 @p2 $0x1082  }
0x22: {  	[simem:s7], [sflag:s8] =	dma.local @!p0 [hbm:s6], $0xF7A  }
0x23: {  	s9 =	sor.u32 $0xD0000000, s2;
	s6 =	simm.s32 $0x108;
	_ =	swait.ge @!p0 [sflag:s8], $0x0  }
0x24: {  	s3 =	sadd.s32 $0x88, s3;
	s6 =	simm.s32 @!p1 $0x1082;
	[sflag:s4] =	ssyncset.s32 $0xFFFFF086  }
0x25: {  	[simem:s6], [sflag:s4] =	dma.local [hbm:s3], $0xF7A  }
0x26: {  	[smem:$0x3F98] =	sst s1;
	(tag) =	ssettag s2;
	_ =	strace s9  }
0x27: {  	s1 =	sld [smem:$0x3FA8]  }
0x28: {  	s2 =	sld [smem:$0x3FA9]  }
0x29: {  	s4 =	sld [smem:$0x3FAB]  }
0x2a: {  	p0 =	seq.s32 s5, $0x0;
	s5 =	sld [smem:$0x3FAC]  }
0x2b: {  	s6 =	sld [smem:$0x3FAD]  }
0x2c: {  	s7 =	sld [smem:$0x3FAE]  }
0x2d: {  	s3 =	simm.s32 $0x108;
	s8 =	sld [smem:$0x3FAF]  }
0x2e: {  	s3 =	simm.s32 @!p0 $0x1082;
	s9 =	sld [smem:$0x3FB0]  }
0x2f: {  	lr =	sadd.s32 s0, s3;
	s0 =	sld [smem:$0x3FA7]  }
0x30: {  	s3 =	sld [smem:$0x3FAA]  }
0x31: {  	[smem:$0x3FB3] =	sst s10  }
0x32: {  	s10 =	sld [smem:$0x3FB1];
	_ =	sdelay $0x3  }
0x33: {  	p0 =	seq.s32 s10, $0x1;
	s10 =	sld [smem:$0x3FB3];
	_ =	sdelay $0x3  }
0x34: {  	[smem:$0x3FB3] =	sst s10  }
0x35: {  	s10 =	sld [smem:$0x3FB2];
	_ =	sdelay $0x3  }
0x36: {  	p1 =	seq.s32 s10, $0x1;
	s10 =	sld [smem:$0x3FB3];
	_ =	sdelay $0x3  }
0x37: {  	[smem:$0x3FB3] =	sst s10  }
0x38: {  	s10 =	sld [smem:$0x3FB4]  }
0x39: {  	_ = 	snop;
	(pc) =	sbr.ind lr, $3  }
0x3a: {  	_ = 	snop  }
0x3b: {  	_ = 	snop  }
0x3c: {  	p2 =	seq.s32 s10, $0x1;
	s10 =	sld [smem:$0x3FB3]  }
0x3d: {  	_ =	shalt  }
0x3e: {  	_ =	shalt  }
0x3f: {  	_ =	shalt  }
0x40: {  	_ =	shalt  }
0x41: {  	_ =	shalt  }
0x42: {  	_ =	shalt  }
0x43: {  	_ =	shalt  }
0x44: {  	_ =	shalt  }
0x45: {  	_ =	shalt  }
0x46: {  	_ =	shalt  }
0x47: {  	_ =	shalt  }
0x48: {  	_ =	shalt  }
0x49: {  	_ =	shalt  }
0x4a: {  	_ =	shalt  }
0x4b: {  	_ =	shalt  }
0x4c: {  	_ =	shalt  }
0x4d: {  	_ =	shalt  }
0x4e: {  	_ =	shalt  }
0x4f: {  	_ =	shalt  }
0x50: {  	_ =	shalt  }
0x51: {  	_ =	shalt  }
0x52: {  	_ =	shalt  }
0x53: {  	_ =	shalt  }
0x54: {  	_ =	shalt  }
0x55: {  	_ =	shalt  }
0x56: {  	_ =	shalt  }
0x57: {  	_ =	shalt  }
0x58: {  	_ =	shalt  }
0x59: {  	_ =	shalt  }
0x5a: {  	_ =	shalt  }
0x5b: {  	_ =	shalt  }
0x5c: {  	_ =	shalt  }
0x5d: {  	_ =	shalt  }
0x5e: {  	_ =	shalt  }
0x5f: {  	_ =	shalt  }
0x60: {  	_ =	shalt  }
0x61: {  	_ =	shalt  }
0x62: {  	_ =	shalt  }
0x63: {  	_ =	shalt  }
0x64: {  	_ =	shalt  }
0x65: {  	_ =	shalt  }
0x66: {  	_ =	shalt  }
0x67: {  	_ =	shalt  }
0x68: {  	_ =	shalt  }
0x69: {  	_ =	shalt  }
0x6a: {  	_ =	shalt  }
0x6b: {  	_ =	shalt  }
0x6c: {  	_ =	shalt  }
0x6d: {  	_ =	shalt  }
0x6e: {  	_ =	shalt  }
0x6f: {  	_ =	shalt  }
0x70: {  	_ =	shalt  }
0x71: {  	_ =	shalt  }
0x72: {  	_ =	shalt  }
0x73: {  	_ =	shalt  }
0x74: {  	_ =	shalt  }
0x75: {  	_ =	shalt  }
0x76: {  	_ =	shalt  }
0x77: {  	_ =	shalt  }
0x78: {  	_ =	shalt  }
0x79: {  	_ =	shalt  }
0x7a: {  	_ =	shalt  }
0x7b: {  	_ =	shalt  }
0x7c: {  	_ =	shalt  }
0x7d: {  	_ =	shalt  }
0x7e: {  	_ =	shalt  }
0x7f: {  	_ =	shalt  }
0x80: {  	_ =	shalt  }
0x81: {  	_ =	shalt  }
0x82: {  	_ =	shalt  }
0x83: {  	_ =	shalt  }
0x84: {  	_ =	shalt  }
0x85: {  	_ =	shalt  }
0x86: {  	_ =	shalt  }
0x87: {  	_ =	shalt  }
.Lfunc_end0:
.L_simem_size_0:
called_computation_lowered:
.L_overlay_start_0:
0x88: {  	s2 =	sld [smem:$0x3FD9]  }
0x89: {  	s3 =	sld [smem:$0x3FFE];
	_ =	sdelay $0x1  }
0x8a: {  	s1 =	srdreg.scid  }
0x8b: {  	s0 =	sand.u32 $0x1, s1  }
0x8c: {  	s17 =	sshll.u32 s0, $0xA;
	s2 =	sadd.s32 s3, s2  }
0x8d: {  	s2 =	sadd.s32 s2, s17  }
0x8e: {  	[smem:$0x3FBF] =	sst s2  }
0x8f: {  	_ = 	snop  }
0x90: {  	s2 =	sld [smem:$0x3FD0];
	(tm) =	ssettm $0x1  }
0x91: {  	s18 =	sld [smem:$0x3FFB];
	_ =	sdelay $0x3  }
0x92: {  	_ =	strace s18  }
0x93: {  	s3 =	sld [smem:$0x3FFC];
	_ =	sdelay $0x3  }
0x94: {  	_ =	strace s3  }
0x95: {  	s3 =	sld [smem:$0x3FFD];
	_ =	sdelay $0x3  }
0x96: {  	_ =	strace s3  }
0x97: {  	_ =	strace $0x8FFFFFFF  }
0x98: {  	s19 =	sld [smem:$0x3FDB];
	_ =	sdelay $0x1  }
0x99: {  	s4 =	simm.s32 $_scs_section_size  }
0x9a: {  	s5 =	simm.s32 $_size__tile_overlayer_lowered;
	s6 =	simm.s32 $_tile_overlayer_lowered  }
0x9b: {  	s22 =	simm.s32 $0x1BFF;
	s21 =	sshll.u32 s6, $0x1;
	s3 =	sadd.s32 s4, s19  }
0x9c: {  	s7 =	simm.s32 $0x0;
	s20 =	sshll.u32 s5, $0x1;
	s5 =	sadd.s32 s21, s3  }
0x9d: {  	[timem:s7], [sflag:s22] =	dma.local [hbm:s5], s20  }
0x9e: {  	_ =	swait.ge [sflag:s22], s20  }
0x9f: {  	s4 =	ssub.s32 $0x0, s20;
	[sflag:s22] =	ssyncset.done $0x0  }
0xa0: {  	[sflag:s22] =	ssyncadd.s32 s4;
	_ =	sdelay $0x1  }
0xa1: {  	s23 =	simm.s32 $0x1B8B  }
0xa2: {  	_ =	swait.ge [sflag:s23], $0x1  }
0xa3: {  	[sflag:s23] =	ssyncset.done $0x0  }
0xa4: {  	s25 =	simm.s32 $0x1B8E;
	s24 =	sld [smem:$0x3FFE];
	[sflag:s23] =	ssyncadd.s32 $0xFFFFFFFF  }
0xa5: {  	s26 =	simm.s32 $execute0_lowered;
	[smem:$0x3FD2] =	sst s25  }
0xa6: {  	s5 =	sshll.u32 s26, $0x1;
	_ =	strace $0x80000046;
	[dreg:$0x1] =	wrdreg $0xFFFFFFFF  }
0xa7: {  	s28 =	simm.s32 $_size_execute0_lowered;
	s3 =	sadd.s32 s3, s5;
	[dreg:$0x0] =	wrdreg $0x0  }
0xa8: {  	s5 =	sshll.u32 s28, $0x1;
	[dreg:$0x2] =	wrdreg s3  }
0xa9: {  	[dreg:$0x3] =	wrdreg s5  }
0xaa: {  	[dreg:$0x4] =	wrdreg $0xC0  }
0xab: {  	_ =	task [dreg:s7], $0x5FFFF  }
0xac: {  	[dreg:$0x1] =	wrdreg $0xFFFFFFFF  }
0xad: {  	[dreg:$0x0] =	wrdreg $0x60  }
0xae: {  	[dreg:$0x2] =	wrdreg s2  }
0xaf: {  	[dreg:$0x3] =	wrdreg s24  }
0xb0: {  	[dreg:$0x4] =	wrdreg $0x28800  }
0xb1: {  	[dreg:$0x5] =	wrdreg $0x9  }
0xb2: {  	_ =	task.clear_ibuf [dreg:s7], $0x6FFFF;
	_ =	strace $0x90000046  }
0xb3: {  	s29 =	simm.s32 $0x9;
	_ =	strace $0x80000048  }
0xb4: {  	_ =	swait.ge [sflag:s29], $0x1  }
0xb5: {  	[sflag:s29] =	ssyncadd.s32 $0xFFFFFFFF  }
0xb6: {  	_ =	strace $0x90000048  }
0xb7: {  	_ =	sfence  }
0xb8: {  	s30 =	sld [smem:$0x0];
	_ =	sdelay $0x2  }
0xb9: {  	s31 =	sshll.u32 s1, $0xD;
	s1 =	sshrl.u32 s1, $0x2  }
0xba: {  	s3 =	sand.u32 $0x4000, s31;
	s1 =	sadd.s32 s1, s30  }
0xbb: {  	s0 =	sor.u32 s3, s0;
	s1 =	sshll.u32 s1, $0x11  }
0xbc: {  	s0 =	sor.u32 s1, s0  }
0xbd: {  	s0 =	sadd.s32 $0x8F2B, s0  }
0xbe: {  	[sflag:s0] =	ssyncadd.remote.s32 $0x1  }
0xbf: {  	_ =	sfence.sel $0xFFFF  }
0xc0: {  	[dreg:$0x0] =	wrdreg $0xFFFFFFFF;
	(pc) =	sbr.abs _section_cstart, $3  }
0xc1: {  	[dreg:$0x1] =	wrdreg $0xFFFFFFFF  }
0xc2: {  	_ =	task.clear_ibuf [dreg:s7], $0x2FFFF;
	_ =	strace $0x9FFFFFFF  }
0xc3: {  	(tm) =	ssettm $0x7FFFFFFF  }
tec
execute0_lowered:
.L_overlay_start_1:
0x0: {  	(tag) =	ssettag $0x1  }
0x1: {  	s1 =	rddreg [dreg:$0x0]  }
0x2: {  	s0 =	srdreg.scid;
	s6 =	rddreg [dreg:$0x1]  }
0x3: {  	s3 =	rddreg [dreg:$0x2];
	s4 =	simm.s32 $0x0;
	s13 =	simm.s32 $0x80  }
0x4: {  	s14 =	simm.s32 $0x100;
	s15 =	simm.s32 $0x180;
	s16 =	simm.s32 $0x1  }
0x5: {  	s17 =	simm.s32 $0x2;
	s18 =	simm.s32 $0x3;
	s19 =	simm.s32 $0x4  }
0x6: {  	s20 =	simm.s32 $0x0;
	s5 =	sand.u32 $0x1, s0;
	s0 =	stileid.u32  }
0x7: {  	[smem:$0x7FF] =	sst s4;
	s2 =	sshll.u32 s5, $0x4;
	s8 =	smul.u32 $0x280, s0  }
0x8: {  	s9 =	smul.u32 $0x2800, s5;
	s5 =	ssub.s32 $0x2, s5;
	s2 =	sor.u32 s0, s2  }
0x9: {  	s31 =	sshll.u32 s0, $0x6;
	s11 =	sshrl.u32 s5, $0x1;
	s7 =	smul.u32 $0x500, s2  }
0xa: {  	s2 =	rddreg [dreg:$0x3];
	_ =	strace $0x80000047;
	s9 =	sadd.s32 s8, s9  }
0xb: {  	s10 =	sshrl.u32 s8, $0x3;
	s11 =	ssub.s32 s5, s11;
	s12 =	sadd.s32 s8, s3  }
0xc: {  	s9 =	sshrl.u32 s9, $0x3;
	s10 =	sadd.s32 s10, s6;
	s7 =	sadd.s32 s7, s6  }
0xd: {  	s9 =	sadd.s32 s9, s6;
	s5 =	sadd.s32 $0xBA00, s10;
	s6 =	sor.u32 $0x1C05, s31  }
0xe: {  	s10 =	sshrl.u32 s12, $0x3;
	s12 =	simm.s32 $0x2800;
	s7 =	sadd.s32 $0x1A00, s7  }
0xf: {  	s8 =	sadd.s32 $0xC000, s9;
	s9 =	smax.u32 s11, $0x1;
	s11 =	simm.s32 $0x5  }
.LBB2_1:
0x10: {  	[spmem:s10], [sflag:s6] =	dma.local [hbm:s5], $0x50  }
0x11: {  	_ =	swait.ge [sflag:s11], $0x50  }
0x12: {  	[sflag:s11] =	ssyncset.done $0x0  }
0x13: {  	[sflag:s11] =	ssyncadd.s32 $0xFFFFFFB0  }
0x14: {  	[tilespmem:s4], [sflag:$0x5] =	stream.linear.gather [hbm4b:s7+s4], $0x2800, $0x38;
	[tilespmem:$0x2B00] =	vst v63  }
0x15: {  	_ =	swait.ge [sflag:s11], $0x2800  }
0x16: {  	[sflag:s11] =	ssyncset.done $0x0  }
0x17: {  	[sflag:s11] =	ssyncadd.s32 $0xFFFFD800  }
0x18: {  	[tilespmem:s12], [sflag:$0x5] =	stream.linear.gather [hbm4b:s1+s4], $0x80, $0x38;
	[tilespmem:$0x2B00] =	vst v63  }
0x19: {  	_ =	swait.ge [sflag:s11], $0x80  }
0x1a: {  	[sflag:s11] =	ssyncset.done $0x0  }
0x1b: {  	[sflag:s11] =	ssyncadd.s32 $0xFFFFFF80  }
0x1c: {  	[bflag:$0x0] =	sbarrier.arrive $0xFFFF  }
0x1d: {  	[spmem:s3] =	stream.indirect.scatter.add.f32 [tilespmem:s12], [sflag:$0x1], $0x1, s4, s13, $0xb8;
	[tilespmem:$0x2B00] =	vst v63  }
0x1e: {  	_ = 	snop  }
0x1f: {  	[spmem:s3] =	stream.indirect.scatter.add.f32 [tilespmem:s12], [sflag:$0x2], $0x1, s13, s13, $0xb8;
	[tilespmem:$0x2B00] =	vst v63  }
0x20: {  	_ = 	snop  }
0x21: {  	[spmem:s3] =	stream.indirect.scatter.add.f32 [tilespmem:s12], [sflag:$0x3], $0x1, s14, s13, $0xb8;
	[tilespmem:$0x2B00] =	vst v63  }
0x22: {  	_ = 	snop  }
0x23: {  	[spmem:s3] =	stream.indirect.scatter.add.f32 [tilespmem:s12], [sflag:$0x4], $0x1, s15, s13, $0xb8;
	[tilespmem:$0x2B00] =	vst v63  }
0x24: {  	_ =	swait.ge [sflag:s16], $0x80  }
0x25: {  	[sflag:s16] =	ssyncset.done $0x0  }
0x26: {  	s21 =	simm.s32 $0x200;
	[sflag:s16] =	ssyncadd.s32 $0xFFFFFF80  }
0x27: {  	[spmem:s3] =	stream.indirect.scatter.add.f32 [tilespmem:s12], [sflag:$0x1], $0x1, s21, s13, $0xb8;
	[tilespmem:$0x2B00] =	vst v63  }
0x28: {  	_ =	swait.ge [sflag:s17], $0x80  }
0x29: {  	[sflag:s17] =	ssyncset.done $0x0  }
0x2a: {  	s30 =	simm.s32 $0x280;
	[sflag:s17] =	ssyncadd.s32 $0xFFFFFF80  }
0x2b: {  	[spmem:s3] =	stream.indirect.scatter.add.f32 [tilespmem:s12], [sflag:$0x2], $0x1, s30, s13, $0xb8;
	[tilespmem:$0x2B00] =	vst v63  }
0x2c: {  	_ =	swait.ge [sflag:s18], $0x80  }
0x2d: {  	[sflag:s18] =	ssyncset.done $0x0  }
0x2e: {  	s31 =	simm.s32 $0x300;
	[sflag:s18] =	ssyncadd.s32 $0xFFFFFF80  }
0x2f: {  	[spmem:s3] =	stream.indirect.scatter.add.f32 [tilespmem:s12], [sflag:$0x3], $0x1, s31, s13, $0xb8;
	[tilespmem:$0x2B00] =	vst v63  }
0x30: {  	_ =	swait.ge [sflag:s19], $0x80  }
0x31: {  	[sflag:s19] =	ssyncset.done $0x0  }
0x32: {  	s22 =	simm.s32 $0x380;
	s21 =	simm.s32 $0xFFFF7000;
	[sflag:s19] =	ssyncadd.s32 $0xFFFFFF80  }
.LBB2_2:
0x33: {  	[spmem:s3] =	stream.indirect.scatter.add.f32 [tilespmem:s12], [sflag:$0x4], $0x1, s22, s13, $0xb8;
	[tilespmem:$0x2B00] =	vst v63  }
0x34: {  	s22 =	smov.u32 s21  }
0x35: {  	p0 =	sne.s32 s21, $0xFFFFF800;
	s21 =	sadd.s32 $0x800, s21;
	_ =	swait.ge [sflag:s16], $0x80  }
0x36: {  	s22 =	sshra.s32 s22, $0x2;
	[sflag:s16] =	ssyncset.done $0x0  }
0x37: {  	s23 =	sadd.s32 $0x2800, s22;
	[sflag:s16] =	ssyncadd.s32 $0xFFFFFF80  }
0x38: {  	[spmem:s3] =	stream.indirect.scatter.add.f32 [tilespmem:s12], [sflag:$0x1], $0x1, s23, s13, $0xb8;
	[tilespmem:$0x2B00] =	vst v63  }
0x39: {  	_ =	swait.ge [sflag:s17], $0x80  }
0x3a: {  	[sflag:s17] =	ssyncset.done $0x0  }
0x3b: {  	s23 =	sadd.s32 $0x2880, s22;
	[sflag:s17] =	ssyncadd.s32 $0xFFFFFF80  }
0x3c: {  	[spmem:s3] =	stream.indirect.scatter.add.f32 [tilespmem:s12], [sflag:$0x2], $0x1, s23, s13, $0xb8;
	[tilespmem:$0x2B00] =	vst v63  }
0x3d: {  	_ =	swait.ge [sflag:s18], $0x80  }
0x3e: {  	[sflag:s18] =	ssyncset.done $0x0  }
.Ltmp0:
0x3f: {  	s23 =	sadd.s32 $0x2900, s22;
	[sflag:s18] =	ssyncadd.s32 $0xFFFFFF80;
	(pc) =	sbr.rel @p0 .LBB2_2-.Ltmp0, $4  }
0x40: {  	[spmem:s3] =	stream.indirect.scatter.add.f32 [tilespmem:s12], [sflag:$0x3], $0x1, s23, s13, $0xb8;
	[tilespmem:$0x2B00] =	vst v63  }
0x41: {  	_ =	swait.ge [sflag:s19], $0x80  }
0x42: {  	[sflag:s19] =	ssyncset.done $0x0  }
0x43: {  	s22 =	sadd.s32 $0x2980, s22;
	[sflag:s19] =	ssyncadd.s32 $0xFFFFFF80  }
0x44: {  	[spmem:s3] =	stream.indirect.scatter.add.f32 [tilespmem:s12], [sflag:$0x4], $0x1, s22, s13, $0xb8;
	[tilespmem:$0x2B00] =	vst v63  }
0x45: {  	_ =	swait.ge [sflag:s16], $0x80  }
0x46: {  	[sflag:s16] =	ssyncset.done $0x0  }
0x47: {  	[sflag:s16] =	ssyncadd.s32 $0xFFFFFF80  }
0x48: {  	_ =	swait.ge [sflag:s17], $0x80  }
0x49: {  	[sflag:s17] =	ssyncset.done $0x0  }
0x4a: {  	[sflag:s17] =	ssyncadd.s32 $0xFFFFFF80  }
0x4b: {  	_ =	swait.ge [sflag:s18], $0x80  }
0x4c: {  	[sflag:s18] =	ssyncset.done $0x0  }
0x4d: {  	[sflag:s18] =	ssyncadd.s32 $0xFFFFFF80  }
0x4e: {  	_ =	swait.ge [sflag:s19], $0x80  }
0x4f: {  	s20 =	sadd.s32 $0x1, s20;
	[sflag:s19] =	ssyncset.done $0x0  }
0x50: {  	p0 =	sne.s32 s20, s9;
	[sflag:s19] =	ssyncadd.s32 $0xFFFFFF80  }
.Ltmp1:
0x51: {  	[bflag:$0x0] =	sbarrier.arrive $0xFFFF;
	(pc) =	sbr.rel @p0 .LBB2_1-.Ltmp1, $4  }
0x52: {  	[hbm:s8], [sflag:s6] =	dma.local [spmem:s10], $0x50  }
0x53: {  	_ =	swait.ge [sflag:s11], $0x50  }
0x54: {  	[sflag:s11] =	ssyncset.done $0x0  }
0x55: {  	[sflag:s11] =	ssyncadd.s32 $0xFFFFFFB0  }
0x56: {  	_ =	sfence.sel $0x180000  }
0x57: {  	[bflag:$0x0] =	sbarrier.arrive $0xFFFF  }
0x58: {  	p0 =	sne.s32 s0, $0x0;
	_ =	strace $0x90000047  }
0x59: {  	s0 =	sadd.s32 @!p0 $0x100000, s2;
	[bflag:$0x2] =	sbarrier.arrive $0xFFFF  }
0x5a: {  	[sflag:s0] =	ssyncadd.tile.s32 @!p0 $0x1;
	_ =	shalt  }
.Lfunc_end2:
_tile_overlayer_lowered:
.L_overlay_start_2:
0x5b: {  	(tag) =	ssettag $0x2  }
0x5c: {  	s0 =	rddreg [dreg:$0x0];
	s2 =	stileid.u32  }
0x5d: {  	s1 =	rddreg [dreg:$0x1];
	p0 =	sne.s32 s2, $0x0  }
0x5e: {  	s3 =	rddreg [dreg:$0x2];
	[bflag:$0x3] =	sbarrier.arrive $0xFFFF;
	s2 =	simm.s32 @!p0 $0x1C05  }
0x5f: {  	[timem:s3], [sflag:s2] =	dma.local @!p0 [hbm:s0], s1  }
0x60: {  	s0 =	simm.s32 @!p0 $0x5  }
0x61: {  	_ =	swait.ge @!p0 [sflag:s0], s1  }
0x62: {  	s1 =	ssub.s32 @!p0 $0x0, s1;
	[sflag:s0] =	ssyncset.done @!p0 $0x0  }
0x63: {  	[sflag:s0] =	ssyncadd.s32 @!p0 s1  }
0x64: {  	[bflag:$0x3] =	sbarrier.arrive $0xFFFF  }
0x65: {  	_ =	shalt  }

</sc_bundles>
